<compile_context>
chip_gen: v7x
topology: tpu7x:2x2x1
jax: 0.10.2.dev20260603
libtpu: 0.0.44.dev20260713+nightly
codegen_flags: <defaults>
</compile_context>

<pallas_src>
import functools

import jax
import jax.numpy as jnp
from jax import lax
from jax.experimental import pallas as pl
from jax.experimental.pallas import tpu as pltpu, tpu_sc as plsc

N_MET = 50000
N_RXN = 50000
E_SUB = 800000
E_ALL = 1600000
HIDDEN = 64
MSG_DIM = 32

N_PAD = 50176
N_ACC = 50432
SLICE = N_ACC // 16
E1P = 819200
E2P = 1638400
CHUNK = 2560

_mesh = plsc.VectorSubcoreMesh(core_axis_name="c", subcore_axis_name="s")
_sc_params = pltpu.CompilerParams(needs_layout_passes=False,
                                  use_tc_tiling_on_sc=False)


def _wid():
    return lax.axis_index("s") * 2 + lax.axis_index("c")


@functools.partial(
    pl.kernel, mesh=_mesh, compiler_params=_sc_params,
    out_type=[jax.ShapeDtypeStruct((E1P,), jnp.float32),
              jax.ShapeDtypeStruct((E1P,), jnp.float32)],
    scratch_types=[pltpu.VMEM((N_MET,), jnp.float32),
                   pltpu.VMEM((N_MET,), jnp.float32),
                   pltpu.VMEM((2 * CHUNK,), jnp.int32),
                   pltpu.VMEM((2 * CHUNK,), jnp.float32),
                   pltpu.VMEM((2 * CHUNK,), jnp.float32)])
def _kern_a(conc_h, ext_h, met_h, c_out, e_out,
            conc_t, ext_t, met_v, c_v, ev):
    c = lax.axis_index("c")
    s = lax.axis_index("s")
    wid = _wid()
    pltpu.sync_copy(conc_h, conc_t)
    pltpu.sync_copy(ext_h, ext_t)

    def chunk(ch, _):
        ebase = wid * 25600 + ch * (2 * CHUNK)
        pltpu.sync_copy(met_h.at[pl.ds(ebase, 2 * CHUNK)], met_v)

        def g(i, _):
            idx = met_v[pl.ds(i * 16, 16)]
            c_v[pl.ds(i * 16, 16)] = plsc.load_gather(conc_t, [idx])
            ev[pl.ds(i * 16, 16)] = plsc.load_gather(ext_t, [idx])
            return 0

        lax.fori_loop(0, 2 * CHUNK // 16, g, 0)
        pltpu.sync_copy(c_v, c_out.at[pl.ds(ebase, 2 * CHUNK)])
        pltpu.sync_copy(ev, e_out.at[pl.ds(ebase, 2 * CHUNK)])
        return 0

    lax.fori_loop(0, 5, chunk, 0)


@functools.partial(
    pl.kernel, mesh=_mesh, compiler_params=_sc_params,
    out_type=[jax.ShapeDtypeStruct((32 * N_ACC,), jnp.float32),
              jax.ShapeDtypeStruct((32 * N_ACC,), jnp.float32)],
    scratch_types=[pltpu.VMEM((2 * CHUNK,), jnp.float32),
                   pltpu.VMEM((2 * CHUNK,), jnp.int32),
                   pltpu.VMEM((N_ACC,), jnp.float32),
                   pltpu.VMEM((N_ACC,), jnp.float32)])
def _kern_a2(ee_h, rxn_h, zt_h, ext_out, cnt_out,
             ev, rxn_v, ext_acc, cnt_acc):
    c = lax.axis_index("c")
    s = lax.axis_index("s")
    wid = _wid()
    pltpu.sync_copy(zt_h, ext_acc)
    pltpu.sync_copy(zt_h, cnt_acc)
    iota = lax.iota(jnp.int32, 16)
    ones = jnp.full((16,), 1.0, jnp.float32)

    def chunk(ch, _):
        ebase = wid * 25600 + ch * (2 * CHUNK)
        pltpu.sync_copy(ee_h.at[pl.ds(ebase, 2 * CHUNK)], ev)
        pltpu.sync_copy(rxn_h.at[pl.ds(ebase, 2 * CHUNK)], rxn_v)

        def g(i, _):
            idx = rxn_v[pl.ds(i * 16, 16)]
            plsc.addupdate_scatter(ext_acc, [idx], ev[pl.ds(i * 16, 16)])
            plsc.addupdate_scatter(cnt_acc, [idx], ones)
            return 0

        lax.fori_loop(0, 2 * CHUNK // 16, g, 0)
        return 0

    lax.fori_loop(0, 5, chunk, 0)
    pltpu.sync_copy(ext_acc, ext_out.at[pl.ds(wid * N_ACC, N_ACC)])
    pltpu.sync_copy(cnt_acc, cnt_out.at[pl.ds(wid * N_ACC, N_ACC)])


HALF = MSG_DIM // 2
EROWS = E1P // 128


@functools.partial(
    pl.kernel, mesh=_mesh, compiler_params=_sc_params,
    out_type=[jax.ShapeDtypeStruct((2, 2 * N_ACC, 8), jnp.float32)],
    scratch_types=[pltpu.VMEM((8, 40, 128), jnp.float32),
                   pltpu.VMEM((2 * CHUNK, 8), jnp.float32),
                   pltpu.VMEM((2 * CHUNK,), jnp.int32),
                   pltpu.VMEM((800, 8), jnp.float32),
                   pltpu.VMEM_SHARED((N_ACC, 8), jnp.float32)])
def _kern_b2(msgt_h, rxn_h, z2_h, hacc_out, mb, msgb2, rxn_v, rb, acc):
    c = lax.axis_index("c")
    s = lax.axis_index("s")
    wid = s
    r0 = s * SLICE
    iota = lax.iota(jnp.int32, 16)

    for q in range(2):
        for off, sz in ((0, 800), (800, 800), (1600, 800), (2400, 752)):
            pltpu.sync_copy(z2_h.at[pl.ds(r0 + off, sz)], rb.at[pl.ds(0, sz)])
            pltpu.sync_copy(rb.at[pl.ds(0, sz)], acc.at[pl.ds(r0 + off, sz)])
        plsc.subcore_barrier()

        def chunk(ch, _):
            ebase = wid * 51200 + ch * (2 * CHUNK)
            jb = ebase // 128
            pltpu.sync_copy(
                msgt_h.at[c, pl.ds(q * 8, 8), pl.ds(jb, 40)], mb)
            pltpu.sync_copy(rxn_h.at[pl.ds(ebase, 2 * CHUNK)], rxn_v)

            def g(i, _):
                rows = i * 16 + iota
                j = lax.shift_right_logical(i, 3)
                lane0 = lax.bitwise_and(i, 7) * 16
                for r in range(8):
                    vec = mb[r, j, pl.ds(lane0, 16)]
                    plsc.store_scatter(
                        msgb2, [rows, jnp.full((16,), r, jnp.int32)], vec)
                return 0

            lax.fori_loop(0, 2 * CHUNK // 16, g, 0)
            pltpu.sync_copy(msgb2, acc.at[rxn_v], add=True)
            return 0

        lax.fori_loop(0, 10, chunk, 0)
        plsc.subcore_barrier()
        for off, sz in ((0, 800), (800, 800), (1600, 800), (2400, 752)):
            pltpu.sync_copy(acc.at[pl.ds(r0 + off, sz)], rb.at[pl.ds(0, sz)])
            pltpu.sync_copy(
                rb.at[pl.ds(0, sz)],
                hacc_out.at[q, pl.ds(c * N_ACC + r0 + off, sz)])
        plsc.subcore_barrier()


@functools.partial(
    pl.kernel, mesh=_mesh, compiler_params=_sc_params,
    out_type=[jax.ShapeDtypeStruct((32 * N_ACC,), jnp.float32)],
    scratch_types=[pltpu.VMEM((N_PAD,), jnp.float32),
                   pltpu.VMEM((2 * CHUNK,), jnp.int32),
                   pltpu.VMEM((2 * CHUNK,), jnp.int32),
                   pltpu.VMEM((2 * CHUNK,), jnp.float32),
                   pltpu.VMEM((N_ACC,), jnp.float32)])
def _kern_d(v_h, rall_h, sall_h, mall_h, zt_h, dx_out,
            vt, rx_v, mt_v, st_v, acc):
    c = lax.axis_index("c")
    s = lax.axis_index("s")
    wid = _wid()
    pltpu.sync_copy(v_h, vt)
    pltpu.sync_copy(zt_h, acc)

    def chunk(ch, _):
        ebase = wid * 51200 + ch * (2 * CHUNK)
        pltpu.sync_copy(rall_h.at[pl.ds(ebase, 2 * CHUNK)], rx_v)
        pltpu.sync_copy(mall_h.at[pl.ds(ebase, 2 * CHUNK)], mt_v)
        pltpu.sync_copy(sall_h.at[pl.ds(ebase, 2 * CHUNK)], st_v)

        def g(i, _):
            idx = rx_v[pl.ds(i * 16, 16)]
            vv = plsc.load_gather(vt, [idx])
            plsc.addupdate_scatter(acc, [mt_v[pl.ds(i * 16, 16)]],
                                   vv * st_v[pl.ds(i * 16, 16)])
            return 0

        lax.fori_loop(0, 2 * CHUNK // 16, g, 0)
        return 0

    lax.fori_loop(0, 10, chunk, 0)
    pltpu.sync_copy(acc, dx_out.at[pl.ds(wid * N_ACC, N_ACC)])


def _b1_body(c_ref, s_ref, w1t_ref, b1_ref, w2t_ref, b2_ref, o_ref):
    w1a = w1t_ref[:, 0:1]
    w1b = w1t_ref[:, 1:2]
    for r in range(8):
        cv = c_ref[r:r + 1, :]
        sv = s_ref[r:r + 1, :]
        ht = jnp.tanh(w1a * cv + w1b * sv + b1_ref[...])
        mt = jnp.dot(w2t_ref[...], ht,
                     preferred_element_type=jnp.float32) + b2_ref[...]
        o_ref[:, :, r * 16:(r + 1) * 16, :] = mt.reshape(2, 16, 16, 128)


def _run_b1(c_e, ssub, W1, b1, W2, b2):
    R = E1P // 2048
    return pl.pallas_call(
        _b1_body,
        grid=(R // 8,),
        in_specs=[pl.BlockSpec((8, 2048), lambda i: (i, 0)),
                  pl.BlockSpec((8, 2048), lambda i: (i, 0)),
                  pl.BlockSpec((HIDDEN, 2), lambda i: (0, 0)),
                  pl.BlockSpec((HIDDEN, 1), lambda i: (0, 0)),
                  pl.BlockSpec((MSG_DIM, HIDDEN), lambda i: (0, 0)),
                  pl.BlockSpec((MSG_DIM, 1), lambda i: (0, 0))],
        out_specs=pl.BlockSpec((2, 16, 8 * 16, 128), lambda i: (0, 0, i, 0)),
        out_shape=jax.ShapeDtypeStruct((2, 16, EROWS, 128), jnp.float32),
    )(c_e.reshape(R, 2048), ssub.reshape(R, 2048), W1.T,
      b1.reshape(HIDDEN, 1), W2.T, b2.reshape(MSG_DIM, 1))


def _b3a_body(h0_ref, h1_ref, h2_ref, h3_ref, w3_ref, b3_ref, w4_ref,
              b4_ref, z_ref):
    h = jnp.concatenate([h0_ref[...], h1_ref[...], h2_ref[...], h3_ref[...]],
                        axis=1)
    hr = jnp.tanh(jnp.dot(h, w3_ref[...],
                          preferred_element_type=jnp.float32) + b3_ref[...])
    z_ref[...] = jnp.dot(hr, w4_ref[...],
                         preferred_element_type=jnp.float32) + b4_ref[...]


def _run_b3a(h0, h1, h2, h3, W3, b3, W4, b4):
    B = 1024
    spec8 = pl.BlockSpec((B, 8), lambda i: (i, 0))
    return pl.pallas_call(
        _b3a_body,
        grid=(N_PAD // B,),
        in_specs=[spec8, spec8, spec8, spec8,
                  pl.BlockSpec((MSG_DIM, HIDDEN), lambda i: (0, 0)),
                  pl.BlockSpec((1, HIDDEN), lambda i: (0, 0)),
                  pl.BlockSpec((HIDDEN, 1), lambda i: (0, 0)),
                  pl.BlockSpec((1, 1), lambda i: (0, 0))],
        out_specs=pl.BlockSpec((B, 1), lambda i: (i, 0)),
        out_shape=jax.ShapeDtypeStruct((N_PAD, 1), jnp.float32),
    )(h0, h1, h2, h3, W3, b3.reshape(1, HIDDEN), W4, b4.reshape(1, 1))


def _b3b_body(z_ref, e_ref, c_ref, lk_ref, v_ref):
    z = z_ref[...]
    base_v = jnp.maximum(z, 0.0) + jnp.log1p(jnp.exp(-jnp.abs(z)))
    cnt = jnp.maximum(jnp.sum(c_ref[...], axis=0), 1.0)
    ext_mean = jnp.sum(e_ref[...], axis=0) / cnt
    k10 = jnp.exp(lk_ref[...] * 2.302585092994046)
    v_ref[...] = k10 * ext_mean * base_v


def _run_b3b(z2d, e32, c32, lk):
    spec = pl.BlockSpec((8, 128), lambda i: (i, 0))
    spec32 = pl.BlockSpec((32, 8, 128), lambda i: (0, i, 0))
    return pl.pallas_call(
        _b3b_body,
        grid=(N_PAD // 1024,),
        in_specs=[spec, spec32, spec32, spec],
        out_specs=spec,
        out_shape=jax.ShapeDtypeStruct((N_PAD // 128, 128), jnp.float32),
    )(z2d, e32, c32, lk)


def _e_body(d_ref, o_ref):
    o_ref[...] = 0.005 * jnp.sum(d_ref[...], axis=0)


def _run_e(d32):
    return pl.pallas_call(
        _e_body,
        grid=(N_PAD // 1024,),
        in_specs=[pl.BlockSpec((32, 8, 128), lambda i: (0, i, 0))],
        out_specs=pl.BlockSpec((8, 128), lambda i: (i, 0)),
        out_shape=jax.ShapeDtypeStruct((N_PAD // 128, 128), jnp.float32),
    )(d32)


def kernel(x, sto_sub, sto_all, log_k, W1, b1, W2, b2, W3, b3, W4, b4,
           met_sub, rxn_sub, met_all, rxn_all):
    f32 = jnp.float32
    i32 = jnp.int32
    conc = x[:, 3]
    ext = x[:, 4]

    p1 = E1P - E_SUB
    sent1 = N_PAD + (jnp.arange(p1, dtype=i32) % 64)
    msub = jnp.concatenate([met_sub.astype(i32), jnp.zeros((p1,), i32)])
    rsub = jnp.concatenate([rxn_sub.astype(i32), sent1])
    ssub = jnp.concatenate([sto_sub, jnp.zeros((p1,), f32)])

    z1 = jnp.zeros((N_ACC,), f32)
    z2 = jnp.zeros((N_ACC, 8), f32)

    c_e, e_e = _kern_a(conc, ext, msub)
    ext_32, cnt_32 = _kern_a2(e_e, rsub, z1)

    msgt = _run_b1(c_e, ssub, W1, b1, W2, b2)

    (hacc,) = _kern_b2(msgt, rsub, z2)

    lk = jnp.concatenate([log_k, jnp.zeros((N_PAD - N_RXN,), f32)])
    z = _run_b3a(hacc[0, :N_PAD], hacc[1, :N_PAD],
                 hacc[0, N_ACC:N_ACC + N_PAD], hacc[1, N_ACC:N_ACC + N_PAD],
                 W3, b3, W4, b4)
    e32 = ext_32.reshape(32, N_ACC)[:, :N_PAD].reshape(32, -1, 128)
    c32 = cnt_32.reshape(32, N_ACC)[:, :N_PAD].reshape(32, -1, 128)
    v = _run_b3b(z.reshape(-1, 128), e32, c32, lk.reshape(-1, 128))

    p2 = E2P - E_ALL
    sent2 = N_PAD + (jnp.arange(p2, dtype=i32) % 64)
    rall = jnp.concatenate([rxn_all.astype(i32), jnp.zeros((p2,), i32)])
    mall = jnp.concatenate([met_all.astype(i32), sent2])
    sall = jnp.concatenate([sto_all, jnp.zeros((p2,), f32)])

    zt = jnp.zeros((N_ACC,), f32)
    (dx,) = _kern_d(v.reshape(N_PAD), rall, sall, mall, zt)

    d32 = dx.reshape(32, N_ACC)[:, :N_PAD].reshape(32, -1, 128)
    out = _run_e(d32)
    return out.reshape(N_PAD, 1)[:N_MET]

# --- scband reference (transcript-rebuilt; emitter-appended) ---
"""Pipeline reference for scband-pde-m2-10144712753408 (READ-ONLY COPY).

The authoritative reference and input builder live on the scoring server;
editing this copy changes nothing except your own understanding.
"""

import jax, jax.numpy as jnp
import numpy as np

N_MET = 50000
N_RXN = 50000
E_SUB = 800000
E_ALL = 1600000
HIDDEN = 64
MSG_DIM = 32


def setup_inputs(seed: int = 0) -> dict:
    key = jax.random.key(seed)
    ks = jax.random.split(key, 16)
    x = jax.random.uniform(ks[0], (N_MET, 8), dtype=jnp.float32)
    met_sub = jax.random.randint(ks[1], (E_SUB,), 0, N_MET)
    rxn_sub = jnp.sort(jax.random.randint(ks[2], (E_SUB,), 0, N_RXN))
    sto_sub = jax.random.uniform(ks[3], (E_SUB,), dtype=jnp.float32)
    met_all = jax.random.randint(ks[4], (E_ALL,), 0, N_MET)
    rxn_all = jax.random.randint(ks[5], (E_ALL,), 0, N_RXN)
    sto_all = jax.random.normal(ks[6], (E_ALL,), dtype=jnp.float32)
    log_k = jax.random.uniform(ks[7], (N_RXN,), minval=-2.0, maxval=1.0, dtype=jnp.float32)
    W1 = jax.random.normal(ks[8], (2, HIDDEN), dtype=jnp.float32) * 0.5
    b1 = jnp.zeros((HIDDEN,), dtype=jnp.float32)
    W2 = jax.random.normal(ks[9], (HIDDEN, MSG_DIM), dtype=jnp.float32) * (1.0 / np.sqrt(HIDDEN))
    b2 = jnp.zeros((MSG_DIM,), dtype=jnp.float32)
    W3 = jax.random.normal(ks[10], (MSG_DIM, HIDDEN), dtype=jnp.float32) * (1.0 / np.sqrt(MSG_DIM))
    b3 = jnp.zeros((HIDDEN,), dtype=jnp.float32)
    W4 = jax.random.normal(ks[11], (HIDDEN, 1), dtype=jnp.float32) * (1.0 / np.sqrt(HIDDEN))
    b4 = jnp.zeros((1,), dtype=jnp.float32)
    return {
        "x": x,
        "sto_sub": sto_sub,
        "sto_all": sto_all,
        "log_k": log_k,
        "W1": W1, "b1": b1, "W2": W2, "b2": b2,
        "W3": W3, "b3": b3, "W4": W4, "b4": b4,
        "met_sub": met_sub,
        "rxn_sub": rxn_sub,
        "met_all": met_all,
        "rxn_all": rxn_all,
    }


def reference(x, sto_sub, sto_all, log_k, W1, b1, W2, b2, W3, b3, W4, b4,
              met_sub, rxn_sub, met_all, rxn_all):
    concentrations = x[:, 3]
    external_input = x[:, 4]
    # per-substrate-edge message input: [conc(src), stoichiometry]
    x_src = concentrations[met_sub][:, None]
    s_abs = sto_sub[:, None]
    msg_in = jnp.concatenate([x_src, s_abs], axis=-1)
    h = jnp.tanh(msg_in @ W1 + b1)
    msg = h @ W2 + b2
    # aggregate substrate messages per reaction (index_add_)
    h_rxn = jax.ops.segment_sum(msg, rxn_sub, num_segments=N_RXN)
    k = jnp.power(10.0, log_k)
    hr = jnp.tanh(h_rxn @ W3 + b3)
    base_v = jax.nn.softplus((hr @ W4 + b4)[:, 0])
    # multiplicative external modulation: mean external input over substrates
    ext_src = external_input[met_sub]
    ext_agg = jax.ops.segment_sum(ext_src, rxn_sub, num_segments=N_RXN)
    n_sub_per_rxn = jnp.clip(
        jax.ops.segment_sum(jnp.ones_like(ext_src), rxn_sub, num_segments=N_RXN),
        1.0, None)
    ext_mean = ext_agg / n_sub_per_rxn
    v = k * ext_mean * base_v
    # distribute reaction rates back to metabolites via full stoichiometry
    contrib = sto_all * v[rxn_all]
    dxdt = jax.ops.segment_sum(contrib, met_all, num_segments=N_MET)
    return 0.005 * dxdt[:, None]

if __name__ == "__main__":
    import jax
    _d = setup_inputs()
    print(jax.jit(kernel)(*tuple(_d.values())))

</pallas_src>

<mosaic_0001>
#map = affine_map<(d0, d1) -> (0, 0, 0, 0)>
#map1 = affine_map<(d0, d1) -> (0)>
#map2 = affine_map<(d0, d1) -> (0, 0)>
#map3 = affine_map<(d0, d1) -> (0, 0, 0)>
module attributes {stable_mosaic.version = 14 : i64} {
  func.func @_kern_b2(%arg0: i32, %arg1: i32, %arg2: memref<2x16x6400x128xf32, #tpu.memory_space<hbm>>, %arg3: memref<819200xi32, #tpu.memory_space<hbm>>, %arg4: memref<50432x8xf32, #tpu.memory_space<hbm>>, %arg5: memref<2x100864x8xf32, #tpu.memory_space<hbm>>, %arg6: memref<8x40x128xf32, #tpu.memory_space<vmem>>, %arg7: memref<5120x8xf32, #tpu.memory_space<vmem>>, %arg8: memref<5120xi32, #tpu.memory_space<vmem>>, %arg9: memref<800x8xf32, #tpu.memory_space<vmem>>, %arg10: memref<50432x8xf32, #tpu.memory_space<vmem_shared>>) attributes {dimension_semantics = [#tpu.dimension_semantics<core_parallel>, #tpu.dimension_semantics<subcore_parallel>], iteration_bounds = array<i64: 2, 16>, scalar_prefetch = 0 : i64, scratch_operands = 5 : i64, tpu.core_type = #tpu.core_type<sc_vector_subcore>, window_params = [{transform_indices = #map}, {transform_indices = #map1}, {transform_indices = #map2}, {transform_indices = #map3}]} {
    %mul3A = arith.constant 3152 : i32
    %mul3A_0 = arith.muli %arg1, %mul3A : i32
    %iota3A = tpu.iota {dimensions = array<i32: 0>} : vector<16xi32>
    %add3A = arith.constant 0 : i32
    %add3A_1 = arith.addi %mul3A_0, %add3A : i32
    "tpu.region"() ({
      %run_scoped3A_113 = tpu.sem_alloc : memref<!tpu.dma_semaphore, #tpu.memory_space<semaphore_mem>>
      %dma_start3A = arith.constant 0 : i32
      %dma_start3A_114 = arith.constant 0 : i32
      %dma_start3A_115 = tpu.memref_slice %arg9[%dma_start3A, %dma_start3A_114] : memref<800x8xf32, #tpu.memory_space<vmem>> -> memref<800x8xf32, #tpu.memory_space<vmem>>
      %dma_start3A_116 = arith.constant 0 : i32
      %dma_start3A_117 = tpu.memref_slice %arg4[%add3A_1, %dma_start3A_116] : memref<50432x8xf32, #tpu.memory_space<hbm>> -> memref<800x8xf32, #tpu.memory_space<hbm>>
      %dma_start3A_118 = arith.constant 0 : i32
      %dma_start3A_119 = arith.constant 0 : i32
      %dma_start3A_120 = tpu.memref_slice %arg9[%dma_start3A_118, %dma_start3A_119] : memref<800x8xf32, #tpu.memory_space<vmem>> -> memref<800x8xf32, #tpu.memory_space<vmem>>
      %dma_start3A_121 = arith.constant 0 : i32
      %dma_start3A_122 = tpu.memref_slice %arg4[%add3A_1, %dma_start3A_121] : memref<50432x8xf32, #tpu.memory_space<hbm>> -> memref<800x8xf32, #tpu.memory_space<hbm>>
      tpu.enqueue_dma source(%dma_start3A_122 : memref<800x8xf32, #tpu.memory_space<hbm>>) target(%dma_start3A_120 : memref<800x8xf32, #tpu.memory_space<vmem>>) target_semaphore(%run_scoped3A_113 : memref<!tpu.dma_semaphore, #tpu.memory_space<semaphore_mem>>)
      %dma_wait3A = arith.constant 0 : i32
      %dma_wait3A_123 = arith.constant 0 : i32
      %dma_wait3A_124 = tpu.memref_slice %arg9[%dma_wait3A, %dma_wait3A_123] : memref<800x8xf32, #tpu.memory_space<vmem>> -> memref<800x8xf32, #tpu.memory_space<vmem>>
      %dma_wait3A_125 = arith.constant 0 : i32
      %dma_wait3A_126 = tpu.memref_slice %arg4[%add3A_1, %dma_wait3A_125] : memref<50432x8xf32, #tpu.memory_space<hbm>> -> memref<800x8xf32, #tpu.memory_space<hbm>>
      %dma_wait3A_127 = arith.constant 0 : i32
      %dma_wait3A_128 = arith.constant 0 : i32
      %dma_wait3A_129 = tpu.memref_slice %arg9[%dma_wait3A_127, %dma_wait3A_128] : memref<800x8xf32, #tpu.memory_space<vmem>> -> memref<800x8xf32, #tpu.memory_space<vmem>>
      %dma_wait3A_130 = arith.constant 0 : i32
      %dma_wait3A_131 = tpu.memref_slice %arg4[%add3A_1, %dma_wait3A_130] : memref<50432x8xf32, #tpu.memory_space<hbm>> -> memref<800x8xf32, #tpu.memory_space<hbm>>
      tpu.wait_dma2 semaphore(%run_scoped3A_113 : memref<!tpu.dma_semaphore, #tpu.memory_space<semaphore_mem>>) src(%dma_wait3A_131 : memref<800x8xf32, #tpu.memory_space<hbm>>) dst(%dma_wait3A_129 : memref<800x8xf32, #tpu.memory_space<vmem>>)
      tpu.yield
    }) : () -> ()
    %add3A_2 = arith.constant 0 : i32
    %add3A_3 = arith.addi %mul3A_0, %add3A_2 : i32
    "tpu.region"() ({
      %run_scoped3A_113 = tpu.sem_alloc : memref<!tpu.dma_semaphore, #tpu.memory_space<semaphore_mem>>
      %dma_start3A = arith.constant 0 : i32
      %dma_start3A_114 = arith.constant 0 : i32
      %dma_start3A_115 = tpu.memref_slice %arg9[%dma_start3A, %dma_start3A_114] : memref<800x8xf32, #tpu.memory_space<vmem>> -> memref<800x8xf32, #tpu.memory_space<vmem>>
      %dma_start3A_116 = arith.constant 0 : i32
      %dma_start3A_117 = tpu.memref_slice %arg10[%add3A_3, %dma_start3A_116] : memref<50432x8xf32, #tpu.memory_space<vmem_shared>> -> memref<800x8xf32, #tpu.memory_space<vmem_shared>>
      %dma_start3A_118 = arith.constant 0 : i32
      %dma_start3A_119 = tpu.memref_slice %arg10[%add3A_3, %dma_start3A_118] : memref<50432x8xf32, #tpu.memory_space<vmem_shared>> -> memref<800x8xf32, #tpu.memory_space<vmem_shared>>
      %dma_start3A_120 = arith.constant 0 : i32
      %dma_start3A_121 = arith.constant 0 : i32
      %dma_start3A_122 = tpu.memref_slice %arg9[%dma_start3A_120, %dma_start3A_121] : memref<800x8xf32, #tpu.memory_space<vmem>> -> memref<800x8xf32, #tpu.memory_space<vmem>>
      tpu.enqueue_dma source(%dma_start3A_122 : memref<800x8xf32, #tpu.memory_space<vmem>>) target(%dma_start3A_119 : memref<800x8xf32, #tpu.memory_space<vmem_shared>>) target_semaphore(%run_scoped3A_113 : memref<!tpu.dma_semaphore, #tpu.memory_space<semaphore_mem>>)
      %dma_wait3A = arith.constant 0 : i32
      %dma_wait3A_123 = arith.constant 0 : i32
      %dma_wait3A_124 = tpu.memref_slice %arg9[%dma_wait3A, %dma_wait3A_123] : memref<800x8xf32, #tpu.memory_space<vmem>> -> memref<800x8xf32, #tpu.memory_space<vmem>>
      %dma_wait3A_125 = arith.constant 0 : i32
      %dma_wait3A_126 = tpu.memref_slice %arg10[%add3A_3, %dma_wait3A_125] : memref<50432x8xf32, #tpu.memory_space<vmem_shared>> -> memref<800x8xf32, #tpu.memory_space<vmem_shared>>
      %dma_wait3A_127 = arith.constant 0 : i32
      %dma_wait3A_128 = tpu.memref_slice %arg10[%add3A_3, %dma_wait3A_127] : memref<50432x8xf32, #tpu.memory_space<vmem_shared>> -> memref<800x8xf32, #tpu.memory_space<vmem_shared>>
      %dma_wait3A_129 = arith.constant 0 : i32
      %dma_wait3A_130 = arith.constant 0 : i32
      %dma_wait3A_131 = tpu.memref_slice %arg9[%dma_wait3A_129, %dma_wait3A_130] : memref<800x8xf32, #tpu.memory_space<vmem>> -> memref<800x8xf32, #tpu.memory_space<vmem>>
      tpu.wait_dma2 semaphore(%run_scoped3A_113 : memref<!tpu.dma_semaphore, #tpu.memory_space<semaphore_mem>>) src(%dma_wait3A_131 : memref<800x8xf32, #tpu.memory_space<vmem>>) dst(%dma_wait3A_128 : memref<800x8xf32, #tpu.memory_space<vmem_shared>>)
      tpu.yield
    }) : () -> ()
    %add3A_4 = arith.constant 800 : i32
    %add3A_5 = arith.addi %mul3A_0, %add3A_4 : i32
    "tpu.region"() ({
      %run_scoped3A_113 = tpu.sem_alloc : memref<!tpu.dma_semaphore, #tpu.memory_space<semaphore_mem>>
      %dma_start3A = arith.constant 0 : i32
      %dma_start3A_114 = arith.constant 0 : i32
      %dma_start3A_115 = tpu.memref_slice %arg9[%dma_start3A, %dma_start3A_114] : memref<800x8xf32, #tpu.memory_space<vmem>> -> memref<800x8xf32, #tpu.memory_space<vmem>>
      %dma_start3A_116 = arith.constant 0 : i32
      %dma_start3A_117 = tpu.memref_slice %arg4[%add3A_5, %dma_start3A_116] : memref<50432x8xf32, #tpu.memory_space<hbm>> -> memref<800x8xf32, #tpu.memory_space<hbm>>
      %dma_start3A_118 = arith.constant 0 : i32
      %dma_start3A_119 = arith.constant 0 : i32
      %dma_start3A_120 = tpu.memref_slice %arg9[%dma_start3A_118, %dma_start3A_119] : memref<800x8xf32, #tpu.memory_space<vmem>> -> memref<800x8xf32, #tpu.memory_space<vmem>>
      %dma_start3A_121 = arith.constant 0 : i32
      %dma_start3A_122 = tpu.memref_slice %arg4[%add3A_5, %dma_start3A_121] : memref<50432x8xf32, #tpu.memory_space<hbm>> -> memref<800x8xf32, #tpu.memory_space<hbm>>
      tpu.enqueue_dma source(%dma_start3A_122 : memref<800x8xf32, #tpu.memory_space<hbm>>) target(%dma_start3A_120 : memref<800x8xf32, #tpu.memory_space<vmem>>) target_semaphore(%run_scoped3A_113 : memref<!tpu.dma_semaphore, #tpu.memory_space<semaphore_mem>>)
      %dma_wait3A = arith.constant 0 : i32
      %dma_wait3A_123 = arith.constant 0 : i32
      %dma_wait3A_124 = tpu.memref_slice %arg9[%dma_wait3A, %dma_wait3A_123] : memref<800x8xf32, #tpu.memory_space<vmem>> -> memref<800x8xf32, #tpu.memory_space<vmem>>
      %dma_wait3A_125 = arith.constant 0 : i32
      %dma_wait3A_126 = tpu.memref_slice %arg4[%add3A_5, %dma_wait3A_125] : memref<50432x8xf32, #tpu.memory_space<hbm>> -> memref<800x8xf32, #tpu.memory_space<hbm>>
      %dma_wait3A_127 = arith.constant 0 : i32
      %dma_wait3A_128 = arith.constant 0 : i32
      %dma_wait3A_129 = tpu.memref_slice %arg9[%dma_wait3A_127, %dma_wait3A_128] : memref<800x8xf32, #tpu.memory_space<vmem>> -> memref<800x8xf32, #tpu.memory_space<vmem>>
      %dma_wait3A_130 = arith.constant 0 : i32
      %dma_wait3A_131 = tpu.memref_slice %arg4[%add3A_5, %dma_wait3A_130] : memref<50432x8xf32, #tpu.memory_space<hbm>> -> memref<800x8xf32, #tpu.memory_space<hbm>>
      tpu.wait_dma2 semaphore(%run_scoped3A_113 : memref<!tpu.dma_semaphore, #tpu.memory_space<semaphore_mem>>) src(%dma_wait3A_131 : memref<800x8xf32, #tpu.memory_space<hbm>>) dst(%dma_wait3A_129 : memref<800x8xf32, #tpu.memory_space<vmem>>)
      tpu.yield
    }) : () -> ()
    %add3A_6 = arith.constant 800 : i32
    %add3A_7 = arith.addi %mul3A_0, %add3A_6 : i32
    "tpu.region"() ({
      %run_scoped3A_113 = tpu.sem_alloc : memref<!tpu.dma_semaphore, #tpu.memory_space<semaphore_mem>>
      %dma_start3A = arith.constant 0 : i32
      %dma_start3A_114 = arith.constant 0 : i32
      %dma_start3A_115 = tpu.memref_slice %arg9[%dma_start3A, %dma_start3A_114] : memref<800x8xf32, #tpu.memory_space<vmem>> -> memref<800x8xf32, #tpu.memory_space<vmem>>
      %dma_start3A_116 = arith.constant 0 : i32
      %dma_start3A_117 = tpu.memref_slice %arg10[%add3A_7, %dma_start3A_116] : memref<50432x8xf32, #tpu.memory_space<vmem_shared>> -> memref<800x8xf32, #tpu.memory_space<vmem_shared>>
      %dma_start3A_118 = arith.constant 0 : i32
      %dma_start3A_119 = tpu.memref_slice %arg10[%add3A_7, %dma_start3A_118] : memref<50432x8xf32, #tpu.memory_space<vmem_shared>> -> memref<800x8xf32, #tpu.memory_space<vmem_shared>>
      %dma_start3A_120 = arith.constant 0 : i32
      %dma_start3A_121 = arith.constant 0 : i32
      %dma_start3A_122 = tpu.memref_slice %arg9[%dma_start3A_120, %dma_start3A_121] : memref<800x8xf32, #tpu.memory_space<vmem>> -> memref<800x8xf32, #tpu.memory_space<vmem>>
      tpu.enqueue_dma source(%dma_start3A_122 : memref<800x8xf32, #tpu.memory_space<vmem>>) target(%dma_start3A_119 : memref<800x8xf32, #tpu.memory_space<vmem_shared>>) target_semaphore(%run_scoped3A_113 : memref<!tpu.dma_semaphore, #tpu.memory_space<semaphore_mem>>)
      %dma_wait3A = arith.constant 0 : i32
      %dma_wait3A_123 = arith.constant 0 : i32
      %dma_wait3A_124 = tpu.memref_slice %arg9[%dma_wait3A, %dma_wait3A_123] : memref<800x8xf32, #tpu.memory_space<vmem>> -> memref<800x8xf32, #tpu.memory_space<vmem>>
      %dma_wait3A_125 = arith.constant 0 : i32
      %dma_wait3A_126 = tpu.memref_slice %arg10[%add3A_7, %dma_wait3A_125] : memref<50432x8xf32, #tpu.memory_space<vmem_shared>> -> memref<800x8xf32, #tpu.memory_space<vmem_shared>>
      %dma_wait3A_127 = arith.constant 0 : i32
      %dma_wait3A_128 = tpu.memref_slice %arg10[%add3A_7, %dma_wait3A_127] : memref<50432x8xf32, #tpu.memory_space<vmem_shared>> -> memref<800x8xf32, #tpu.memory_space<vmem_shared>>
      %dma_wait3A_129 = arith.constant 0 : i32
      %dma_wait3A_130 = arith.constant 0 : i32
      %dma_wait3A_131 = tpu.memref_slice %arg9[%dma_wait3A_129, %dma_wait3A_130] : memref<800x8xf32, #tpu.memory_space<vmem>> -> memref<800x8xf32, #tpu.memory_space<vmem>>
      tpu.wait_dma2 semaphore(%run_scoped3A_113 : memref<!tpu.dma_semaphore, #tpu.memory_space<semaphore_mem>>) src(%dma_wait3A_131 : memref<800x8xf32, #tpu.memory_space<vmem>>) dst(%dma_wait3A_128 : memref<800x8xf32, #tpu.memory_space<vmem_shared>>)
      tpu.yield
    }) : () -> ()
    %add3A_8 = arith.constant 1600 : i32
    %add3A_9 = arith.addi %mul3A_0, %add3A_8 : i32
    "tpu.region"() ({
      %run_scoped3A_113 = tpu.sem_alloc : memref<!tpu.dma_semaphore, #tpu.memory_space<semaphore_mem>>
      %dma_start3A = arith.constant 0 : i32
      %dma_start3A_114 = arith.constant 0 : i32
      %dma_start3A_115 = tpu.memref_slice %arg9[%dma_start3A, %dma_start3A_114] : memref<800x8xf32, #tpu.memory_space<vmem>> -> memref<800x8xf32, #tpu.memory_space<vmem>>
      %dma_start3A_116 = arith.constant 0 : i32
      %dma_start3A_117 = tpu.memref_slice %arg4[%add3A_9, %dma_start3A_116] : memref<50432x8xf32, #tpu.memory_space<hbm>> -> memref<800x8xf32, #tpu.memory_space<hbm>>
      %dma_start3A_118 = arith.constant 0 : i32
      %dma_start3A_119 = arith.constant 0 : i32
      %dma_start3A_120 = tpu.memref_slice %arg9[%dma_start3A_118, %dma_start3A_119] : memref<800x8xf32, #tpu.memory_space<vmem>> -> memref<800x8xf32, #tpu.memory_space<vmem>>
      %dma_start3A_121 = arith.constant 0 : i32
      %dma_start3A_122 = tpu.memref_slice %arg4[%add3A_9, %dma_start3A_121] : memref<50432x8xf32, #tpu.memory_space<hbm>> -> memref<800x8xf32, #tpu.memory_space<hbm>>
      tpu.enqueue_dma source(%dma_start3A_122 : memref<800x8xf32, #tpu.memory_space<hbm>>) target(%dma_start3A_120 : memref<800x8xf32, #tpu.memory_space<vmem>>) target_semaphore(%run_scoped3A_113 : memref<!tpu.dma_semaphore, #tpu.memory_space<semaphore_mem>>)
      %dma_wait3A = arith.constant 0 : i32
      %dma_wait3A_123 = arith.constant 0 : i32
      %dma_wait3A_124 = tpu.memref_slice %arg9[%dma_wait3A, %dma_wait3A_123] : memref<800x8xf32, #tpu.memory_space<vmem>> -> memref<800x8xf32, #tpu.memory_space<vmem>>
      %dma_wait3A_125 = arith.constant 0 : i32
      %dma_wait3A_126 = tpu.memref_slice %arg4[%add3A_9, %dma_wait3A_125] : memref<50432x8xf32, #tpu.memory_space<hbm>> -> memref<800x8xf32, #tpu.memory_space<hbm>>
      %dma_wait3A_127 = arith.constant 0 : i32
      %dma_wait3A_128 = arith.constant 0 : i32
      %dma_wait3A_129 = tpu.memref_slice %arg9[%dma_wait3A_127, %dma_wait3A_128] : memref<800x8xf32, #tpu.memory_space<vmem>> -> memref<800x8xf32, #tpu.memory_space<vmem>>
      %dma_wait3A_130 = arith.constant 0 : i32
      %dma_wait3A_131 = tpu.memref_slice %arg4[%add3A_9, %dma_wait3A_130] : memref<50432x8xf32, #tpu.memory_space<hbm>> -> memref<800x8xf32, #tpu.memory_space<hbm>>
      tpu.wait_dma2 semaphore(%run_scoped3A_113 : memref<!tpu.dma_semaphore, #tpu.memory_space<semaphore_mem>>) src(%dma_wait3A_131 : memref<800x8xf32, #tpu.memory_space<hbm>>) dst(%dma_wait3A_129 : memref<800x8xf32, #tpu.memory_space<vmem>>)
      tpu.yield
    }) : () -> ()
    %add3A_10 = arith.constant 1600 : i32
    %add3A_11 = arith.addi %mul3A_0, %add3A_10 : i32
    "tpu.region"() ({
      %run_scoped3A_113 = tpu.sem_alloc : memref<!tpu.dma_semaphore, #tpu.memory_space<semaphore_mem>>
      %dma_start3A = arith.constant 0 : i32
      %dma_start3A_114 = arith.constant 0 : i32
      %dma_start3A_115 = tpu.memref_slice %arg9[%dma_start3A, %dma_start3A_114] : memref<800x8xf32, #tpu.memory_space<vmem>> -> memref<800x8xf32, #tpu.memory_space<vmem>>
      %dma_start3A_116 = arith.constant 0 : i32
      %dma_start3A_117 = tpu.memref_slice %arg10[%add3A_11, %dma_start3A_116] : memref<50432x8xf32, #tpu.memory_space<vmem_shared>> -> memref<800x8xf32, #tpu.memory_space<vmem_shared>>
      %dma_start3A_118 = arith.constant 0 : i32
      %dma_start3A_119 = tpu.memref_slice %arg10[%add3A_11, %dma_start3A_118] : memref<50432x8xf32, #tpu.memory_space<vmem_shared>> -> memref<800x8xf32, #tpu.memory_space<vmem_shared>>
      %dma_start3A_120 = arith.constant 0 : i32
      %dma_start3A_121 = arith.constant 0 : i32
      %dma_start3A_122 = tpu.memref_slice %arg9[%dma_start3A_120, %dma_start3A_121] : memref<800x8xf32, #tpu.memory_space<vmem>> -> memref<800x8xf32, #tpu.memory_space<vmem>>
      tpu.enqueue_dma source(%dma_start3A_122 : memref<800x8xf32, #tpu.memory_space<vmem>>) target(%dma_start3A_119 : memref<800x8xf32, #tpu.memory_space<vmem_shared>>) target_semaphore(%run_scoped3A_113 : memref<!tpu.dma_semaphore, #tpu.memory_space<semaphore_mem>>)
      %dma_wait3A = arith.constant 0 : i32
      %dma_wait3A_123 = arith.constant 0 : i32
      %dma_wait3A_124 = tpu.memref_slice %arg9[%dma_wait3A, %dma_wait3A_123] : memref<800x8xf32, #tpu.memory_space<vmem>> -> memref<800x8xf32, #tpu.memory_space<vmem>>
      %dma_wait3A_125 = arith.constant 0 : i32
      %dma_wait3A_126 = tpu.memref_slice %arg10[%add3A_11, %dma_wait3A_125] : memref<50432x8xf32, #tpu.memory_space<vmem_shared>> -> memref<800x8xf32, #tpu.memory_space<vmem_shared>>
      %dma_wait3A_127 = arith.constant 0 : i32
      %dma_wait3A_128 = tpu.memref_slice %arg10[%add3A_11, %dma_wait3A_127] : memref<50432x8xf32, #tpu.memory_space<vmem_shared>> -> memref<800x8xf32, #tpu.memory_space<vmem_shared>>
      %dma_wait3A_129 = arith.constant 0 : i32
      %dma_wait3A_130 = arith.constant 0 : i32
      %dma_wait3A_131 = tpu.memref_slice %arg9[%dma_wait3A_129, %dma_wait3A_130] : memref<800x8xf32, #tpu.memory_space<vmem>> -> memref<800x8xf32, #tpu.memory_space<vmem>>
      tpu.wait_dma2 semaphore(%run_scoped3A_113 : memref<!tpu.dma_semaphore, #tpu.memory_space<semaphore_mem>>) src(%dma_wait3A_131 : memref<800x8xf32, #tpu.memory_space<vmem>>) dst(%dma_wait3A_128 : memref<800x8xf32, #tpu.memory_space<vmem_shared>>)
      tpu.yield
    }) : () -> ()
    %add3A_12 = arith.constant 2400 : i32
    %add3A_13 = arith.addi %mul3A_0, %add3A_12 : i32
    "tpu.region"() ({
      %run_scoped3A_113 = tpu.sem_alloc : memref<!tpu.dma_semaphore, #tpu.memory_space<semaphore_mem>>
      %dma_start3A = arith.constant 0 : i32
      %dma_start3A_114 = arith.constant 0 : i32
      %dma_start3A_115 = tpu.memref_slice %arg9[%dma_start3A, %dma_start3A_114] : memref<800x8xf32, #tpu.memory_space<vmem>> -> memref<752x8xf32, #tpu.memory_space<vmem>>
      %dma_start3A_116 = arith.constant 0 : i32
      %dma_start3A_117 = tpu.memref_slice %arg4[%add3A_13, %dma_start3A_116] : memref<50432x8xf32, #tpu.memory_space<hbm>> -> memref<752x8xf32, #tpu.memory_space<hbm>>
      %dma_start3A_118 = arith.constant 0 : i32
      %dma_start3A_119 = arith.constant 0 : i32
      %dma_start3A_120 = tpu.memref_slice %arg9[%dma_start3A_118, %dma_start3A_119] : memref<800x8xf32, #tpu.memory_space<vmem>> -> memref<752x8xf32, #tpu.memory_space<vmem>>
      %dma_start3A_121 = arith.constant 0 : i32
      %dma_start3A_122 = tpu.memref_slice %arg4[%add3A_13, %dma_start3A_121] : memref<50432x8xf32, #tpu.memory_space<hbm>> -> memref<752x8xf32, #tpu.memory_space<hbm>>
      tpu.enqueue_dma source(%dma_start3A_122 : memref<752x8xf32, #tpu.memory_space<hbm>>) target(%dma_start3A_120 : memref<752x8xf32, #tpu.memory_space<vmem>>) target_semaphore(%run_scoped3A_113 : memref<!tpu.dma_semaphore, #tpu.memory_space<semaphore_mem>>)
      %dma_wait3A = arith.constant 0 : i32
      %dma_wait3A_123 = arith.constant 0 : i32
      %dma_wait3A_124 = tpu.memref_slice %arg9[%dma_wait3A, %dma_wait3A_123] : memref<800x8xf32, #tpu.memory_space<vmem>> -> memref<752x8xf32, #tpu.memory_space<vmem>>
      %dma_wait3A_125 = arith.constant 0 : i32
      %dma_wait3A_126 = tpu.memref_slice %arg4[%add3A_13, %dma_wait3A_125] : memref<50432x8xf32, #tpu.memory_space<hbm>> -> memref<752x8xf32, #tpu.memory_space<hbm>>
      %dma_wait3A_127 = arith.constant 0 : i32
      %dma_wait3A_128 = arith.constant 0 : i32
      %dma_wait3A_129 = tpu.memref_slice %arg9[%dma_wait3A_127, %dma_wait3A_128] : memref<800x8xf32, #tpu.memory_space<vmem>> -> memref<752x8xf32, #tpu.memory_space<vmem>>
      %dma_wait3A_130 = arith.constant 0 : i32
      %dma_wait3A_131 = tpu.memref_slice %arg4[%add3A_13, %dma_wait3A_130] : memref<50432x8xf32, #tpu.memory_space<hbm>> -> memref<752x8xf32, #tpu.memory_space<hbm>>
      tpu.wait_dma2 semaphore(%run_scoped3A_113 : memref<!tpu.dma_semaphore, #tpu.memory_space<semaphore_mem>>) src(%dma_wait3A_131 : memref<752x8xf32, #tpu.memory_space<hbm>>) dst(%dma_wait3A_129 : memref<752x8xf32, #tpu.memory_space<vmem>>)
      tpu.yield
    }) : () -> ()
    %add3A_14 = arith.constant 2400 : i32
    %add3A_15 = arith.addi %mul3A_0, %add3A_14 : i32
    "tpu.region"() ({
      %run_scoped3A_113 = tpu.sem_alloc : memref<!tpu.dma_semaphore, #tpu.memory_space<semaphore_mem>>
      %dma_start3A = arith.constant 0 : i32
      %dma_start3A_114 = arith.constant 0 : i32
      %dma_start3A_115 = tpu.memref_slice %arg9[%dma_start3A, %dma_start3A_114] : memref<800x8xf32, #tpu.memory_space<vmem>> -> memref<752x8xf32, #tpu.memory_space<vmem>>
      %dma_start3A_116 = arith.constant 0 : i32
      %dma_start3A_117 = tpu.memref_slice %arg10[%add3A_15, %dma_start3A_116] : memref<50432x8xf32, #tpu.memory_space<vmem_shared>> -> memref<752x8xf32, #tpu.memory_space<vmem_shared>>
      %dma_start3A_118 = arith.constant 0 : i32
      %dma_start3A_119 = tpu.memref_slice %arg10[%add3A_15, %dma_start3A_118] : memref<50432x8xf32, #tpu.memory_space<vmem_shared>> -> memref<752x8xf32, #tpu.memory_space<vmem_shared>>
      %dma_start3A_120 = arith.constant 0 : i32
      %dma_start3A_121 = arith.constant 0 : i32
      %dma_start3A_122 = tpu.memref_slice %arg9[%dma_start3A_120, %dma_start3A_121] : memref<800x8xf32, #tpu.memory_space<vmem>> -> memref<752x8xf32, #tpu.memory_space<vmem>>
      tpu.enqueue_dma source(%dma_start3A_122 : memref<752x8xf32, #tpu.memory_space<vmem>>) target(%dma_start3A_119 : memref<752x8xf32, #tpu.memory_space<vmem_shared>>) target_semaphore(%run_scoped3A_113 : memref<!tpu.dma_semaphore, #tpu.memory_space<semaphore_mem>>)
      %dma_wait3A = arith.constant 0 : i32
      %dma_wait3A_123 = arith.constant 0 : i32
      %dma_wait3A_124 = tpu.memref_slice %arg9[%dma_wait3A, %dma_wait3A_123] : memref<800x8xf32, #tpu.memory_space<vmem>> -> memref<752x8xf32, #tpu.memory_space<vmem>>
      %dma_wait3A_125 = arith.constant 0 : i32
      %dma_wait3A_126 = tpu.memref_slice %arg10[%add3A_15, %dma_wait3A_125] : memref<50432x8xf32, #tpu.memory_space<vmem_shared>> -> memref<752x8xf32, #tpu.memory_space<vmem_shared>>
      %dma_wait3A_127 = arith.constant 0 : i32
      %dma_wait3A_128 = tpu.memref_slice %arg10[%add3A_15, %dma_wait3A_127] : memref<50432x8xf32, #tpu.memory_space<vmem_shared>> -> memref<752x8xf32, #tpu.memory_space<vmem_shared>>
      %dma_wait3A_129 = arith.constant 0 : i32
      %dma_wait3A_130 = arith.constant 0 : i32
      %dma_wait3A_131 = tpu.memref_slice %arg9[%dma_wait3A_129, %dma_wait3A_130] : memref<800x8xf32, #tpu.memory_space<vmem>> -> memref<752x8xf32, #tpu.memory_space<vmem>>
      tpu.wait_dma2 semaphore(%run_scoped3A_113 : memref<!tpu.dma_semaphore, #tpu.memory_space<semaphore_mem>>) src(%dma_wait3A_131 : memref<752x8xf32, #tpu.memory_space<vmem>>) dst(%dma_wait3A_128 : memref<752x8xf32, #tpu.memory_space<vmem_shared>>)
      tpu.yield
    }) : () -> ()
    %barrier3A = arith.constant 0 : index
    tpu.barrier barrier_id(%barrier3A)
    %scan3A = arith.constant 0 : i32
    %scan3A_16 = arith.constant 0 : i32
    %scan3A_17 = arith.constant 10 : i32
    %scan3A_18 = arith.addi %scan3A_16, %scan3A_17 : i32
    %scan3A_19 = arith.constant 1 : i32
    %scan3A_20 = scf.for %scan3A_113 = %scan3A_16 to %scan3A_18 step %scan3A_19 iter_args(%scan3A_114 = %scan3A) -> (i32)  : i32 {
      %mul3A_115 = arith.constant 51200 : i32
      %mul3A_116 = arith.muli %arg1, %mul3A_115 : i32
      %mul3A_117 = arith.constant 5120 : i32
      %mul3A_118 = arith.muli %scan3A_113, %mul3A_117 : i32
      %add3A_119 = arith.addi %mul3A_116, %mul3A_118 : i32
      %jit3A = arith.constant 128 : i32
      %div3A = arith.divsi %add3A_119, %jit3A : i32
      %sign3A = arith.constant 0 : i32
      %sign3A_120 = arith.cmpi sgt, %add3A_119, %sign3A : i32
      %sign3A_121 = arith.extui %sign3A_120 : i1 to i32
      %sign3A_122 = arith.constant 0 : i32
      %sign3A_123 = arith.cmpi slt, %add3A_119, %sign3A_122 : i32
      %sign3A_124 = arith.extui %sign3A_123 : i1 to i32
      %sign3A_125 = arith.subi %sign3A_121, %sign3A_124 : i32
      %sign3A_126 = arith.constant 0 : i32
      %sign3A_127 = arith.cmpi sgt, %jit3A, %sign3A_126 : i32
      %sign3A_128 = arith.extui %sign3A_127 : i1 to i32
      %sign3A_129 = arith.constant 0 : i32
      %sign3A_130 = arith.cmpi slt, %jit3A, %sign3A_129 : i32
      %sign3A_131 = arith.extui %sign3A_130 : i1 to i32
      %sign3A_132 = arith.subi %sign3A_128, %sign3A_131 : i32
      %ne3A = arith.cmpi ne, %sign3A_125, %sign3A_132 : i32
      %rem3A = arith.remsi %add3A_119, %jit3A : i32
      %ne3A_133 = arith.constant 0 : i32
      %ne3A_134 = arith.cmpi ne, %rem3A, %ne3A_133 : i32
      %and3A = arith.andi %ne3A, %ne3A_134 : i1
      %sub3A = arith.constant 1 : i32
      %sub3A_135 = arith.subi %div3A, %sub3A : i32
      %select_n3A = arith.select %and3A, %sub3A_135, %div3A : i32
      "tpu.region"() ({
        %run_scoped3A_144 = tpu.sem_alloc : memref<!tpu.dma_semaphore, #tpu.memory_space<semaphore_mem>>
        %dma_start3A = arith.constant 0 : i32
        %dma_start3A_145 = arith.constant 0 : i32
        %dma_start3A_146 = tpu.memref_slice %arg2[%arg0, %dma_start3A, %select_n3A, %dma_start3A_145] : memref<2x16x6400x128xf32, #tpu.memory_space<hbm>> -> memref<1x8x40x128xf32, #tpu.memory_space<hbm>>
        %dma_start3A_147 = tpu.memref_squeeze %dma_start3A_146 : memref<1x8x40x128xf32, #tpu.memory_space<hbm>> -> memref<8x40x128xf32, #tpu.memory_space<hbm>>
        %dma_start3A_148 = arith.constant 0 : i32
        %dma_start3A_149 = arith.constant 0 : i32
        %dma_start3A_150 = tpu.memref_slice %arg2[%arg0, %dma_start3A_148, %select_n3A, %dma_start3A_149] : memref<2x16x6400x128xf32, #tpu.memory_space<hbm>> -> memref<1x8x40x128xf32, #tpu.memory_space<hbm>>
        %dma_start3A_151 = tpu.memref_squeeze %dma_start3A_150 : memref<1x8x40x128xf32, #tpu.memory_space<hbm>> -> memref<8x40x128xf32, #tpu.memory_space<hbm>>
        tpu.enqueue_dma source(%dma_start3A_151 : memref<8x40x128xf32, #tpu.memory_space<hbm>>) target(%arg6 : memref<8x40x128xf32, #tpu.memory_space<vmem>>) target_semaphore(%run_scoped3A_144 : memref<!tpu.dma_semaphore, #tpu.memory_space<semaphore_mem>>)
        %dma_wait3A = arith.constant 0 : i32
        %dma_wait3A_152 = arith.constant 0 : i32
        %dma_wait3A_153 = tpu.memref_slice %arg2[%arg0, %dma_wait3A, %select_n3A, %dma_wait3A_152] : memref<2x16x6400x128xf32, #tpu.memory_space<hbm>> -> memref<1x8x40x128xf32, #tpu.memory_space<hbm>>
        %dma_wait3A_154 = tpu.memref_squeeze %dma_wait3A_153 : memref<1x8x40x128xf32, #tpu.memory_space<hbm>> -> memref<8x40x128xf32, #tpu.memory_space<hbm>>
        %dma_wait3A_155 = arith.constant 0 : i32
        %dma_wait3A_156 = arith.constant 0 : i32
        %dma_wait3A_157 = tpu.memref_slice %arg2[%arg0, %dma_wait3A_155, %select_n3A, %dma_wait3A_156] : memref<2x16x6400x128xf32, #tpu.memory_space<hbm>> -> memref<1x8x40x128xf32, #tpu.memory_space<hbm>>
        %dma_wait3A_158 = tpu.memref_squeeze %dma_wait3A_157 : memref<1x8x40x128xf32, #tpu.memory_space<hbm>> -> memref<8x40x128xf32, #tpu.memory_space<hbm>>
        tpu.wait_dma2 semaphore(%run_scoped3A_144 : memref<!tpu.dma_semaphore, #tpu.memory_space<semaphore_mem>>) src(%dma_wait3A_158 : memref<8x40x128xf32, #tpu.memory_space<hbm>>) dst(%arg6 : memref<8x40x128xf32, #tpu.memory_space<vmem>>)
        tpu.yield
      }) : () -> ()
      "tpu.region"() ({
        %run_scoped3A_144 = tpu.sem_alloc : memref<!tpu.dma_semaphore, #tpu.memory_space<semaphore_mem>>
        %dma_start3A = tpu.memref_slice %arg3[%add3A_119] : memref<819200xi32, #tpu.memory_space<hbm>> -> memref<5120xi32, #tpu.memory_space<hbm>>
        %dma_start3A_145 = tpu.memref_slice %arg3[%add3A_119] : memref<819200xi32, #tpu.memory_space<hbm>> -> memref<5120xi32, #tpu.memory_space<hbm>>
        tpu.enqueue_dma source(%dma_start3A_145 : memref<5120xi32, #tpu.memory_space<hbm>>) target(%arg8 : memref<5120xi32, #tpu.memory_space<vmem>>) target_semaphore(%run_scoped3A_144 : memref<!tpu.dma_semaphore, #tpu.memory_space<semaphore_mem>>)
        %dma_wait3A = tpu.memref_slice %arg3[%add3A_119] : memref<819200xi32, #tpu.memory_space<hbm>> -> memref<5120xi32, #tpu.memory_space<hbm>>
        %dma_wait3A_146 = tpu.memref_slice %arg3[%add3A_119] : memref<819200xi32, #tpu.memory_space<hbm>> -> memref<5120xi32, #tpu.memory_space<hbm>>
        tpu.wait_dma2 semaphore(%run_scoped3A_144 : memref<!tpu.dma_semaphore, #tpu.memory_space<semaphore_mem>>) src(%dma_wait3A_146 : memref<5120xi32, #tpu.memory_space<hbm>>) dst(%arg8 : memref<5120xi32, #tpu.memory_space<vmem>>)
        tpu.yield
      }) : () -> ()
      %scan3A_136 = arith.constant 0 : i32
      %scan3A_137 = arith.constant 0 : i32
      %scan3A_138 = arith.constant 320 : i32
      %scan3A_139 = arith.addi %scan3A_137, %scan3A_138 : i32
      %scan3A_140 = arith.constant 1 : i32
      %scan3A_141 = scf.for %scan3A_144 = %scan3A_137 to %scan3A_139 step %scan3A_140 iter_args(%scan3A_145 = %scan3A_136) -> (i32)  : i32 {
        %mul3A_146 = arith.constant 16 : i32
        %mul3A_147 = arith.muli %scan3A_144, %mul3A_146 : i32
        %add3A_148 = vector.broadcast %mul3A_147 : i32 to vector<16xi32>
        %add3A_149 = arith.addi %add3A_148, %iota3A : vector<16xi32>
        %shift_right_logical3A = arith.constant 3 : i32
        %shift_right_logical3A_150 = arith.shrui %scan3A_144, %shift_right_logical3A : i32
        %and3A_151 = arith.constant 7 : i32
        %and3A_152 = arith.andi %scan3A_144, %and3A_151 : i32
        %mul3A_153 = arith.constant 16 : i32
        %mul3A_154 = arith.muli %and3A_152, %mul3A_153 : i32
        %get3A = arith.constant 0 : i32
        %get3A_155 = arith.index_cast %get3A : i32 to index
        %get3A_156 = arith.index_cast %shift_right_logical3A_150 : i32 to index
        %get3A_157 = arith.index_cast %mul3A_154 : i32 to index
        %get3A_158 = tpu.vector_load %arg6[%get3A_155, %get3A_156, %get3A_157] {strides = array<i32>} : memref<8x40x128xf32, #tpu.memory_space<vmem>>, vector<16xf32>,
        %broadcast_in_dim3A = arith.constant 0 : i32
        %broadcast_in_dim3A_159 = vector.broadcast %broadcast_in_dim3A : i32 to vector<16xi32>
        tpu.vector_store_idx %arg7[%add3A_149, %broadcast_in_dim3A_159], %get3A_158 : memref<5120x8xf32, #tpu.memory_space<vmem>>[vector<16xi32>, vector<16xi32>], vector<16xf32>,
        %get3A_160 = arith.constant 1 : i32
        %get3A_161 = arith.index_cast %get3A_160 : i32 to index
        %get3A_162 = arith.index_cast %shift_right_logical3A_150 : i32 to index
        %get3A_163 = arith.index_cast %mul3A_154 : i32 to index
        %get3A_164 = tpu.vector_load %arg6[%get3A_161, %get3A_162, %get3A_163] {strides = array<i32>} : memref<8x40x128xf32, #tpu.memory_space<vmem>>, vector<16xf32>,
        %broadcast_in_dim3A_165 = arith.constant 1 : i32
        %broadcast_in_dim3A_166 = vector.broadcast %broadcast_in_dim3A_165 : i32 to vector<16xi32>
        tpu.vector_store_idx %arg7[%add3A_149, %broadcast_in_dim3A_166], %get3A_164 : memref<5120x8xf32, #tpu.memory_space<vmem>>[vector<16xi32>, vector<16xi32>], vector<16xf32>,
        %get3A_167 = arith.constant 2 : i32
        %get3A_168 = arith.index_cast %get3A_167 : i32 to index
        %get3A_169 = arith.index_cast %shift_right_logical3A_150 : i32 to index
        %get3A_170 = arith.index_cast %mul3A_154 : i32 to index
        %get3A_171 = tpu.vector_load %arg6[%get3A_168, %get3A_169, %get3A_170] {strides = array<i32>} : memref<8x40x128xf32, #tpu.memory_space<vmem>>, vector<16xf32>,
        %broadcast_in_dim3A_172 = arith.constant 2 : i32
        %broadcast_in_dim3A_173 = vector.broadcast %broadcast_in_dim3A_172 : i32 to vector<16xi32>
        tpu.vector_store_idx %arg7[%add3A_149, %broadcast_in_dim3A_173], %get3A_171 : memref<5120x8xf32, #tpu.memory_space<vmem>>[vector<16xi32>, vector<16xi32>], vector<16xf32>,
        %get3A_174 = arith.constant 3 : i32
        %get3A_175 = arith.index_cast %get3A_174 : i32 to index
        %get3A_176 = arith.index_cast %shift_right_logical3A_150 : i32 to index
        %get3A_177 = arith.index_cast %mul3A_154 : i32 to index
        %get3A_178 = tpu.vector_load %arg6[%get3A_175, %get3A_176, %get3A_177] {strides = array<i32>} : memref<8x40x128xf32, #tpu.memory_space<vmem>>, vector<16xf32>,
        %broadcast_in_dim3A_179 = arith.constant 3 : i32
        %broadcast_in_dim3A_180 = vector.broadcast %broadcast_in_dim3A_179 : i32 to vector<16xi32>
        tpu.vector_store_idx %arg7[%add3A_149, %broadcast_in_dim3A_180], %get3A_178 : memref<5120x8xf32, #tpu.memory_space<vmem>>[vector<16xi32>, vector<16xi32>], vector<16xf32>,
        %get3A_181 = arith.constant 4 : i32
        %get3A_182 = arith.index_cast %get3A_181 : i32 to index
        %get3A_183 = arith.index_cast %shift_right_logical3A_150 : i32 to index
        %get3A_184 = arith.index_cast %mul3A_154 : i32 to index
        %get3A_185 = tpu.vector_load %arg6[%get3A_182, %get3A_183, %get3A_184] {strides = array<i32>} : memref<8x40x128xf32, #tpu.memory_space<vmem>>, vector<16xf32>,
        %broadcast_in_dim3A_186 = arith.constant 4 : i32
        %broadcast_in_dim3A_187 = vector.broadcast %broadcast_in_dim3A_186 : i32 to vector<16xi32>
        tpu.vector_store_idx %arg7[%add3A_149, %broadcast_in_dim3A_187], %get3A_185 : memref<5120x8xf32, #tpu.memory_space<vmem>>[vector<16xi32>, vector<16xi32>], vector<16xf32>,
        %get3A_188 = arith.constant 5 : i32
        %get3A_189 = arith.index_cast %get3A_188 : i32 to index
        %get3A_190 = arith.index_cast %shift_right_logical3A_150 : i32 to index
        %get3A_191 = arith.index_cast %mul3A_154 : i32 to index
        %get3A_192 = tpu.vector_load %arg6[%get3A_189, %get3A_190, %get3A_191] {strides = array<i32>} : memref<8x40x128xf32, #tpu.memory_space<vmem>>, vector<16xf32>,
        %broadcast_in_dim3A_193 = arith.constant 5 : i32
        %broadcast_in_dim3A_194 = vector.broadcast %broadcast_in_dim3A_193 : i32 to vector<16xi32>
        tpu.vector_store_idx %arg7[%add3A_149, %broadcast_in_dim3A_194], %get3A_192 : memref<5120x8xf32, #tpu.memory_space<vmem>>[vector<16xi32>, vector<16xi32>], vector<16xf32>,
        %get3A_195 = arith.constant 6 : i32
        %get3A_196 = arith.index_cast %get3A_195 : i32 to index
        %get3A_197 = arith.index_cast %shift_right_logical3A_150 : i32 to index
        %get3A_198 = arith.index_cast %mul3A_154 : i32 to index
        %get3A_199 = tpu.vector_load %arg6[%get3A_196, %get3A_197, %get3A_198] {strides = array<i32>} : memref<8x40x128xf32, #tpu.memory_space<vmem>>, vector<16xf32>,
        %broadcast_in_dim3A_200 = arith.constant 6 : i32
        %broadcast_in_dim3A_201 = vector.broadcast %broadcast_in_dim3A_200 : i32 to vector<16xi32>
        tpu.vector_store_idx %arg7[%add3A_149, %broadcast_in_dim3A_201], %get3A_199 : memref<5120x8xf32, #tpu.memory_space<vmem>>[vector<16xi32>, vector<16xi32>], vector<16xf32>,
        %get3A_202 = arith.constant 7 : i32
        %get3A_203 = arith.index_cast %get3A_202 : i32 to index
        %get3A_204 = arith.index_cast %shift_right_logical3A_150 : i32 to index
        %get3A_205 = arith.index_cast %mul3A_154 : i32 to index
        %get3A_206 = tpu.vector_load %arg6[%get3A_203, %get3A_204, %get3A_205] {strides = array<i32>} : memref<8x40x128xf32, #tpu.memory_space<vmem>>, vector<16xf32>,
        %broadcast_in_dim3A_207 = arith.constant 7 : i32
        %broadcast_in_dim3A_208 = vector.broadcast %broadcast_in_dim3A_207 : i32 to vector<16xi32>
        tpu.vector_store_idx %arg7[%add3A_149, %broadcast_in_dim3A_208], %get3A_206 : memref<5120x8xf32, #tpu.memory_space<vmem>>[vector<16xi32>, vector<16xi32>], vector<16xf32>,
        %scan3A_209 = arith.constant 0 : i32
        scf.yield %scan3A_209 : i32
      }
      %scan3A_142 = arith.constant 320 : i32
      "tpu.region"() ({
        %run_scoped3A_144 = tpu.sem_alloc : memref<!tpu.dma_semaphore, #tpu.memory_space<semaphore_mem>>
        %dma_start3A = arith.constant 0 : i32
        %dma_start3A_145 = arith.constant 0 : i32
        %dma_start3A_146 = tpu.memref_slice %arg10[%dma_start3A, %dma_start3A_145] : memref<50432x8xf32, #tpu.memory_space<vmem_shared>> -> memref<50432x8xf32, #tpu.memory_space<vmem_shared>>
        tpu.enqueue_indirect_dma source(%arg7 : memref<5120x8xf32, #tpu.memory_space<vmem>>) target(%dma_start3A_146 : memref<50432x8xf32, #tpu.memory_space<vmem_shared>>) offsets(%arg8 : memref<5120xi32, #tpu.memory_space<vmem>>) semaphore(%run_scoped3A_144 : memref<!tpu.dma_semaphore, #tpu.memory_space<semaphore_mem>>) {add = true}
        %dma_wait3A = arith.constant 0 : i32
        %dma_wait3A_147 = arith.constant 0 : i32
        %dma_wait3A_148 = tpu.memref_slice %arg10[%dma_wait3A, %dma_wait3A_147] : memref<50432x8xf32, #tpu.memory_space<vmem_shared>> -> memref<50432x8xf32, #tpu.memory_space<vmem_shared>>
        tpu.wait_indirect_dma semaphore(%run_scoped3A_144 : memref<!tpu.dma_semaphore, #tpu.memory_space<semaphore_mem>>) src(%arg7 : memref<5120x8xf32, #tpu.memory_space<vmem>>) dst(%dma_wait3A_148 : memref<50432x8xf32, #tpu.memory_space<vmem_shared>>)
        tpu.yield
      }) : () -> ()
      %scan3A_143 = arith.constant 0 : i32
      scf.yield %scan3A_143 : i32
    }
    %scan3A_21 = arith.constant 10 : i32
    %barrier3A_22 = arith.constant 0 : index
    tpu.barrier barrier_id(%barrier3A_22)
    %add3A_23 = arith.constant 0 : i32
    %add3A_24 = arith.addi %mul3A_0, %add3A_23 : i32
    "tpu.region"() ({
      %run_scoped3A_113 = tpu.sem_alloc : memref<!tpu.dma_semaphore, #tpu.memory_space<semaphore_mem>>
      %dma_start3A = arith.constant 0 : i32
      %dma_start3A_114 = arith.constant 0 : i32
      %dma_start3A_115 = tpu.memref_slice %arg9[%dma_start3A, %dma_start3A_114] : memref<800x8xf32, #tpu.memory_space<vmem>> -> memref<800x8xf32, #tpu.memory_space<vmem>>
      %dma_start3A_116 = arith.constant 0 : i32
      %dma_start3A_117 = tpu.memref_slice %arg10[%add3A_24, %dma_start3A_116] : memref<50432x8xf32, #tpu.memory_space<vmem_shared>> -> memref<800x8xf32, #tpu.memory_space<vmem_shared>>
      %dma_start3A_118 = arith.constant 0 : i32
      %dma_start3A_119 = arith.constant 0 : i32
      %dma_start3A_120 = tpu.memref_slice %arg9[%dma_start3A_118, %dma_start3A_119] : memref<800x8xf32, #tpu.memory_space<vmem>> -> memref<800x8xf32, #tpu.memory_space<vmem>>
      %dma_start3A_121 = arith.constant 0 : i32
      %dma_start3A_122 = tpu.memref_slice %arg10[%add3A_24, %dma_start3A_121] : memref<50432x8xf32, #tpu.memory_space<vmem_shared>> -> memref<800x8xf32, #tpu.memory_space<vmem_shared>>
      tpu.enqueue_dma source(%dma_start3A_122 : memref<800x8xf32, #tpu.memory_space<vmem_shared>>) target(%dma_start3A_120 : memref<800x8xf32, #tpu.memory_space<vmem>>) target_semaphore(%run_scoped3A_113 : memref<!tpu.dma_semaphore, #tpu.memory_space<semaphore_mem>>)
      %dma_wait3A = arith.constant 0 : i32
      %dma_wait3A_123 = arith.constant 0 : i32
      %dma_wait3A_124 = tpu.memref_slice %arg9[%dma_wait3A, %dma_wait3A_123] : memref<800x8xf32, #tpu.memory_space<vmem>> -> memref<800x8xf32, #tpu.memory_space<vmem>>
      %dma_wait3A_125 = arith.constant 0 : i32
      %dma_wait3A_126 = tpu.memref_slice %arg10[%add3A_24, %dma_wait3A_125] : memref<50432x8xf32, #tpu.memory_space<vmem_shared>> -> memref<800x8xf32, #tpu.memory_space<vmem_shared>>
      %dma_wait3A_127 = arith.constant 0 : i32
      %dma_wait3A_128 = arith.constant 0 : i32
      %dma_wait3A_129 = tpu.memref_slice %arg9[%dma_wait3A_127, %dma_wait3A_128] : memref<800x8xf32, #tpu.memory_space<vmem>> -> memref<800x8xf32, #tpu.memory_space<vmem>>
      %dma_wait3A_130 = arith.constant 0 : i32
      %dma_wait3A_131 = tpu.memref_slice %arg10[%add3A_24, %dma_wait3A_130] : memref<50432x8xf32, #tpu.memory_space<vmem_shared>> -> memref<800x8xf32, #tpu.memory_space<vmem_shared>>
      tpu.wait_dma2 semaphore(%run_scoped3A_113 : memref<!tpu.dma_semaphore, #tpu.memory_space<semaphore_mem>>) src(%dma_wait3A_131 : memref<800x8xf32, #tpu.memory_space<vmem_shared>>) dst(%dma_wait3A_129 : memref<800x8xf32, #tpu.memory_space<vmem>>)
      tpu.yield
    }) : () -> ()
    %mul3A_25 = arith.constant 50432 : i32
    %mul3A_26 = arith.muli %arg0, %mul3A_25 : i32
    %add3A_27 = arith.addi %mul3A_26, %mul3A_0 : i32
    %add3A_28 = arith.constant 0 : i32
    %add3A_29 = arith.addi %add3A_27, %add3A_28 : i32
    %run_scoped3A = arith.constant 0 : i32
    "tpu.region"() ({
      %run_scoped3A_113 = tpu.sem_alloc : memref<!tpu.dma_semaphore, #tpu.memory_space<semaphore_mem>>
      %dma_start3A = arith.constant 0 : i32
      %dma_start3A_114 = arith.constant 0 : i32
      %dma_start3A_115 = tpu.memref_slice %arg9[%dma_start3A, %dma_start3A_114] : memref<800x8xf32, #tpu.memory_space<vmem>> -> memref<800x8xf32, #tpu.memory_space<vmem>>
      %dma_start3A_116 = arith.constant 0 : i32
      %dma_start3A_117 = tpu.memref_slice %arg5[%run_scoped3A, %add3A_29, %dma_start3A_116] : memref<2x100864x8xf32, #tpu.memory_space<hbm>> -> memref<1x800x8xf32, #tpu.memory_space<hbm>>
      %dma_start3A_118 = tpu.memref_squeeze %dma_start3A_117 : memref<1x800x8xf32, #tpu.memory_space<hbm>> -> memref<800x8xf32, #tpu.memory_space<hbm>>
      %dma_start3A_119 = arith.constant 0 : i32
      %dma_start3A_120 = tpu.memref_slice %arg5[%run_scoped3A, %add3A_29, %dma_start3A_119] : memref<2x100864x8xf32, #tpu.memory_space<hbm>> -> memref<1x800x8xf32, #tpu.memory_space<hbm>>
      %dma_start3A_121 = tpu.memref_squeeze %dma_start3A_120 : memref<1x800x8xf32, #tpu.memory_space<hbm>> -> memref<800x8xf32, #tpu.memory_space<hbm>>
      %dma_start3A_122 = arith.constant 0 : i32
      %dma_start3A_123 = arith.constant 0 : i32
      %dma_start3A_124 = tpu.memref_slice %arg9[%dma_start3A_122, %dma_start3A_123] : memref<800x8xf32, #tpu.memory_space<vmem>> -> memref<800x8xf32, #tpu.memory_space<vmem>>
      tpu.enqueue_dma source(%dma_start3A_124 : memref<800x8xf32, #tpu.memory_space<vmem>>) target(%dma_start3A_121 : memref<800x8xf32, #tpu.memory_space<hbm>>) target_semaphore(%run_scoped3A_113 : memref<!tpu.dma_semaphore, #tpu.memory_space<semaphore_mem>>)
      %dma_wait3A = arith.constant 0 : i32
      %dma_wait3A_125 = arith.constant 0 : i32
      %dma_wait3A_126 = tpu.memref_slice %arg9[%dma_wait3A, %dma_wait3A_125] : memref<800x8xf32, #tpu.memory_space<vmem>> -> memref<800x8xf32, #tpu.memory_space<vmem>>
      %dma_wait3A_127 = arith.constant 0 : i32
      %dma_wait3A_128 = tpu.memref_slice %arg5[%run_scoped3A, %add3A_29, %dma_wait3A_127] : memref<2x100864x8xf32, #tpu.memory_space<hbm>> -> memref<1x800x8xf32, #tpu.memory_space<hbm>>
      %dma_wait3A_129 = tpu.memref_squeeze %dma_wait3A_128 : memref<1x800x8xf32, #tpu.memory_space<hbm>> -> memref<800x8xf32, #tpu.memory_space<hbm>>
      %dma_wait3A_130 = arith.constant 0 : i32
      %dma_wait3A_131 = tpu.memref_slice %arg5[%run_scoped3A, %add3A_29, %dma_wait3A_130] : memref<2x100864x8xf32, #tpu.memory_space<hbm>> -> memref<1x800x8xf32, #tpu.memory_space<hbm>>
      %dma_wait3A_132 = tpu.memref_squeeze %dma_wait3A_131 : memref<1x800x8xf32, #tpu.memory_space<hbm>> -> memref<800x8xf32, #tpu.memory_space<hbm>>
      %dma_wait3A_133 = arith.constant 0 : i32
      %dma_wait3A_134 = arith.constant 0 : i32
      %dma_wait3A_135 = tpu.memref_slice %arg9[%dma_wait3A_133, %dma_wait3A_134] : memref<800x8xf32, #tpu.memory_space<vmem>> -> memref<800x8xf32, #tpu.memory_space<vmem>>
      tpu.wait_dma2 semaphore(%run_scoped3A_113 : memref<!tpu.dma_semaphore, #tpu.memory_space<semaphore_mem>>) src(%dma_wait3A_135 : memref<800x8xf32, #tpu.memory_space<vmem>>) dst(%dma_wait3A_132 : memref<800x8xf32, #tpu.memory_space<hbm>>)
      tpu.yield
    }) : () -> ()
    %add3A_30 = arith.constant 800 : i32
    %add3A_31 = arith.addi %mul3A_0, %add3A_30 : i32
    "tpu.region"() ({
      %run_scoped3A_113 = tpu.sem_alloc : memref<!tpu.dma_semaphore, #tpu.memory_space<semaphore_mem>>
      %dma_start3A = arith.constant 0 : i32
      %dma_start3A_114 = arith.constant 0 : i32
      %dma_start3A_115 = tpu.memref_slice %arg9[%dma_start3A, %dma_start3A_114] : memref<800x8xf32, #tpu.memory_space<vmem>> -> memref<800x8xf32, #tpu.memory_space<vmem>>
      %dma_start3A_116 = arith.constant 0 : i32
      %dma_start3A_117 = tpu.memref_slice %arg10[%add3A_31, %dma_start3A_116] : memref<50432x8xf32, #tpu.memory_space<vmem_shared>> -> memref<800x8xf32, #tpu.memory_space<vmem_shared>>
      %dma_start3A_118 = arith.constant 0 : i32
      %dma_start3A_119 = arith.constant 0 : i32
      %dma_start3A_120 = tpu.memref_slice %arg9[%dma_start3A_118, %dma_start3A_119] : memref<800x8xf32, #tpu.memory_space<vmem>> -> memref<800x8xf32, #tpu.memory_space<vmem>>
      %dma_start3A_121 = arith.constant 0 : i32
      %dma_start3A_122 = tpu.memref_slice %arg10[%add3A_31, %dma_start3A_121] : memref<50432x8xf32, #tpu.memory_space<vmem_shared>> -> memref<800x8xf32, #tpu.memory_space<vmem_shared>>
      tpu.enqueue_dma source(%dma_start3A_122 : memref<800x8xf32, #tpu.memory_space<vmem_shared>>) target(%dma_start3A_120 : memref<800x8xf32, #tpu.memory_space<vmem>>) target_semaphore(%run_scoped3A_113 : memref<!tpu.dma_semaphore, #tpu.memory_space<semaphore_mem>>)
      %dma_wait3A = arith.constant 0 : i32
      %dma_wait3A_123 = arith.constant 0 : i32
      %dma_wait3A_124 = tpu.memref_slice %arg9[%dma_wait3A, %dma_wait3A_123] : memref<800x8xf32, #tpu.memory_space<vmem>> -> memref<800x8xf32, #tpu.memory_space<vmem>>
      %dma_wait3A_125 = arith.constant 0 : i32
      %dma_wait3A_126 = tpu.memref_slice %arg10[%add3A_31, %dma_wait3A_125] : memref<50432x8xf32, #tpu.memory_space<vmem_shared>> -> memref<800x8xf32, #tpu.memory_space<vmem_shared>>
      %dma_wait3A_127 = arith.constant 0 : i32
      %dma_wait3A_128 = arith.constant 0 : i32
      %dma_wait3A_129 = tpu.memref_slice %arg9[%dma_wait3A_127, %dma_wait3A_128] : memref<800x8xf32, #tpu.memory_space<vmem>> -> memref<800x8xf32, #tpu.memory_space<vmem>>
      %dma_wait3A_130 = arith.constant 0 : i32
      %dma_wait3A_131 = tpu.memref_slice %arg10[%add3A_31, %dma_wait3A_130] : memref<50432x8xf32, #tpu.memory_space<vmem_shared>> -> memref<800x8xf32, #tpu.memory_space<vmem_shared>>
      tpu.wait_dma2 semaphore(%run_scoped3A_113 : memref<!tpu.dma_semaphore, #tpu.memory_space<semaphore_mem>>) src(%dma_wait3A_131 : memref<800x8xf32, #tpu.memory_space<vmem_shared>>) dst(%dma_wait3A_129 : memref<800x8xf32, #tpu.memory_space<vmem>>)
      tpu.yield
    }) : () -> ()
    %mul3A_32 = arith.constant 50432 : i32
    %mul3A_33 = arith.muli %arg0, %mul3A_32 : i32
    %add3A_34 = arith.addi %mul3A_33, %mul3A_0 : i32
    %add3A_35 = arith.constant 800 : i32
    %add3A_36 = arith.addi %add3A_34, %add3A_35 : i32
    %run_scoped3A_37 = arith.constant 0 : i32
    "tpu.region"() ({
      %run_scoped3A_113 = tpu.sem_alloc : memref<!tpu.dma_semaphore, #tpu.memory_space<semaphore_mem>>
      %dma_start3A = arith.constant 0 : i32
      %dma_start3A_114 = arith.constant 0 : i32
      %dma_start3A_115 = tpu.memref_slice %arg9[%dma_start3A, %dma_start3A_114] : memref<800x8xf32, #tpu.memory_space<vmem>> -> memref<800x8xf32, #tpu.memory_space<vmem>>
      %dma_start3A_116 = arith.constant 0 : i32
      %dma_start3A_117 = tpu.memref_slice %arg5[%run_scoped3A_37, %add3A_36, %dma_start3A_116] : memref<2x100864x8xf32, #tpu.memory_space<hbm>> -> memref<1x800x8xf32, #tpu.memory_space<hbm>>
      %dma_start3A_118 = tpu.memref_squeeze %dma_start3A_117 : memref<1x800x8xf32, #tpu.memory_space<hbm>> -> memref<800x8xf32, #tpu.memory_space<hbm>>
      %dma_start3A_119 = arith.constant 0 : i32
      %dma_start3A_120 = tpu.memref_slice %arg5[%run_scoped3A_37, %add3A_36, %dma_start3A_119] : memref<2x100864x8xf32, #tpu.memory_space<hbm>> -> memref<1x800x8xf32, #tpu.memory_space<hbm>>
      %dma_start3A_121 = tpu.memref_squeeze %dma_start3A_120 : memref<1x800x8xf32, #tpu.memory_space<hbm>> -> memref<800x8xf32, #tpu.memory_space<hbm>>
      %dma_start3A_122 = arith.constant 0 : i32
      %dma_start3A_123 = arith.constant 0 : i32
      %dma_start3A_124 = tpu.memref_slice %arg9[%dma_start3A_122, %dma_start3A_123] : memref<800x8xf32, #tpu.memory_space<vmem>> -> memref<800x8xf32, #tpu.memory_space<vmem>>
      tpu.enqueue_dma source(%dma_start3A_124 : memref<800x8xf32, #tpu.memory_space<vmem>>) target(%dma_start3A_121 : memref<800x8xf32, #tpu.memory_space<hbm>>) target_semaphore(%run_scoped3A_113 : memref<!tpu.dma_semaphore, #tpu.memory_space<semaphore_mem>>)
      %dma_wait3A = arith.constant 0 : i32
      %dma_wait3A_125 = arith.constant 0 : i32
      %dma_wait3A_126 = tpu.memref_slice %arg9[%dma_wait3A, %dma_wait3A_125] : memref<800x8xf32, #tpu.memory_space<vmem>> -> memref<800x8xf32, #tpu.memory_space<vmem>>
      %dma_wait3A_127 = arith.constant 0 : i32
      %dma_wait3A_128 = tpu.memref_slice %arg5[%run_scoped3A_37, %add3A_36, %dma_wait3A_127] : memref<2x100864x8xf32, #tpu.memory_space<hbm>> -> memref<1x800x8xf32, #tpu.memory_space<hbm>>
      %dma_wait3A_129 = tpu.memref_squeeze %dma_wait3A_128 : memref<1x800x8xf32, #tpu.memory_space<hbm>> -> memref<800x8xf32, #tpu.memory_space<hbm>>
      %dma_wait3A_130 = arith.constant 0 : i32
      %dma_wait3A_131 = tpu.memref_slice %arg5[%run_scoped3A_37, %add3A_36, %dma_wait3A_130] : memref<2x100864x8xf32, #tpu.memory_space<hbm>> -> memref<1x800x8xf32, #tpu.memory_space<hbm>>
      %dma_wait3A_132 = tpu.memref_squeeze %dma_wait3A_131 : memref<1x800x8xf32, #tpu.memory_space<hbm>> -> memref<800x8xf32, #tpu.memory_space<hbm>>
      %dma_wait3A_133 = arith.constant 0 : i32
      %dma_wait3A_134 = arith.constant 0 : i32
      %dma_wait3A_135 = tpu.memref_slice %arg9[%dma_wait3A_133, %dma_wait3A_134] : memref<800x8xf32, #tpu.memory_space<vmem>> -> memref<800x8xf32, #tpu.memory_space<vmem>>
      tpu.wait_dma2 semaphore(%run_scoped3A_113 : memref<!tpu.dma_semaphore, #tpu.memory_space<semaphore_mem>>) src(%dma_wait3A_135 : memref<800x8xf32, #tpu.memory_space<vmem>>) dst(%dma_wait3A_132 : memref<800x8xf32, #tpu.memory_space<hbm>>)
      tpu.yield
    }) : () -> ()
    %add3A_38 = arith.constant 1600 : i32
    %add3A_39 = arith.addi %mul3A_0, %add3A_38 : i32
    "tpu.region"() ({
      %run_scoped3A_113 = tpu.sem_alloc : memref<!tpu.dma_semaphore, #tpu.memory_space<semaphore_mem>>
      %dma_start3A = arith.constant 0 : i32
      %dma_start3A_114 = arith.constant 0 : i32
      %dma_start3A_115 = tpu.memref_slice %arg9[%dma_start3A, %dma_start3A_114] : memref<800x8xf32, #tpu.memory_space<vmem>> -> memref<800x8xf32, #tpu.memory_space<vmem>>
      %dma_start3A_116 = arith.constant 0 : i32
      %dma_start3A_117 = tpu.memref_slice %arg10[%add3A_39, %dma_start3A_116] : memref<50432x8xf32, #tpu.memory_space<vmem_shared>> -> memref<800x8xf32, #tpu.memory_space<vmem_shared>>
      %dma_start3A_118 = arith.constant 0 : i32
      %dma_start3A_119 = arith.constant 0 : i32
      %dma_start3A_120 = tpu.memref_slice %arg9[%dma_start3A_118, %dma_start3A_119] : memref<800x8xf32, #tpu.memory_space<vmem>> -> memref<800x8xf32, #tpu.memory_space<vmem>>
      %dma_start3A_121 = arith.constant 0 : i32
      %dma_start3A_122 = tpu.memref_slice %arg10[%add3A_39, %dma_start3A_121] : memref<50432x8xf32, #tpu.memory_space<vmem_shared>> -> memref<800x8xf32, #tpu.memory_space<vmem_shared>>
      tpu.enqueue_dma source(%dma_start3A_122 : memref<800x8xf32, #tpu.memory_space<vmem_shared>>) target(%dma_start3A_120 : memref<800x8xf32, #tpu.memory_space<vmem>>) target_semaphore(%run_scoped3A_113 : memref<!tpu.dma_semaphore, #tpu.memory_space<semaphore_mem>>)
      %dma_wait3A = arith.constant 0 : i32
      %dma_wait3A_123 = arith.constant 0 : i32
      %dma_wait3A_124 = tpu.memref_slice %arg9[%dma_wait3A, %dma_wait3A_123] : memref<800x8xf32, #tpu.memory_space<vmem>> -> memref<800x8xf32, #tpu.memory_space<vmem>>
      %dma_wait3A_125 = arith.constant 0 : i32
      %dma_wait3A_126 = tpu.memref_slice %arg10[%add3A_39, %dma_wait3A_125] : memref<50432x8xf32, #tpu.memory_space<vmem_shared>> -> memref<800x8xf32, #tpu.memory_space<vmem_shared>>
      %dma_wait3A_127 = arith.constant 0 : i32
      %dma_wait3A_128 = arith.constant 0 : i32
      %dma_wait3A_129 = tpu.memref_slice %arg9[%dma_wait3A_127, %dma_wait3A_128] : memref<800x8xf32, #tpu.memory_space<vmem>> -> memref<800x8xf32, #tpu.memory_space<vmem>>
      %dma_wait3A_130 = arith.constant 0 : i32
      %dma_wait3A_131 = tpu.memref_slice %arg10[%add3A_39, %dma_wait3A_130] : memref<50432x8xf32, #tpu.memory_space<vmem_shared>> -> memref<800x8xf32, #tpu.memory_space<vmem_shared>>
      tpu.wait_dma2 semaphore(%run_scoped3A_113 : memref<!tpu.dma_semaphore, #tpu.memory_space<semaphore_mem>>) src(%dma_wait3A_131 : memref<800x8xf32, #tpu.memory_space<vmem_shared>>) dst(%dma_wait3A_129 : memref<800x8xf32, #tpu.memory_space<vmem>>)
      tpu.yield
    }) : () -> ()
    %mul3A_40 = arith.constant 50432 : i32
    %mul3A_41 = arith.muli %arg0, %mul3A_40 : i32
    %add3A_42 = arith.addi %mul3A_41, %mul3A_0 : i32
    %add3A_43 = arith.constant 1600 : i32
    %add3A_44 = arith.addi %add3A_42, %add3A_43 : i32
    %run_scoped3A_45 = arith.constant 0 : i32
    "tpu.region"() ({
      %run_scoped3A_113 = tpu.sem_alloc : memref<!tpu.dma_semaphore, #tpu.memory_space<semaphore_mem>>
      %dma_start3A = arith.constant 0 : i32
      %dma_start3A_114 = arith.constant 0 : i32
      %dma_start3A_115 = tpu.memref_slice %arg9[%dma_start3A, %dma_start3A_114] : memref<800x8xf32, #tpu.memory_space<vmem>> -> memref<800x8xf32, #tpu.memory_space<vmem>>
      %dma_start3A_116 = arith.constant 0 : i32
      %dma_start3A_117 = tpu.memref_slice %arg5[%run_scoped3A_45, %add3A_44, %dma_start3A_116] : memref<2x100864x8xf32, #tpu.memory_space<hbm>> -> memref<1x800x8xf32, #tpu.memory_space<hbm>>
      %dma_start3A_118 = tpu.memref_squeeze %dma_start3A_117 : memref<1x800x8xf32, #tpu.memory_space<hbm>> -> memref<800x8xf32, #tpu.memory_space<hbm>>
      %dma_start3A_119 = arith.constant 0 : i32
      %dma_start3A_120 = tpu.memref_slice %arg5[%run_scoped3A_45, %add3A_44, %dma_start3A_119] : memref<2x100864x8xf32, #tpu.memory_space<hbm>> -> memref<1x800x8xf32, #tpu.memory_space<hbm>>
      %dma_start3A_121 = tpu.memref_squeeze %dma_start3A_120 : memref<1x800x8xf32, #tpu.memory_space<hbm>> -> memref<800x8xf32, #tpu.memory_space<hbm>>
      %dma_start3A_122 = arith.constant 0 : i32
      %dma_start3A_123 = arith.constant 0 : i32
      %dma_start3A_124 = tpu.memref_slice %arg9[%dma_start3A_122, %dma_start3A_123] : memref<800x8xf32, #tpu.memory_space<vmem>> -> memref<800x8xf32, #tpu.memory_space<vmem>>
      tpu.enqueue_dma source(%dma_start3A_124 : memref<800x8xf32, #tpu.memory_space<vmem>>) target(%dma_start3A_121 : memref<800x8xf32, #tpu.memory_space<hbm>>) target_semaphore(%run_scoped3A_113 : memref<!tpu.dma_semaphore, #tpu.memory_space<semaphore_mem>>)
      %dma_wait3A = arith.constant 0 : i32
      %dma_wait3A_125 = arith.constant 0 : i32
      %dma_wait3A_126 = tpu.memref_slice %arg9[%dma_wait3A, %dma_wait3A_125] : memref<800x8xf32, #tpu.memory_space<vmem>> -> memref<800x8xf32, #tpu.memory_space<vmem>>
      %dma_wait3A_127 = arith.constant 0 : i32
      %dma_wait3A_128 = tpu.memref_slice %arg5[%run_scoped3A_45, %add3A_44, %dma_wait3A_127] : memref<2x100864x8xf32, #tpu.memory_space<hbm>> -> memref<1x800x8xf32, #tpu.memory_space<hbm>>
      %dma_wait3A_129 = tpu.memref_squeeze %dma_wait3A_128 : memref<1x800x8xf32, #tpu.memory_space<hbm>> -> memref<800x8xf32, #tpu.memory_space<hbm>>
      %dma_wait3A_130 = arith.constant 0 : i32
      %dma_wait3A_131 = tpu.memref_slice %arg5[%run_scoped3A_45, %add3A_44, %dma_wait3A_130] : memref<2x100864x8xf32, #tpu.memory_space<hbm>> -> memref<1x800x8xf32, #tpu.memory_space<hbm>>
      %dma_wait3A_132 = tpu.memref_squeeze %dma_wait3A_131 : memref<1x800x8xf32, #tpu.memory_space<hbm>> -> memref<800x8xf32, #tpu.memory_space<hbm>>
      %dma_wait3A_133 = arith.constant 0 : i32
      %dma_wait3A_134 = arith.constant 0 : i32
      %dma_wait3A_135 = tpu.memref_slice %arg9[%dma_wait3A_133, %dma_wait3A_134] : memref<800x8xf32, #tpu.memory_space<vmem>> -> memref<800x8xf32, #tpu.memory_space<vmem>>
      tpu.wait_dma2 semaphore(%run_scoped3A_113 : memref<!tpu.dma_semaphore, #tpu.memory_space<semaphore_mem>>) src(%dma_wait3A_135 : memref<800x8xf32, #tpu.memory_space<vmem>>) dst(%dma_wait3A_132 : memref<800x8xf32, #tpu.memory_space<hbm>>)
      tpu.yield
    }) : () -> ()
    %add3A_46 = arith.constant 2400 : i32
    %add3A_47 = arith.addi %mul3A_0, %add3A_46 : i32
    "tpu.region"() ({
      %run_scoped3A_113 = tpu.sem_alloc : memref<!tpu.dma_semaphore, #tpu.memory_space<semaphore_mem>>
      %dma_start3A = arith.constant 0 : i32
      %dma_start3A_114 = arith.constant 0 : i32
      %dma_start3A_115 = tpu.memref_slice %arg9[%dma_start3A, %dma_start3A_114] : memref<800x8xf32, #tpu.memory_space<vmem>> -> memref<752x8xf32, #tpu.memory_space<vmem>>
      %dma_start3A_116 = arith.constant 0 : i32
      %dma_start3A_117 = tpu.memref_slice %arg10[%add3A_47, %dma_start3A_116] : memref<50432x8xf32, #tpu.memory_space<vmem_shared>> -> memref<752x8xf32, #tpu.memory_space<vmem_shared>>
      %dma_start3A_118 = arith.constant 0 : i32
      %dma_start3A_119 = arith.constant 0 : i32
      %dma_start3A_120 = tpu.memref_slice %arg9[%dma_start3A_118, %dma_start3A_119] : memref<800x8xf32, #tpu.memory_space<vmem>> -> memref<752x8xf32, #tpu.memory_space<vmem>>
      %dma_start3A_121 = arith.constant 0 : i32
      %dma_start3A_122 = tpu.memref_slice %arg10[%add3A_47, %dma_start3A_121] : memref<50432x8xf32, #tpu.memory_space<vmem_shared>> -> memref<752x8xf32, #tpu.memory_space<vmem_shared>>
      tpu.enqueue_dma source(%dma_start3A_122 : memref<752x8xf32, #tpu.memory_space<vmem_shared>>) target(%dma_start3A_120 : memref<752x8xf32, #tpu.memory_space<vmem>>) target_semaphore(%run_scoped3A_113 : memref<!tpu.dma_semaphore, #tpu.memory_space<semaphore_mem>>)
      %dma_wait3A = arith.constant 0 : i32
      %dma_wait3A_123 = arith.constant 0 : i32
      %dma_wait3A_124 = tpu.memref_slice %arg9[%dma_wait3A, %dma_wait3A_123] : memref<800x8xf32, #tpu.memory_space<vmem>> -> memref<752x8xf32, #tpu.memory_space<vmem>>
      %dma_wait3A_125 = arith.constant 0 : i32
      %dma_wait3A_126 = tpu.memref_slice %arg10[%add3A_47, %dma_wait3A_125] : memref<50432x8xf32, #tpu.memory_space<vmem_shared>> -> memref<752x8xf32, #tpu.memory_space<vmem_shared>>
      %dma_wait3A_127 = arith.constant 0 : i32
      %dma_wait3A_128 = arith.constant 0 : i32
      %dma_wait3A_129 = tpu.memref_slice %arg9[%dma_wait3A_127, %dma_wait3A_128] : memref<800x8xf32, #tpu.memory_space<vmem>> -> memref<752x8xf32, #tpu.memory_space<vmem>>
      %dma_wait3A_130 = arith.constant 0 : i32
      %dma_wait3A_131 = tpu.memref_slice %arg10[%add3A_47, %dma_wait3A_130] : memref<50432x8xf32, #tpu.memory_space<vmem_shared>> -> memref<752x8xf32, #tpu.memory_space<vmem_shared>>
      tpu.wait_dma2 semaphore(%run_scoped3A_113 : memref<!tpu.dma_semaphore, #tpu.memory_space<semaphore_mem>>) src(%dma_wait3A_131 : memref<752x8xf32, #tpu.memory_space<vmem_shared>>) dst(%dma_wait3A_129 : memref<752x8xf32, #tpu.memory_space<vmem>>)
      tpu.yield
    }) : () -> ()
    %mul3A_48 = arith.constant 50432 : i32
    %mul3A_49 = arith.muli %arg0, %mul3A_48 : i32
    %add3A_50 = arith.addi %mul3A_49, %mul3A_0 : i32
    %add3A_51 = arith.constant 2400 : i32
    %add3A_52 = arith.addi %add3A_50, %add3A_51 : i32
    %run_scoped3A_53 = arith.constant 0 : i32
    "tpu.region"() ({
      %run_scoped3A_113 = tpu.sem_alloc : memref<!tpu.dma_semaphore, #tpu.memory_space<semaphore_mem>>
      %dma_start3A = arith.constant 0 : i32
      %dma_start3A_114 = arith.constant 0 : i32
      %dma_start3A_115 = tpu.memref_slice %arg9[%dma_start3A, %dma_start3A_114] : memref<800x8xf32, #tpu.memory_space<vmem>> -> memref<752x8xf32, #tpu.memory_space<vmem>>
      %dma_start3A_116 = arith.constant 0 : i32
      %dma_start3A_117 = tpu.memref_slice %arg5[%run_scoped3A_53, %add3A_52, %dma_start3A_116] : memref<2x100864x8xf32, #tpu.memory_space<hbm>> -> memref<1x752x8xf32, #tpu.memory_space<hbm>>
      %dma_start3A_118 = tpu.memref_squeeze %dma_start3A_117 : memref<1x752x8xf32, #tpu.memory_space<hbm>> -> memref<752x8xf32, #tpu.memory_space<hbm>>
      %dma_start3A_119 = arith.constant 0 : i32
      %dma_start3A_120 = tpu.memref_slice %arg5[%run_scoped3A_53, %add3A_52, %dma_start3A_119] : memref<2x100864x8xf32, #tpu.memory_space<hbm>> -> memref<1x752x8xf32, #tpu.memory_space<hbm>>
      %dma_start3A_121 = tpu.memref_squeeze %dma_start3A_120 : memref<1x752x8xf32, #tpu.memory_space<hbm>> -> memref<752x8xf32, #tpu.memory_space<hbm>>
      %dma_start3A_122 = arith.constant 0 : i32
      %dma_start3A_123 = arith.constant 0 : i32
      %dma_start3A_124 = tpu.memref_slice %arg9[%dma_start3A_122, %dma_start3A_123] : memref<800x8xf32, #tpu.memory_space<vmem>> -> memref<752x8xf32, #tpu.memory_space<vmem>>
      tpu.enqueue_dma source(%dma_start3A_124 : memref<752x8xf32, #tpu.memory_space<vmem>>) target(%dma_start3A_121 : memref<752x8xf32, #tpu.memory_space<hbm>>) target_semaphore(%run_scoped3A_113 : memref<!tpu.dma_semaphore, #tpu.memory_space<semaphore_mem>>)
      %dma_wait3A = arith.constant 0 : i32
      %dma_wait3A_125 = arith.constant 0 : i32
      %dma_wait3A_126 = tpu.memref_slice %arg9[%dma_wait3A, %dma_wait3A_125] : memref<800x8xf32, #tpu.memory_space<vmem>> -> memref<752x8xf32, #tpu.memory_space<vmem>>
      %dma_wait3A_127 = arith.constant 0 : i32
      %dma_wait3A_128 = tpu.memref_slice %arg5[%run_scoped3A_53, %add3A_52, %dma_wait3A_127] : memref<2x100864x8xf32, #tpu.memory_space<hbm>> -> memref<1x752x8xf32, #tpu.memory_space<hbm>>
      %dma_wait3A_129 = tpu.memref_squeeze %dma_wait3A_128 : memref<1x752x8xf32, #tpu.memory_space<hbm>> -> memref<752x8xf32, #tpu.memory_space<hbm>>
      %dma_wait3A_130 = arith.constant 0 : i32
      %dma_wait3A_131 = tpu.memref_slice %arg5[%run_scoped3A_53, %add3A_52, %dma_wait3A_130] : memref<2x100864x8xf32, #tpu.memory_space<hbm>> -> memref<1x752x8xf32, #tpu.memory_space<hbm>>
      %dma_wait3A_132 = tpu.memref_squeeze %dma_wait3A_131 : memref<1x752x8xf32, #tpu.memory_space<hbm>> -> memref<752x8xf32, #tpu.memory_space<hbm>>
      %dma_wait3A_133 = arith.constant 0 : i32
      %dma_wait3A_134 = arith.constant 0 : i32
      %dma_wait3A_135 = tpu.memref_slice %arg9[%dma_wait3A_133, %dma_wait3A_134] : memref<800x8xf32, #tpu.memory_space<vmem>> -> memref<752x8xf32, #tpu.memory_space<vmem>>
      tpu.wait_dma2 semaphore(%run_scoped3A_113 : memref<!tpu.dma_semaphore, #tpu.memory_space<semaphore_mem>>) src(%dma_wait3A_135 : memref<752x8xf32, #tpu.memory_space<vmem>>) dst(%dma_wait3A_132 : memref<752x8xf32, #tpu.memory_space<hbm>>)
      tpu.yield
    }) : () -> ()
    %barrier3A_54 = arith.constant 0 : index
    tpu.barrier barrier_id(%barrier3A_54)
    %add3A_55 = arith.constant 0 : i32
    %add3A_56 = arith.addi %mul3A_0, %add3A_55 : i32
    "tpu.region"() ({
      %run_scoped3A_113 = tpu.sem_alloc : memref<!tpu.dma_semaphore, #tpu.memory_space<semaphore_mem>>
      %dma_start3A = arith.constant 0 : i32
      %dma_start3A_114 = arith.constant 0 : i32
      %dma_start3A_115 = tpu.memref_slice %arg9[%dma_start3A, %dma_start3A_114] : memref<800x8xf32, #tpu.memory_space<vmem>> -> memref<800x8xf32, #tpu.memory_space<vmem>>
      %dma_start3A_116 = arith.constant 0 : i32
      %dma_start3A_117 = tpu.memref_slice %arg4[%add3A_56, %dma_start3A_116] : memref<50432x8xf32, #tpu.memory_space<hbm>> -> memref<800x8xf32, #tpu.memory_space<hbm>>
      %dma_start3A_118 = arith.constant 0 : i32
      %dma_start3A_119 = arith.constant 0 : i32
      %dma_start3A_120 = tpu.memref_slice %arg9[%dma_start3A_118, %dma_start3A_119] : memref<800x8xf32, #tpu.memory_space<vmem>> -> memref<800x8xf32, #tpu.memory_space<vmem>>
      %dma_start3A_121 = arith.constant 0 : i32
      %dma_start3A_122 = tpu.memref_slice %arg4[%add3A_56, %dma_start3A_121] : memref<50432x8xf32, #tpu.memory_space<hbm>> -> memref<800x8xf32, #tpu.memory_space<hbm>>
      tpu.enqueue_dma source(%dma_start3A_122 : memref<800x8xf32, #tpu.memory_space<hbm>>) target(%dma_start3A_120 : memref<800x8xf32, #tpu.memory_space<vmem>>) target_semaphore(%run_scoped3A_113 : memref<!tpu.dma_semaphore, #tpu.memory_space<semaphore_mem>>)
      %dma_wait3A = arith.constant 0 : i32
      %dma_wait3A_123 = arith.constant 0 : i32
      %dma_wait3A_124 = tpu.memref_slice %arg9[%dma_wait3A, %dma_wait3A_123] : memref<800x8xf32, #tpu.memory_space<vmem>> -> memref<800x8xf32, #tpu.memory_space<vmem>>
      %dma_wait3A_125 = arith.constant 0 : i32
      %dma_wait3A_126 = tpu.memref_slice %arg4[%add3A_56, %dma_wait3A_125] : memref<50432x8xf32, #tpu.memory_space<hbm>> -> memref<800x8xf32, #tpu.memory_space<hbm>>
      %dma_wait3A_127 = arith.constant 0 : i32
      %dma_wait3A_128 = arith.constant 0 : i32
      %dma_wait3A_129 = tpu.memref_slice %arg9[%dma_wait3A_127, %dma_wait3A_128] : memref<800x8xf32, #tpu.memory_space<vmem>> -> memref<800x8xf32, #tpu.memory_space<vmem>>
      %dma_wait3A_130 = arith.constant 0 : i32
      %dma_wait3A_131 = tpu.memref_slice %arg4[%add3A_56, %dma_wait3A_130] : memref<50432x8xf32, #tpu.memory_space<hbm>> -> memref<800x8xf32, #tpu.memory_space<hbm>>
      tpu.wait_dma2 semaphore(%run_scoped3A_113 : memref<!tpu.dma_semaphore, #tpu.memory_space<semaphore_mem>>) src(%dma_wait3A_131 : memref<800x8xf32, #tpu.memory_space<hbm>>) dst(%dma_wait3A_129 : memref<800x8xf32, #tpu.memory_space<vmem>>)
      tpu.yield
    }) : () -> ()
    %add3A_57 = arith.constant 0 : i32
    %add3A_58 = arith.addi %mul3A_0, %add3A_57 : i32
    "tpu.region"() ({
      %run_scoped3A_113 = tpu.sem_alloc : memref<!tpu.dma_semaphore, #tpu.memory_space<semaphore_mem>>
      %dma_start3A = arith.constant 0 : i32
      %dma_start3A_114 = arith.constant 0 : i32
      %dma_start3A_115 = tpu.memref_slice %arg9[%dma_start3A, %dma_start3A_114] : memref<800x8xf32, #tpu.memory_space<vmem>> -> memref<800x8xf32, #tpu.memory_space<vmem>>
      %dma_start3A_116 = arith.constant 0 : i32
      %dma_start3A_117 = tpu.memref_slice %arg10[%add3A_58, %dma_start3A_116] : memref<50432x8xf32, #tpu.memory_space<vmem_shared>> -> memref<800x8xf32, #tpu.memory_space<vmem_shared>>
      %dma_start3A_118 = arith.constant 0 : i32
      %dma_start3A_119 = tpu.memref_slice %arg10[%add3A_58, %dma_start3A_118] : memref<50432x8xf32, #tpu.memory_space<vmem_shared>> -> memref<800x8xf32, #tpu.memory_space<vmem_shared>>
      %dma_start3A_120 = arith.constant 0 : i32
      %dma_start3A_121 = arith.constant 0 : i32
      %dma_start3A_122 = tpu.memref_slice %arg9[%dma_start3A_120, %dma_start3A_121] : memref<800x8xf32, #tpu.memory_space<vmem>> -> memref<800x8xf32, #tpu.memory_space<vmem>>
      tpu.enqueue_dma source(%dma_start3A_122 : memref<800x8xf32, #tpu.memory_space<vmem>>) target(%dma_start3A_119 : memref<800x8xf32, #tpu.memory_space<vmem_shared>>) target_semaphore(%run_scoped3A_113 : memref<!tpu.dma_semaphore, #tpu.memory_space<semaphore_mem>>)
      %dma_wait3A = arith.constant 0 : i32
      %dma_wait3A_123 = arith.constant 0 : i32
      %dma_wait3A_124 = tpu.memref_slice %arg9[%dma_wait3A, %dma_wait3A_123] : memref<800x8xf32, #tpu.memory_space<vmem>> -> memref<800x8xf32, #tpu.memory_space<vmem>>
      %dma_wait3A_125 = arith.constant 0 : i32
      %dma_wait3A_126 = tpu.memref_slice %arg10[%add3A_58, %dma_wait3A_125] : memref<50432x8xf32, #tpu.memory_space<vmem_shared>> -> memref<800x8xf32, #tpu.memory_space<vmem_shared>>
      %dma_wait3A_127 = arith.constant 0 : i32
      %dma_wait3A_128 = tpu.memref_slice %arg10[%add3A_58, %dma_wait3A_127] : memref<50432x8xf32, #tpu.memory_space<vmem_shared>> -> memref<800x8xf32, #tpu.memory_space<vmem_shared>>
      %dma_wait3A_129 = arith.constant 0 : i32
      %dma_wait3A_130 = arith.constant 0 : i32
      %dma_wait3A_131 = tpu.memref_slice %arg9[%dma_wait3A_129, %dma_wait3A_130] : memref<800x8xf32, #tpu.memory_space<vmem>> -> memref<800x8xf32, #tpu.memory_space<vmem>>
      tpu.wait_dma2 semaphore(%run_scoped3A_113 : memref<!tpu.dma_semaphore, #tpu.memory_space<semaphore_mem>>) src(%dma_wait3A_131 : memref<800x8xf32, #tpu.memory_space<vmem>>) dst(%dma_wait3A_128 : memref<800x8xf32, #tpu.memory_space<vmem_shared>>)
      tpu.yield
    }) : () -> ()
    %add3A_59 = arith.constant 800 : i32
    %add3A_60 = arith.addi %mul3A_0, %add3A_59 : i32
    "tpu.region"() ({
      %run_scoped3A_113 = tpu.sem_alloc : memref<!tpu.dma_semaphore, #tpu.memory_space<semaphore_mem>>
      %dma_start3A = arith.constant 0 : i32
      %dma_start3A_114 = arith.constant 0 : i32
      %dma_start3A_115 = tpu.memref_slice %arg9[%dma_start3A, %dma_start3A_114] : memref<800x8xf32, #tpu.memory_space<vmem>> -> memref<800x8xf32, #tpu.memory_space<vmem>>
      %dma_start3A_116 = arith.constant 0 : i32
      %dma_start3A_117 = tpu.memref_slice %arg4[%add3A_60, %dma_start3A_116] : memref<50432x8xf32, #tpu.memory_space<hbm>> -> memref<800x8xf32, #tpu.memory_space<hbm>>
      %dma_start3A_118 = arith.constant 0 : i32
      %dma_start3A_119 = arith.constant 0 : i32
      %dma_start3A_120 = tpu.memref_slice %arg9[%dma_start3A_118, %dma_start3A_119] : memref<800x8xf32, #tpu.memory_space<vmem>> -> memref<800x8xf32, #tpu.memory_space<vmem>>
      %dma_start3A_121 = arith.constant 0 : i32
      %dma_start3A_122 = tpu.memref_slice %arg4[%add3A_60, %dma_start3A_121] : memref<50432x8xf32, #tpu.memory_space<hbm>> -> memref<800x8xf32, #tpu.memory_space<hbm>>
      tpu.enqueue_dma source(%dma_start3A_122 : memref<800x8xf32, #tpu.memory_space<hbm>>) target(%dma_start3A_120 : memref<800x8xf32, #tpu.memory_space<vmem>>) target_semaphore(%run_scoped3A_113 : memref<!tpu.dma_semaphore, #tpu.memory_space<semaphore_mem>>)
      %dma_wait3A = arith.constant 0 : i32
      %dma_wait3A_123 = arith.constant 0 : i32
      %dma_wait3A_124 = tpu.memref_slice %arg9[%dma_wait3A, %dma_wait3A_123] : memref<800x8xf32, #tpu.memory_space<vmem>> -> memref<800x8xf32, #tpu.memory_space<vmem>>
      %dma_wait3A_125 = arith.constant 0 : i32
      %dma_wait3A_126 = tpu.memref_slice %arg4[%add3A_60, %dma_wait3A_125] : memref<50432x8xf32, #tpu.memory_space<hbm>> -> memref<800x8xf32, #tpu.memory_space<hbm>>
      %dma_wait3A_127 = arith.constant 0 : i32
      %dma_wait3A_128 = arith.constant 0 : i32
      %dma_wait3A_129 = tpu.memref_slice %arg9[%dma_wait3A_127, %dma_wait3A_128] : memref<800x8xf32, #tpu.memory_space<vmem>> -> memref<800x8xf32, #tpu.memory_space<vmem>>
      %dma_wait3A_130 = arith.constant 0 : i32
      %dma_wait3A_131 = tpu.memref_slice %arg4[%add3A_60, %dma_wait3A_130] : memref<50432x8xf32, #tpu.memory_space<hbm>> -> memref<800x8xf32, #tpu.memory_space<hbm>>
      tpu.wait_dma2 semaphore(%run_scoped3A_113 : memref<!tpu.dma_semaphore, #tpu.memory_space<semaphore_mem>>) src(%dma_wait3A_131 : memref<800x8xf32, #tpu.memory_space<hbm>>) dst(%dma_wait3A_129 : memref<800x8xf32, #tpu.memory_space<vmem>>)
      tpu.yield
    }) : () -> ()
    %add3A_61 = arith.constant 800 : i32
    %add3A_62 = arith.addi %mul3A_0, %add3A_61 : i32
    "tpu.region"() ({
      %run_scoped3A_113 = tpu.sem_alloc : memref<!tpu.dma_semaphore, #tpu.memory_space<semaphore_mem>>
      %dma_start3A = arith.constant 0 : i32
      %dma_start3A_114 = arith.constant 0 : i32
      %dma_start3A_115 = tpu.memref_slice %arg9[%dma_start3A, %dma_start3A_114] : memref<800x8xf32, #tpu.memory_space<vmem>> -> memref<800x8xf32, #tpu.memory_space<vmem>>
      %dma_start3A_116 = arith.constant 0 : i32
      %dma_start3A_117 = tpu.memref_slice %arg10[%add3A_62, %dma_start3A_116] : memref<50432x8xf32, #tpu.memory_space<vmem_shared>> -> memref<800x8xf32, #tpu.memory_space<vmem_shared>>
      %dma_start3A_118 = arith.constant 0 : i32
      %dma_start3A_119 = tpu.memref_slice %arg10[%add3A_62, %dma_start3A_118] : memref<50432x8xf32, #tpu.memory_space<vmem_shared>> -> memref<800x8xf32, #tpu.memory_space<vmem_shared>>
      %dma_start3A_120 = arith.constant 0 : i32
      %dma_start3A_121 = arith.constant 0 : i32
      %dma_start3A_122 = tpu.memref_slice %arg9[%dma_start3A_120, %dma_start3A_121] : memref<800x8xf32, #tpu.memory_space<vmem>> -> memref<800x8xf32, #tpu.memory_space<vmem>>
      tpu.enqueue_dma source(%dma_start3A_122 : memref<800x8xf32, #tpu.memory_space<vmem>>) target(%dma_start3A_119 : memref<800x8xf32, #tpu.memory_space<vmem_shared>>) target_semaphore(%run_scoped3A_113 : memref<!tpu.dma_semaphore, #tpu.memory_space<semaphore_mem>>)
      %dma_wait3A = arith.constant 0 : i32
      %dma_wait3A_123 = arith.constant 0 : i32
      %dma_wait3A_124 = tpu.memref_slice %arg9[%dma_wait3A, %dma_wait3A_123] : memref<800x8xf32, #tpu.memory_space<vmem>> -> memref<800x8xf32, #tpu.memory_space<vmem>>
      %dma_wait3A_125 = arith.constant 0 : i32
      %dma_wait3A_126 = tpu.memref_slice %arg10[%add3A_62, %dma_wait3A_125] : memref<50432x8xf32, #tpu.memory_space<vmem_shared>> -> memref<800x8xf32, #tpu.memory_space<vmem_shared>>
      %dma_wait3A_127 = arith.constant 0 : i32
      %dma_wait3A_128 = tpu.memref_slice %arg10[%add3A_62, %dma_wait3A_127] : memref<50432x8xf32, #tpu.memory_space<vmem_shared>> -> memref<800x8xf32, #tpu.memory_space<vmem_shared>>
      %dma_wait3A_129 = arith.constant 0 : i32
      %dma_wait3A_130 = arith.constant 0 : i32
      %dma_wait3A_131 = tpu.memref_slice %arg9[%dma_wait3A_129, %dma_wait3A_130] : memref<800x8xf32, #tpu.memory_space<vmem>> -> memref<800x8xf32, #tpu.memory_space<vmem>>
      tpu.wait_dma2 semaphore(%run_scoped3A_113 : memref<!tpu.dma_semaphore, #tpu.memory_space<semaphore_mem>>) src(%dma_wait3A_131 : memref<800x8xf32, #tpu.memory_space<vmem>>) dst(%dma_wait3A_128 : memref<800x8xf32, #tpu.memory_space<vmem_shared>>)
      tpu.yield
    }) : () -> ()
    %add3A_63 = arith.constant 1600 : i32
    %add3A_64 = arith.addi %mul3A_0, %add3A_63 : i32
    "tpu.region"() ({
      %run_scoped3A_113 = tpu.sem_alloc : memref<!tpu.dma_semaphore, #tpu.memory_space<semaphore_mem>>
      %dma_start3A = arith.constant 0 : i32
      %dma_start3A_114 = arith.constant 0 : i32
      %dma_start3A_115 = tpu.memref_slice %arg9[%dma_start3A, %dma_start3A_114] : memref<800x8xf32, #tpu.memory_space<vmem>> -> memref<800x8xf32, #tpu.memory_space<vmem>>
      %dma_start3A_116 = arith.constant 0 : i32
      %dma_start3A_117 = tpu.memref_slice %arg4[%add3A_64, %dma_start3A_116] : memref<50432x8xf32, #tpu.memory_space<hbm>> -> memref<800x8xf32, #tpu.memory_space<hbm>>
      %dma_start3A_118 = arith.constant 0 : i32
      %dma_start3A_119 = arith.constant 0 : i32
      %dma_start3A_120 = tpu.memref_slice %arg9[%dma_start3A_118, %dma_start3A_119] : memref<800x8xf32, #tpu.memory_space<vmem>> -> memref<800x8xf32, #tpu.memory_space<vmem>>
      %dma_start3A_121 = arith.constant 0 : i32
      %dma_start3A_122 = tpu.memref_slice %arg4[%add3A_64, %dma_start3A_121] : memref<50432x8xf32, #tpu.memory_space<hbm>> -> memref<800x8xf32, #tpu.memory_space<hbm>>
      tpu.enqueue_dma source(%dma_start3A_122 : memref<800x8xf32, #tpu.memory_space<hbm>>) target(%dma_start3A_120 : memref<800x8xf32, #tpu.memory_space<vmem>>) target_semaphore(%run_scoped3A_113 : memref<!tpu.dma_semaphore, #tpu.memory_space<semaphore_mem>>)
      %dma_wait3A = arith.constant 0 : i32
      %dma_wait3A_123 = arith.constant 0 : i32
      %dma_wait3A_124 = tpu.memref_slice %arg9[%dma_wait3A, %dma_wait3A_123] : memref<800x8xf32, #tpu.memory_space<vmem>> -> memref<800x8xf32, #tpu.memory_space<vmem>>
      %dma_wait3A_125 = arith.constant 0 : i32
      %dma_wait3A_126 = tpu.memref_slice %arg4[%add3A_64, %dma_wait3A_125] : memref<50432x8xf32, #tpu.memory_space<hbm>> -> memref<800x8xf32, #tpu.memory_space<hbm>>
      %dma_wait3A_127 = arith.constant 0 : i32
      %dma_wait3A_128 = arith.constant 0 : i32
      %dma_wait3A_129 = tpu.memref_slice %arg9[%dma_wait3A_127, %dma_wait3A_128] : memref<800x8xf32, #tpu.memory_space<vmem>> -> memref<800x8xf32, #tpu.memory_space<vmem>>
      %dma_wait3A_130 = arith.constant 0 : i32
      %dma_wait3A_131 = tpu.memref_slice %arg4[%add3A_64, %dma_wait3A_130] : memref<50432x8xf32, #tpu.memory_space<hbm>> -> memref<800x8xf32, #tpu.memory_space<hbm>>
      tpu.wait_dma2 semaphore(%run_scoped3A_113 : memref<!tpu.dma_semaphore, #tpu.memory_space<semaphore_mem>>) src(%dma_wait3A_131 : memref<800x8xf32, #tpu.memory_space<hbm>>) dst(%dma_wait3A_129 : memref<800x8xf32, #tpu.memory_space<vmem>>)
      tpu.yield
    }) : () -> ()
    %add3A_65 = arith.constant 1600 : i32
    %add3A_66 = arith.addi %mul3A_0, %add3A_65 : i32
    "tpu.region"() ({
      %run_scoped3A_113 = tpu.sem_alloc : memref<!tpu.dma_semaphore, #tpu.memory_space<semaphore_mem>>
      %dma_start3A = arith.constant 0 : i32
      %dma_start3A_114 = arith.constant 0 : i32
      %dma_start3A_115 = tpu.memref_slice %arg9[%dma_start3A, %dma_start3A_114] : memref<800x8xf32, #tpu.memory_space<vmem>> -> memref<800x8xf32, #tpu.memory_space<vmem>>
      %dma_start3A_116 = arith.constant 0 : i32
      %dma_start3A_117 = tpu.memref_slice %arg10[%add3A_66, %dma_start3A_116] : memref<50432x8xf32, #tpu.memory_space<vmem_shared>> -> memref<800x8xf32, #tpu.memory_space<vmem_shared>>
      %dma_start3A_118 = arith.constant 0 : i32
      %dma_start3A_119 = tpu.memref_slice %arg10[%add3A_66, %dma_start3A_118] : memref<50432x8xf32, #tpu.memory_space<vmem_shared>> -> memref<800x8xf32, #tpu.memory_space<vmem_shared>>
      %dma_start3A_120 = arith.constant 0 : i32
      %dma_start3A_121 = arith.constant 0 : i32
      %dma_start3A_122 = tpu.memref_slice %arg9[%dma_start3A_120, %dma_start3A_121] : memref<800x8xf32, #tpu.memory_space<vmem>> -> memref<800x8xf32, #tpu.memory_space<vmem>>
      tpu.enqueue_dma source(%dma_start3A_122 : memref<800x8xf32, #tpu.memory_space<vmem>>) target(%dma_start3A_119 : memref<800x8xf32, #tpu.memory_space<vmem_shared>>) target_semaphore(%run_scoped3A_113 : memref<!tpu.dma_semaphore, #tpu.memory_space<semaphore_mem>>)
      %dma_wait3A = arith.constant 0 : i32
      %dma_wait3A_123 = arith.constant 0 : i32
      %dma_wait3A_124 = tpu.memref_slice %arg9[%dma_wait3A, %dma_wait3A_123] : memref<800x8xf32, #tpu.memory_space<vmem>> -> memref<800x8xf32, #tpu.memory_space<vmem>>
      %dma_wait3A_125 = arith.constant 0 : i32
      %dma_wait3A_126 = tpu.memref_slice %arg10[%add3A_66, %dma_wait3A_125] : memref<50432x8xf32, #tpu.memory_space<vmem_shared>> -> memref<800x8xf32, #tpu.memory_space<vmem_shared>>
      %dma_wait3A_127 = arith.constant 0 : i32
      %dma_wait3A_128 = tpu.memref_slice %arg10[%add3A_66, %dma_wait3A_127] : memref<50432x8xf32, #tpu.memory_space<vmem_shared>> -> memref<800x8xf32, #tpu.memory_space<vmem_shared>>
      %dma_wait3A_129 = arith.constant 0 : i32
      %dma_wait3A_130 = arith.constant 0 : i32
      %dma_wait3A_131 = tpu.memref_slice %arg9[%dma_wait3A_129, %dma_wait3A_130] : memref<800x8xf32, #tpu.memory_space<vmem>> -> memref<800x8xf32, #tpu.memory_space<vmem>>
      tpu.wait_dma2 semaphore(%run_scoped3A_113 : memref<!tpu.dma_semaphore, #tpu.memory_space<semaphore_mem>>) src(%dma_wait3A_131 : memref<800x8xf32, #tpu.memory_space<vmem>>) dst(%dma_wait3A_128 : memref<800x8xf32, #tpu.memory_space<vmem_shared>>)
      tpu.yield
    }) : () -> ()
    %add3A_67 = arith.constant 2400 : i32
    %add3A_68 = arith.addi %mul3A_0, %add3A_67 : i32
    "tpu.region"() ({
      %run_scoped3A_113 = tpu.sem_alloc : memref<!tpu.dma_semaphore, #tpu.memory_space<semaphore_mem>>
      %dma_start3A = arith.constant 0 : i32
      %dma_start3A_114 = arith.constant 0 : i32
      %dma_start3A_115 = tpu.memref_slice %arg9[%dma_start3A, %dma_start3A_114] : memref<800x8xf32, #tpu.memory_space<vmem>> -> memref<752x8xf32, #tpu.memory_space<vmem>>
      %dma_start3A_116 = arith.constant 0 : i32
      %dma_start3A_117 = tpu.memref_slice %arg4[%add3A_68, %dma_start3A_116] : memref<50432x8xf32, #tpu.memory_space<hbm>> -> memref<752x8xf32, #tpu.memory_space<hbm>>
      %dma_start3A_118 = arith.constant 0 : i32
      %dma_start3A_119 = arith.constant 0 : i32
      %dma_start3A_120 = tpu.memref_slice %arg9[%dma_start3A_118, %dma_start3A_119] : memref<800x8xf32, #tpu.memory_space<vmem>> -> memref<752x8xf32, #tpu.memory_space<vmem>>
      %dma_start3A_121 = arith.constant 0 : i32
      %dma_start3A_122 = tpu.memref_slice %arg4[%add3A_68, %dma_start3A_121] : memref<50432x8xf32, #tpu.memory_space<hbm>> -> memref<752x8xf32, #tpu.memory_space<hbm>>
      tpu.enqueue_dma source(%dma_start3A_122 : memref<752x8xf32, #tpu.memory_space<hbm>>) target(%dma_start3A_120 : memref<752x8xf32, #tpu.memory_space<vmem>>) target_semaphore(%run_scoped3A_113 : memref<!tpu.dma_semaphore, #tpu.memory_space<semaphore_mem>>)
      %dma_wait3A = arith.constant 0 : i32
      %dma_wait3A_123 = arith.constant 0 : i32
      %dma_wait3A_124 = tpu.memref_slice %arg9[%dma_wait3A, %dma_wait3A_123] : memref<800x8xf32, #tpu.memory_space<vmem>> -> memref<752x8xf32, #tpu.memory_space<vmem>>
      %dma_wait3A_125 = arith.constant 0 : i32
      %dma_wait3A_126 = tpu.memref_slice %arg4[%add3A_68, %dma_wait3A_125] : memref<50432x8xf32, #tpu.memory_space<hbm>> -> memref<752x8xf32, #tpu.memory_space<hbm>>
      %dma_wait3A_127 = arith.constant 0 : i32
      %dma_wait3A_128 = arith.constant 0 : i32
      %dma_wait3A_129 = tpu.memref_slice %arg9[%dma_wait3A_127, %dma_wait3A_128] : memref<800x8xf32, #tpu.memory_space<vmem>> -> memref<752x8xf32, #tpu.memory_space<vmem>>
      %dma_wait3A_130 = arith.constant 0 : i32
      %dma_wait3A_131 = tpu.memref_slice %arg4[%add3A_68, %dma_wait3A_130] : memref<50432x8xf32, #tpu.memory_space<hbm>> -> memref<752x8xf32, #tpu.memory_space<hbm>>
      tpu.wait_dma2 semaphore(%run_scoped3A_113 : memref<!tpu.dma_semaphore, #tpu.memory_space<semaphore_mem>>) src(%dma_wait3A_131 : memref<752x8xf32, #tpu.memory_space<hbm>>) dst(%dma_wait3A_129 : memref<752x8xf32, #tpu.memory_space<vmem>>)
      tpu.yield
    }) : () -> ()
    %add3A_69 = arith.constant 2400 : i32
    %add3A_70 = arith.addi %mul3A_0, %add3A_69 : i32
    "tpu.region"() ({
      %run_scoped3A_113 = tpu.sem_alloc : memref<!tpu.dma_semaphore, #tpu.memory_space<semaphore_mem>>
      %dma_start3A = arith.constant 0 : i32
      %dma_start3A_114 = arith.constant 0 : i32
      %dma_start3A_115 = tpu.memref_slice %arg9[%dma_start3A, %dma_start3A_114] : memref<800x8xf32, #tpu.memory_space<vmem>> -> memref<752x8xf32, #tpu.memory_space<vmem>>
      %dma_start3A_116 = arith.constant 0 : i32
      %dma_start3A_117 = tpu.memref_slice %arg10[%add3A_70, %dma_start3A_116] : memref<50432x8xf32, #tpu.memory_space<vmem_shared>> -> memref<752x8xf32, #tpu.memory_space<vmem_shared>>
      %dma_start3A_118 = arith.constant 0 : i32
      %dma_start3A_119 = tpu.memref_slice %arg10[%add3A_70, %dma_start3A_118] : memref<50432x8xf32, #tpu.memory_space<vmem_shared>> -> memref<752x8xf32, #tpu.memory_space<vmem_shared>>
      %dma_start3A_120 = arith.constant 0 : i32
      %dma_start3A_121 = arith.constant 0 : i32
      %dma_start3A_122 = tpu.memref_slice %arg9[%dma_start3A_120, %dma_start3A_121] : memref<800x8xf32, #tpu.memory_space<vmem>> -> memref<752x8xf32, #tpu.memory_space<vmem>>
      tpu.enqueue_dma source(%dma_start3A_122 : memref<752x8xf32, #tpu.memory_space<vmem>>) target(%dma_start3A_119 : memref<752x8xf32, #tpu.memory_space<vmem_shared>>) target_semaphore(%run_scoped3A_113 : memref<!tpu.dma_semaphore, #tpu.memory_space<semaphore_mem>>)
      %dma_wait3A = arith.constant 0 : i32
      %dma_wait3A_123 = arith.constant 0 : i32
      %dma_wait3A_124 = tpu.memref_slice %arg9[%dma_wait3A, %dma_wait3A_123] : memref<800x8xf32, #tpu.memory_space<vmem>> -> memref<752x8xf32, #tpu.memory_space<vmem>>
      %dma_wait3A_125 = arith.constant 0 : i32
      %dma_wait3A_126 = tpu.memref_slice %arg10[%add3A_70, %dma_wait3A_125] : memref<50432x8xf32, #tpu.memory_space<vmem_shared>> -> memref<752x8xf32, #tpu.memory_space<vmem_shared>>
      %dma_wait3A_127 = arith.constant 0 : i32
      %dma_wait3A_128 = tpu.memref_slice %arg10[%add3A_70, %dma_wait3A_127] : memref<50432x8xf32, #tpu.memory_space<vmem_shared>> -> memref<752x8xf32, #tpu.memory_space<vmem_shared>>
      %dma_wait3A_129 = arith.constant 0 : i32
      %dma_wait3A_130 = arith.constant 0 : i32
      %dma_wait3A_131 = tpu.memref_slice %arg9[%dma_wait3A_129, %dma_wait3A_130] : memref<800x8xf32, #tpu.memory_space<vmem>> -> memref<752x8xf32, #tpu.memory_space<vmem>>
      tpu.wait_dma2 semaphore(%run_scoped3A_113 : memref<!tpu.dma_semaphore, #tpu.memory_space<semaphore_mem>>) src(%dma_wait3A_131 : memref<752x8xf32, #tpu.memory_space<vmem>>) dst(%dma_wait3A_128 : memref<752x8xf32, #tpu.memory_space<vmem_shared>>)
      tpu.yield
    }) : () -> ()
    %barrier3A_71 = arith.constant 0 : index
    tpu.barrier barrier_id(%barrier3A_71)
    %scan3A_72 = arith.constant 0 : i32
    %scan3A_73 = arith.constant 0 : i32
    %scan3A_74 = arith.constant 10 : i32
    %scan3A_75 = arith.addi %scan3A_73, %scan3A_74 : i32
    %scan3A_76 = arith.constant 1 : i32
    %scan3A_77 = scf.for %scan3A_113 = %scan3A_73 to %scan3A_75 step %scan3A_76 iter_args(%scan3A_114 = %scan3A_72) -> (i32)  : i32 {
      %mul3A_115 = arith.constant 51200 : i32
      %mul3A_116 = arith.muli %arg1, %mul3A_115 : i32
      %mul3A_117 = arith.constant 5120 : i32
      %mul3A_118 = arith.muli %scan3A_113, %mul3A_117 : i32
      %add3A_119 = arith.addi %mul3A_116, %mul3A_118 : i32
      %jit3A = arith.constant 128 : i32
      %div3A = arith.divsi %add3A_119, %jit3A : i32
      %sign3A = arith.constant 0 : i32
      %sign3A_120 = arith.cmpi sgt, %add3A_119, %sign3A : i32
      %sign3A_121 = arith.extui %sign3A_120 : i1 to i32
      %sign3A_122 = arith.constant 0 : i32
      %sign3A_123 = arith.cmpi slt, %add3A_119, %sign3A_122 : i32
      %sign3A_124 = arith.extui %sign3A_123 : i1 to i32
      %sign3A_125 = arith.subi %sign3A_121, %sign3A_124 : i32
      %sign3A_126 = arith.constant 0 : i32
      %sign3A_127 = arith.cmpi sgt, %jit3A, %sign3A_126 : i32
      %sign3A_128 = arith.extui %sign3A_127 : i1 to i32
      %sign3A_129 = arith.constant 0 : i32
      %sign3A_130 = arith.cmpi slt, %jit3A, %sign3A_129 : i32
      %sign3A_131 = arith.extui %sign3A_130 : i1 to i32
      %sign3A_132 = arith.subi %sign3A_128, %sign3A_131 : i32
      %ne3A = arith.cmpi ne, %sign3A_125, %sign3A_132 : i32
      %rem3A = arith.remsi %add3A_119, %jit3A : i32
      %ne3A_133 = arith.constant 0 : i32
      %ne3A_134 = arith.cmpi ne, %rem3A, %ne3A_133 : i32
      %and3A = arith.andi %ne3A, %ne3A_134 : i1
      %sub3A = arith.constant 1 : i32
      %sub3A_135 = arith.subi %div3A, %sub3A : i32
      %select_n3A = arith.select %and3A, %sub3A_135, %div3A : i32
      "tpu.region"() ({
        %run_scoped3A_144 = tpu.sem_alloc : memref<!tpu.dma_semaphore, #tpu.memory_space<semaphore_mem>>
        %dma_start3A = arith.constant 8 : i32
        %dma_start3A_145 = arith.constant 0 : i32
        %dma_start3A_146 = tpu.memref_slice %arg2[%arg0, %dma_start3A, %select_n3A, %dma_start3A_145] : memref<2x16x6400x128xf32, #tpu.memory_space<hbm>> -> memref<1x8x40x128xf32, #tpu.memory_space<hbm>>
        %dma_start3A_147 = tpu.memref_squeeze %dma_start3A_146 : memref<1x8x40x128xf32, #tpu.memory_space<hbm>> -> memref<8x40x128xf32, #tpu.memory_space<hbm>>
        %dma_start3A_148 = arith.constant 8 : i32
        %dma_start3A_149 = arith.constant 0 : i32
        %dma_start3A_150 = tpu.memref_slice %arg2[%arg0, %dma_start3A_148, %select_n3A, %dma_start3A_149] : memref<2x16x6400x128xf32, #tpu.memory_space<hbm>> -> memref<1x8x40x128xf32, #tpu.memory_space<hbm>>
        %dma_start3A_151 = tpu.memref_squeeze %dma_start3A_150 : memref<1x8x40x128xf32, #tpu.memory_space<hbm>> -> memref<8x40x128xf32, #tpu.memory_space<hbm>>
        tpu.enqueue_dma source(%dma_start3A_151 : memref<8x40x128xf32, #tpu.memory_space<hbm>>) target(%arg6 : memref<8x40x128xf32, #tpu.memory_space<vmem>>) target_semaphore(%run_scoped3A_144 : memref<!tpu.dma_semaphore, #tpu.memory_space<semaphore_mem>>)
        %dma_wait3A = arith.constant 8 : i32
        %dma_wait3A_152 = arith.constant 0 : i32
        %dma_wait3A_153 = tpu.memref_slice %arg2[%arg0, %dma_wait3A, %select_n3A, %dma_wait3A_152] : memref<2x16x6400x128xf32, #tpu.memory_space<hbm>> -> memref<1x8x40x128xf32, #tpu.memory_space<hbm>>
        %dma_wait3A_154 = tpu.memref_squeeze %dma_wait3A_153 : memref<1x8x40x128xf32, #tpu.memory_space<hbm>> -> memref<8x40x128xf32, #tpu.memory_space<hbm>>
        %dma_wait3A_155 = arith.constant 8 : i32
        %dma_wait3A_156 = arith.constant 0 : i32
        %dma_wait3A_157 = tpu.memref_slice %arg2[%arg0, %dma_wait3A_155, %select_n3A, %dma_wait3A_156] : memref<2x16x6400x128xf32, #tpu.memory_space<hbm>> -> memref<1x8x40x128xf32, #tpu.memory_space<hbm>>
        %dma_wait3A_158 = tpu.memref_squeeze %dma_wait3A_157 : memref<1x8x40x128xf32, #tpu.memory_space<hbm>> -> memref<8x40x128xf32, #tpu.memory_space<hbm>>
        tpu.wait_dma2 semaphore(%run_scoped3A_144 : memref<!tpu.dma_semaphore, #tpu.memory_space<semaphore_mem>>) src(%dma_wait3A_158 : memref<8x40x128xf32, #tpu.memory_space<hbm>>) dst(%arg6 : memref<8x40x128xf32, #tpu.memory_space<vmem>>)
        tpu.yield
      }) : () -> ()
      "tpu.region"() ({
        %run_scoped3A_144 = tpu.sem_alloc : memref<!tpu.dma_semaphore, #tpu.memory_space<semaphore_mem>>
        %dma_start3A = tpu.memref_slice %arg3[%add3A_119] : memref<819200xi32, #tpu.memory_space<hbm>> -> memref<5120xi32, #tpu.memory_space<hbm>>
        %dma_start3A_145 = tpu.memref_slice %arg3[%add3A_119] : memref<819200xi32, #tpu.memory_space<hbm>> -> memref<5120xi32, #tpu.memory_space<hbm>>
        tpu.enqueue_dma source(%dma_start3A_145 : memref<5120xi32, #tpu.memory_space<hbm>>) target(%arg8 : memref<5120xi32, #tpu.memory_space<vmem>>) target_semaphore(%run_scoped3A_144 : memref<!tpu.dma_semaphore, #tpu.memory_space<semaphore_mem>>)
        %dma_wait3A = tpu.memref_slice %arg3[%add3A_119] : memref<819200xi32, #tpu.memory_space<hbm>> -> memref<5120xi32, #tpu.memory_space<hbm>>
        %dma_wait3A_146 = tpu.memref_slice %arg3[%add3A_119] : memref<819200xi32, #tpu.memory_space<hbm>> -> memref<5120xi32, #tpu.memory_space<hbm>>
        tpu.wait_dma2 semaphore(%run_scoped3A_144 : memref<!tpu.dma_semaphore, #tpu.memory_space<semaphore_mem>>) src(%dma_wait3A_146 : memref<5120xi32, #tpu.memory_space<hbm>>) dst(%arg8 : memref<5120xi32, #tpu.memory_space<vmem>>)
        tpu.yield
      }) : () -> ()
      %scan3A_136 = arith.constant 0 : i32
      %scan3A_137 = arith.constant 0 : i32
      %scan3A_138 = arith.constant 320 : i32
      %scan3A_139 = arith.addi %scan3A_137, %scan3A_138 : i32
      %scan3A_140 = arith.constant 1 : i32
      %scan3A_141 = scf.for %scan3A_144 = %scan3A_137 to %scan3A_139 step %scan3A_140 iter_args(%scan3A_145 = %scan3A_136) -> (i32)  : i32 {
        %mul3A_146 = arith.constant 16 : i32
        %mul3A_147 = arith.muli %scan3A_144, %mul3A_146 : i32
        %add3A_148 = vector.broadcast %mul3A_147 : i32 to vector<16xi32>
        %add3A_149 = arith.addi %add3A_148, %iota3A : vector<16xi32>
        %shift_right_logical3A = arith.constant 3 : i32
        %shift_right_logical3A_150 = arith.shrui %scan3A_144, %shift_right_logical3A : i32
        %and3A_151 = arith.constant 7 : i32
        %and3A_152 = arith.andi %scan3A_144, %and3A_151 : i32
        %mul3A_153 = arith.constant 16 : i32
        %mul3A_154 = arith.muli %and3A_152, %mul3A_153 : i32
        %get3A = arith.constant 0 : i32
        %get3A_155 = arith.index_cast %get3A : i32 to index
        %get3A_156 = arith.index_cast %shift_right_logical3A_150 : i32 to index
        %get3A_157 = arith.index_cast %mul3A_154 : i32 to index
        %get3A_158 = tpu.vector_load %arg6[%get3A_155, %get3A_156, %get3A_157] {strides = array<i32>} : memref<8x40x128xf32, #tpu.memory_space<vmem>>, vector<16xf32>,
        %broadcast_in_dim3A = arith.constant 0 : i32
        %broadcast_in_dim3A_159 = vector.broadcast %broadcast_in_dim3A : i32 to vector<16xi32>
        tpu.vector_store_idx %arg7[%add3A_149, %broadcast_in_dim3A_159], %get3A_158 : memref<5120x8xf32, #tpu.memory_space<vmem>>[vector<16xi32>, vector<16xi32>], vector<16xf32>,
        %get3A_160 = arith.constant 1 : i32
        %get3A_161 = arith.index_cast %get3A_160 : i32 to index
        %get3A_162 = arith.index_cast %shift_right_logical3A_150 : i32 to index
        %get3A_163 = arith.index_cast %mul3A_154 : i32 to index
        %get3A_164 = tpu.vector_load %arg6[%get3A_161, %get3A_162, %get3A_163] {strides = array<i32>} : memref<8x40x128xf32, #tpu.memory_space<vmem>>, vector<16xf32>,
        %broadcast_in_dim3A_165 = arith.constant 1 : i32
        %broadcast_in_dim3A_166 = vector.broadcast %broadcast_in_dim3A_165 : i32 to vector<16xi32>
        tpu.vector_store_idx %arg7[%add3A_149, %broadcast_in_dim3A_166], %get3A_164 : memref<5120x8xf32, #tpu.memory_space<vmem>>[vector<16xi32>, vector<16xi32>], vector<16xf32>,
        %get3A_167 = arith.constant 2 : i32
        %get3A_168 = arith.index_cast %get3A_167 : i32 to index
        %get3A_169 = arith.index_cast %shift_right_logical3A_150 : i32 to index
        %get3A_170 = arith.index_cast %mul3A_154 : i32 to index
        %get3A_171 = tpu.vector_load %arg6[%get3A_168, %get3A_169, %get3A_170] {strides = array<i32>} : memref<8x40x128xf32, #tpu.memory_space<vmem>>, vector<16xf32>,
        %broadcast_in_dim3A_172 = arith.constant 2 : i32
        %broadcast_in_dim3A_173 = vector.broadcast %broadcast_in_dim3A_172 : i32 to vector<16xi32>
        tpu.vector_store_idx %arg7[%add3A_149, %broadcast_in_dim3A_173], %get3A_171 : memref<5120x8xf32, #tpu.memory_space<vmem>>[vector<16xi32>, vector<16xi32>], vector<16xf32>,
        %get3A_174 = arith.constant 3 : i32
        %get3A_175 = arith.index_cast %get3A_174 : i32 to index
        %get3A_176 = arith.index_cast %shift_right_logical3A_150 : i32 to index
        %get3A_177 = arith.index_cast %mul3A_154 : i32 to index
        %get3A_178 = tpu.vector_load %arg6[%get3A_175, %get3A_176, %get3A_177] {strides = array<i32>} : memref<8x40x128xf32, #tpu.memory_space<vmem>>, vector<16xf32>,
        %broadcast_in_dim3A_179 = arith.constant 3 : i32
        %broadcast_in_dim3A_180 = vector.broadcast %broadcast_in_dim3A_179 : i32 to vector<16xi32>
        tpu.vector_store_idx %arg7[%add3A_149, %broadcast_in_dim3A_180], %get3A_178 : memref<5120x8xf32, #tpu.memory_space<vmem>>[vector<16xi32>, vector<16xi32>], vector<16xf32>,
        %get3A_181 = arith.constant 4 : i32
        %get3A_182 = arith.index_cast %get3A_181 : i32 to index
        %get3A_183 = arith.index_cast %shift_right_logical3A_150 : i32 to index
        %get3A_184 = arith.index_cast %mul3A_154 : i32 to index
        %get3A_185 = tpu.vector_load %arg6[%get3A_182, %get3A_183, %get3A_184] {strides = array<i32>} : memref<8x40x128xf32, #tpu.memory_space<vmem>>, vector<16xf32>,
        %broadcast_in_dim3A_186 = arith.constant 4 : i32
        %broadcast_in_dim3A_187 = vector.broadcast %broadcast_in_dim3A_186 : i32 to vector<16xi32>
        tpu.vector_store_idx %arg7[%add3A_149, %broadcast_in_dim3A_187], %get3A_185 : memref<5120x8xf32, #tpu.memory_space<vmem>>[vector<16xi32>, vector<16xi32>], vector<16xf32>,
        %get3A_188 = arith.constant 5 : i32
        %get3A_189 = arith.index_cast %get3A_188 : i32 to index
        %get3A_190 = arith.index_cast %shift_right_logical3A_150 : i32 to index
        %get3A_191 = arith.index_cast %mul3A_154 : i32 to index
        %get3A_192 = tpu.vector_load %arg6[%get3A_189, %get3A_190, %get3A_191] {strides = array<i32>} : memref<8x40x128xf32, #tpu.memory_space<vmem>>, vector<16xf32>,
        %broadcast_in_dim3A_193 = arith.constant 5 : i32
        %broadcast_in_dim3A_194 = vector.broadcast %broadcast_in_dim3A_193 : i32 to vector<16xi32>
        tpu.vector_store_idx %arg7[%add3A_149, %broadcast_in_dim3A_194], %get3A_192 : memref<5120x8xf32, #tpu.memory_space<vmem>>[vector<16xi32>, vector<16xi32>], vector<16xf32>,
        %get3A_195 = arith.constant 6 : i32
        %get3A_196 = arith.index_cast %get3A_195 : i32 to index
        %get3A_197 = arith.index_cast %shift_right_logical3A_150 : i32 to index
        %get3A_198 = arith.index_cast %mul3A_154 : i32 to index
        %get3A_199 = tpu.vector_load %arg6[%get3A_196, %get3A_197, %get3A_198] {strides = array<i32>} : memref<8x40x128xf32, #tpu.memory_space<vmem>>, vector<16xf32>,
        %broadcast_in_dim3A_200 = arith.constant 6 : i32
        %broadcast_in_dim3A_201 = vector.broadcast %broadcast_in_dim3A_200 : i32 to vector<16xi32>
        tpu.vector_store_idx %arg7[%add3A_149, %broadcast_in_dim3A_201], %get3A_199 : memref<5120x8xf32, #tpu.memory_space<vmem>>[vector<16xi32>, vector<16xi32>], vector<16xf32>,
        %get3A_202 = arith.constant 7 : i32
        %get3A_203 = arith.index_cast %get3A_202 : i32 to index
        %get3A_204 = arith.index_cast %shift_right_logical3A_150 : i32 to index
        %get3A_205 = arith.index_cast %mul3A_154 : i32 to index
        %get3A_206 = tpu.vector_load %arg6[%get3A_203, %get3A_204, %get3A_205] {strides = array<i32>} : memref<8x40x128xf32, #tpu.memory_space<vmem>>, vector<16xf32>,
        %broadcast_in_dim3A_207 = arith.constant 7 : i32
        %broadcast_in_dim3A_208 = vector.broadcast %broadcast_in_dim3A_207 : i32 to vector<16xi32>
        tpu.vector_store_idx %arg7[%add3A_149, %broadcast_in_dim3A_208], %get3A_206 : memref<5120x8xf32, #tpu.memory_space<vmem>>[vector<16xi32>, vector<16xi32>], vector<16xf32>,
        %scan3A_209 = arith.constant 0 : i32
        scf.yield %scan3A_209 : i32
      }
      %scan3A_142 = arith.constant 320 : i32
      "tpu.region"() ({
        %run_scoped3A_144 = tpu.sem_alloc : memref<!tpu.dma_semaphore, #tpu.memory_space<semaphore_mem>>
        %dma_start3A = arith.constant 0 : i32
        %dma_start3A_145 = arith.constant 0 : i32
        %dma_start3A_146 = tpu.memref_slice %arg10[%dma_start3A, %dma_start3A_145] : memref<50432x8xf32, #tpu.memory_space<vmem_shared>> -> memref<50432x8xf32, #tpu.memory_space<vmem_shared>>
        tpu.enqueue_indirect_dma source(%arg7 : memref<5120x8xf32, #tpu.memory_space<vmem>>) target(%dma_start3A_146 : memref<50432x8xf32, #tpu.memory_space<vmem_shared>>) offsets(%arg8 : memref<5120xi32, #tpu.memory_space<vmem>>) semaphore(%run_scoped3A_144 : memref<!tpu.dma_semaphore, #tpu.memory_space<semaphore_mem>>) {add = true}
        %dma_wait3A = arith.constant 0 : i32
        %dma_wait3A_147 = arith.constant 0 : i32
        %dma_wait3A_148 = tpu.memref_slice %arg10[%dma_wait3A, %dma_wait3A_147] : memref<50432x8xf32, #tpu.memory_space<vmem_shared>> -> memref<50432x8xf32, #tpu.memory_space<vmem_shared>>
        tpu.wait_indirect_dma semaphore(%run_scoped3A_144 : memref<!tpu.dma_semaphore, #tpu.memory_space<semaphore_mem>>) src(%arg7 : memref<5120x8xf32, #tpu.memory_space<vmem>>) dst(%dma_wait3A_148 : memref<50432x8xf32, #tpu.memory_space<vmem_shared>>)
        tpu.yield
      }) : () -> ()
      %scan3A_143 = arith.constant 0 : i32
      scf.yield %scan3A_143 : i32
    }
    %scan3A_78 = arith.constant 10 : i32
    %barrier3A_79 = arith.constant 0 : index
    tpu.barrier barrier_id(%barrier3A_79)
    %add3A_80 = arith.constant 0 : i32
    %add3A_81 = arith.addi %mul3A_0, %add3A_80 : i32
    "tpu.region"() ({
      %run_scoped3A_113 = tpu.sem_alloc : memref<!tpu.dma_semaphore, #tpu.memory_space<semaphore_mem>>
      %dma_start3A = arith.constant 0 : i32
      %dma_start3A_114 = arith.constant 0 : i32
      %dma_start3A_115 = tpu.memref_slice %arg9[%dma_start3A, %dma_start3A_114] : memref<800x8xf32, #tpu.memory_space<vmem>> -> memref<800x8xf32, #tpu.memory_space<vmem>>
      %dma_start3A_116 = arith.constant 0 : i32
      %dma_start3A_117 = tpu.memref_slice %arg10[%add3A_81, %dma_start3A_116] : memref<50432x8xf32, #tpu.memory_space<vmem_shared>> -> memref<800x8xf32, #tpu.memory_space<vmem_shared>>
      %dma_start3A_118 = arith.constant 0 : i32
      %dma_start3A_119 = arith.constant 0 : i32
      %dma_start3A_120 = tpu.memref_slice %arg9[%dma_start3A_118, %dma_start3A_119] : memref<800x8xf32, #tpu.memory_space<vmem>> -> memref<800x8xf32, #tpu.memory_space<vmem>>
      %dma_start3A_121 = arith.constant 0 : i32
      %dma_start3A_122 = tpu.memref_slice %arg10[%add3A_81, %dma_start3A_121] : memref<50432x8xf32, #tpu.memory_space<vmem_shared>> -> memref<800x8xf32, #tpu.memory_space<vmem_shared>>
      tpu.enqueue_dma source(%dma_start3A_122 : memref<800x8xf32, #tpu.memory_space<vmem_shared>>) target(%dma_start3A_120 : memref<800x8xf32, #tpu.memory_space<vmem>>) target_semaphore(%run_scoped3A_113 : memref<!tpu.dma_semaphore, #tpu.memory_space<semaphore_mem>>)
      %dma_wait3A = arith.constant 0 : i32
      %dma_wait3A_123 = arith.constant 0 : i32
      %dma_wait3A_124 = tpu.memref_slice %arg9[%dma_wait3A, %dma_wait3A_123] : memref<800x8xf32, #tpu.memory_space<vmem>> -> memref<800x8xf32, #tpu.memory_space<vmem>>
      %dma_wait3A_125 = arith.constant 0 : i32
      %dma_wait3A_126 = tpu.memref_slice %arg10[%add3A_81, %dma_wait3A_125] : memref<50432x8xf32, #tpu.memory_space<vmem_shared>> -> memref<800x8xf32, #tpu.memory_space<vmem_shared>>
      %dma_wait3A_127 = arith.constant 0 : i32
      %dma_wait3A_128 = arith.constant 0 : i32
      %dma_wait3A_129 = tpu.memref_slice %arg9[%dma_wait3A_127, %dma_wait3A_128] : memref<800x8xf32, #tpu.memory_space<vmem>> -> memref<800x8xf32, #tpu.memory_space<vmem>>
      %dma_wait3A_130 = arith.constant 0 : i32
      %dma_wait3A_131 = tpu.memref_slice %arg10[%add3A_81, %dma_wait3A_130] : memref<50432x8xf32, #tpu.memory_space<vmem_shared>> -> memref<800x8xf32, #tpu.memory_space<vmem_shared>>
      tpu.wait_dma2 semaphore(%run_scoped3A_113 : memref<!tpu.dma_semaphore, #tpu.memory_space<semaphore_mem>>) src(%dma_wait3A_131 : memref<800x8xf32, #tpu.memory_space<vmem_shared>>) dst(%dma_wait3A_129 : memref<800x8xf32, #tpu.memory_space<vmem>>)
      tpu.yield
    }) : () -> ()
    %mul3A_82 = arith.constant 50432 : i32
    %mul3A_83 = arith.muli %arg0, %mul3A_82 : i32
    %add3A_84 = arith.addi %mul3A_83, %mul3A_0 : i32
    %add3A_85 = arith.constant 0 : i32
    %add3A_86 = arith.addi %add3A_84, %add3A_85 : i32
    %run_scoped3A_87 = arith.constant 1 : i32
    "tpu.region"() ({
      %run_scoped3A_113 = tpu.sem_alloc : memref<!tpu.dma_semaphore, #tpu.memory_space<semaphore_mem>>
      %dma_start3A = arith.constant 0 : i32
      %dma_start3A_114 = arith.constant 0 : i32
      %dma_start3A_115 = tpu.memref_slice %arg9[%dma_start3A, %dma_start3A_114] : memref<800x8xf32, #tpu.memory_space<vmem>> -> memref<800x8xf32, #tpu.memory_space<vmem>>
      %dma_start3A_116 = arith.constant 0 : i32
      %dma_start3A_117 = tpu.memref_slice %arg5[%run_scoped3A_87, %add3A_86, %dma_start3A_116] : memref<2x100864x8xf32, #tpu.memory_space<hbm>> -> memref<1x800x8xf32, #tpu.memory_space<hbm>>
      %dma_start3A_118 = tpu.memref_squeeze %dma_start3A_117 : memref<1x800x8xf32, #tpu.memory_space<hbm>> -> memref<800x8xf32, #tpu.memory_space<hbm>>
      %dma_start3A_119 = arith.constant 0 : i32
      %dma_start3A_120 = tpu.memref_slice %arg5[%run_scoped3A_87, %add3A_86, %dma_start3A_119] : memref<2x100864x8xf32, #tpu.memory_space<hbm>> -> memref<1x800x8xf32, #tpu.memory_space<hbm>>
      %dma_start3A_121 = tpu.memref_squeeze %dma_start3A_120 : memref<1x800x8xf32, #tpu.memory_space<hbm>> -> memref<800x8xf32, #tpu.memory_space<hbm>>
      %dma_start3A_122 = arith.constant 0 : i32
      %dma_start3A_123 = arith.constant 0 : i32
      %dma_start3A_124 = tpu.memref_slice %arg9[%dma_start3A_122, %dma_start3A_123] : memref<800x8xf32, #tpu.memory_space<vmem>> -> memref<800x8xf32, #tpu.memory_space<vmem>>
      tpu.enqueue_dma source(%dma_start3A_124 : memref<800x8xf32, #tpu.memory_space<vmem>>) target(%dma_start3A_121 : memref<800x8xf32, #tpu.memory_space<hbm>>) target_semaphore(%run_scoped3A_113 : memref<!tpu.dma_semaphore, #tpu.memory_space<semaphore_mem>>)
      %dma_wait3A = arith.constant 0 : i32
      %dma_wait3A_125 = arith.constant 0 : i32
      %dma_wait3A_126 = tpu.memref_slice %arg9[%dma_wait3A, %dma_wait3A_125] : memref<800x8xf32, #tpu.memory_space<vmem>> -> memref<800x8xf32, #tpu.memory_space<vmem>>
      %dma_wait3A_127 = arith.constant 0 : i32
      %dma_wait3A_128 = tpu.memref_slice %arg5[%run_scoped3A_87, %add3A_86, %dma_wait3A_127] : memref<2x100864x8xf32, #tpu.memory_space<hbm>> -> memref<1x800x8xf32, #tpu.memory_space<hbm>>
      %dma_wait3A_129 = tpu.memref_squeeze %dma_wait3A_128 : memref<1x800x8xf32, #tpu.memory_space<hbm>> -> memref<800x8xf32, #tpu.memory_space<hbm>>
      %dma_wait3A_130 = arith.constant 0 : i32
      %dma_wait3A_131 = tpu.memref_slice %arg5[%run_scoped3A_87, %add3A_86, %dma_wait3A_130] : memref<2x100864x8xf32, #tpu.memory_space<hbm>> -> memref<1x800x8xf32, #tpu.memory_space<hbm>>
      %dma_wait3A_132 = tpu.memref_squeeze %dma_wait3A_131 : memref<1x800x8xf32, #tpu.memory_space<hbm>> -> memref<800x8xf32, #tpu.memory_space<hbm>>
      %dma_wait3A_133 = arith.constant 0 : i32
      %dma_wait3A_134 = arith.constant 0 : i32
      %dma_wait3A_135 = tpu.memref_slice %arg9[%dma_wait3A_133, %dma_wait3A_134] : memref<800x8xf32, #tpu.memory_space<vmem>> -> memref<800x8xf32, #tpu.memory_space<vmem>>
      tpu.wait_dma2 semaphore(%run_scoped3A_113 : memref<!tpu.dma_semaphore, #tpu.memory_space<semaphore_mem>>) src(%dma_wait3A_135 : memref<800x8xf32, #tpu.memory_space<vmem>>) dst(%dma_wait3A_132 : memref<800x8xf32, #tpu.memory_space<hbm>>)
      tpu.yield
    }) : () -> ()
    %add3A_88 = arith.constant 800 : i32
    %add3A_89 = arith.addi %mul3A_0, %add3A_88 : i32
    "tpu.region"() ({
      %run_scoped3A_113 = tpu.sem_alloc : memref<!tpu.dma_semaphore, #tpu.memory_space<semaphore_mem>>
      %dma_start3A = arith.constant 0 : i32
      %dma_start3A_114 = arith.constant 0 : i32
      %dma_start3A_115 = tpu.memref_slice %arg9[%dma_start3A, %dma_start3A_114] : memref<800x8xf32, #tpu.memory_space<vmem>> -> memref<800x8xf32, #tpu.memory_space<vmem>>
      %dma_start3A_116 = arith.constant 0 : i32
      %dma_start3A_117 = tpu.memref_slice %arg10[%add3A_89, %dma_start3A_116] : memref<50432x8xf32, #tpu.memory_space<vmem_shared>> -> memref<800x8xf32, #tpu.memory_space<vmem_shared>>
      %dma_start3A_118 = arith.constant 0 : i32
      %dma_start3A_119 = arith.constant 0 : i32
      %dma_start3A_120 = tpu.memref_slice %arg9[%dma_start3A_118, %dma_start3A_119] : memref<800x8xf32, #tpu.memory_space<vmem>> -> memref<800x8xf32, #tpu.memory_space<vmem>>
      %dma_start3A_121 = arith.constant 0 : i32
      %dma_start3A_122 = tpu.memref_slice %arg10[%add3A_89, %dma_start3A_121] : memref<50432x8xf32, #tpu.memory_space<vmem_shared>> -> memref<800x8xf32, #tpu.memory_space<vmem_shared>>
      tpu.enqueue_dma source(%dma_start3A_122 : memref<800x8xf32, #tpu.memory_space<vmem_shared>>) target(%dma_start3A_120 : memref<800x8xf32, #tpu.memory_space<vmem>>) target_semaphore(%run_scoped3A_113 : memref<!tpu.dma_semaphore, #tpu.memory_space<semaphore_mem>>)
      %dma_wait3A = arith.constant 0 : i32
      %dma_wait3A_123 = arith.constant 0 : i32
      %dma_wait3A_124 = tpu.memref_slice %arg9[%dma_wait3A, %dma_wait3A_123] : memref<800x8xf32, #tpu.memory_space<vmem>> -> memref<800x8xf32, #tpu.memory_space<vmem>>
      %dma_wait3A_125 = arith.constant 0 : i32
      %dma_wait3A_126 = tpu.memref_slice %arg10[%add3A_89, %dma_wait3A_125] : memref<50432x8xf32, #tpu.memory_space<vmem_shared>> -> memref<800x8xf32, #tpu.memory_space<vmem_shared>>
      %dma_wait3A_127 = arith.constant 0 : i32
      %dma_wait3A_128 = arith.constant 0 : i32
      %dma_wait3A_129 = tpu.memref_slice %arg9[%dma_wait3A_127, %dma_wait3A_128] : memref<800x8xf32, #tpu.memory_space<vmem>> -> memref<800x8xf32, #tpu.memory_space<vmem>>
      %dma_wait3A_130 = arith.constant 0 : i32
      %dma_wait3A_131 = tpu.memref_slice %arg10[%add3A_89, %dma_wait3A_130] : memref<50432x8xf32, #tpu.memory_space<vmem_shared>> -> memref<800x8xf32, #tpu.memory_space<vmem_shared>>
      tpu.wait_dma2 semaphore(%run_scoped3A_113 : memref<!tpu.dma_semaphore, #tpu.memory_space<semaphore_mem>>) src(%dma_wait3A_131 : memref<800x8xf32, #tpu.memory_space<vmem_shared>>) dst(%dma_wait3A_129 : memref<800x8xf32, #tpu.memory_space<vmem>>)
      tpu.yield
    }) : () -> ()
    %mul3A_90 = arith.constant 50432 : i32
    %mul3A_91 = arith.muli %arg0, %mul3A_90 : i32
    %add3A_92 = arith.addi %mul3A_91, %mul3A_0 : i32
    %add3A_93 = arith.constant 800 : i32
    %add3A_94 = arith.addi %add3A_92, %add3A_93 : i32
    %run_scoped3A_95 = arith.constant 1 : i32
    "tpu.region"() ({
      %run_scoped3A_113 = tpu.sem_alloc : memref<!tpu.dma_semaphore, #tpu.memory_space<semaphore_mem>>
      %dma_start3A = arith.constant 0 : i32
      %dma_start3A_114 = arith.constant 0 : i32
      %dma_start3A_115 = tpu.memref_slice %arg9[%dma_start3A, %dma_start3A_114] : memref<800x8xf32, #tpu.memory_space<vmem>> -> memref<800x8xf32, #tpu.memory_space<vmem>>
      %dma_start3A_116 = arith.constant 0 : i32
      %dma_start3A_117 = tpu.memref_slice %arg5[%run_scoped3A_95, %add3A_94, %dma_start3A_116] : memref<2x100864x8xf32, #tpu.memory_space<hbm>> -> memref<1x800x8xf32, #tpu.memory_space<hbm>>
      %dma_start3A_118 = tpu.memref_squeeze %dma_start3A_117 : memref<1x800x8xf32, #tpu.memory_space<hbm>> -> memref<800x8xf32, #tpu.memory_space<hbm>>
      %dma_start3A_119 = arith.constant 0 : i32
      %dma_start3A_120 = tpu.memref_slice %arg5[%run_scoped3A_95, %add3A_94, %dma_start3A_119] : memref<2x100864x8xf32, #tpu.memory_space<hbm>> -> memref<1x800x8xf32, #tpu.memory_space<hbm>>
      %dma_start3A_121 = tpu.memref_squeeze %dma_start3A_120 : memref<1x800x8xf32, #tpu.memory_space<hbm>> -> memref<800x8xf32, #tpu.memory_space<hbm>>
      %dma_start3A_122 = arith.constant 0 : i32
      %dma_start3A_123 = arith.constant 0 : i32
      %dma_start3A_124 = tpu.memref_slice %arg9[%dma_start3A_122, %dma_start3A_123] : memref<800x8xf32, #tpu.memory_space<vmem>> -> memref<800x8xf32, #tpu.memory_space<vmem>>
      tpu.enqueue_dma source(%dma_start3A_124 : memref<800x8xf32, #tpu.memory_space<vmem>>) target(%dma_start3A_121 : memref<800x8xf32, #tpu.memory_space<hbm>>) target_semaphore(%run_scoped3A_113 : memref<!tpu.dma_semaphore, #tpu.memory_space<semaphore_mem>>)
      %dma_wait3A = arith.constant 0 : i32
      %dma_wait3A_125 = arith.constant 0 : i32
      %dma_wait3A_126 = tpu.memref_slice %arg9[%dma_wait3A, %dma_wait3A_125] : memref<800x8xf32, #tpu.memory_space<vmem>> -> memref<800x8xf32, #tpu.memory_space<vmem>>
      %dma_wait3A_127 = arith.constant 0 : i32
      %dma_wait3A_128 = tpu.memref_slice %arg5[%run_scoped3A_95, %add3A_94, %dma_wait3A_127] : memref<2x100864x8xf32, #tpu.memory_space<hbm>> -> memref<1x800x8xf32, #tpu.memory_space<hbm>>
      %dma_wait3A_129 = tpu.memref_squeeze %dma_wait3A_128 : memref<1x800x8xf32, #tpu.memory_space<hbm>> -> memref<800x8xf32, #tpu.memory_space<hbm>>
      %dma_wait3A_130 = arith.constant 0 : i32
      %dma_wait3A_131 = tpu.memref_slice %arg5[%run_scoped3A_95, %add3A_94, %dma_wait3A_130] : memref<2x100864x8xf32, #tpu.memory_space<hbm>> -> memref<1x800x8xf32, #tpu.memory_space<hbm>>
      %dma_wait3A_132 = tpu.memref_squeeze %dma_wait3A_131 : memref<1x800x8xf32, #tpu.memory_space<hbm>> -> memref<800x8xf32, #tpu.memory_space<hbm>>
      %dma_wait3A_133 = arith.constant 0 : i32
      %dma_wait3A_134 = arith.constant 0 : i32
      %dma_wait3A_135 = tpu.memref_slice %arg9[%dma_wait3A_133, %dma_wait3A_134] : memref<800x8xf32, #tpu.memory_space<vmem>> -> memref<800x8xf32, #tpu.memory_space<vmem>>
      tpu.wait_dma2 semaphore(%run_scoped3A_113 : memref<!tpu.dma_semaphore, #tpu.memory_space<semaphore_mem>>) src(%dma_wait3A_135 : memref<800x8xf32, #tpu.memory_space<vmem>>) dst(%dma_wait3A_132 : memref<800x8xf32, #tpu.memory_space<hbm>>)
      tpu.yield
    }) : () -> ()
    %add3A_96 = arith.constant 1600 : i32
    %add3A_97 = arith.addi %mul3A_0, %add3A_96 : i32
    "tpu.region"() ({
      %run_scoped3A_113 = tpu.sem_alloc : memref<!tpu.dma_semaphore, #tpu.memory_space<semaphore_mem>>
      %dma_start3A = arith.constant 0 : i32
      %dma_start3A_114 = arith.constant 0 : i32
      %dma_start3A_115 = tpu.memref_slice %arg9[%dma_start3A, %dma_start3A_114] : memref<800x8xf32, #tpu.memory_space<vmem>> -> memref<800x8xf32, #tpu.memory_space<vmem>>
      %dma_start3A_116 = arith.constant 0 : i32
      %dma_start3A_117 = tpu.memref_slice %arg10[%add3A_97, %dma_start3A_116] : memref<50432x8xf32, #tpu.memory_space<vmem_shared>> -> memref<800x8xf32, #tpu.memory_space<vmem_shared>>
      %dma_start3A_118 = arith.constant 0 : i32
      %dma_start3A_119 = arith.constant 0 : i32
      %dma_start3A_120 = tpu.memref_slice %arg9[%dma_start3A_118, %dma_start3A_119] : memref<800x8xf32, #tpu.memory_space<vmem>> -> memref<800x8xf32, #tpu.memory_space<vmem>>
      %dma_start3A_121 = arith.constant 0 : i32
      %dma_start3A_122 = tpu.memref_slice %arg10[%add3A_97, %dma_start3A_121] : memref<50432x8xf32, #tpu.memory_space<vmem_shared>> -> memref<800x8xf32, #tpu.memory_space<vmem_shared>>
      tpu.enqueue_dma source(%dma_start3A_122 : memref<800x8xf32, #tpu.memory_space<vmem_shared>>) target(%dma_start3A_120 : memref<800x8xf32, #tpu.memory_space<vmem>>) target_semaphore(%run_scoped3A_113 : memref<!tpu.dma_semaphore, #tpu.memory_space<semaphore_mem>>)
      %dma_wait3A = arith.constant 0 : i32
      %dma_wait3A_123 = arith.constant 0 : i32
      %dma_wait3A_124 = tpu.memref_slice %arg9[%dma_wait3A, %dma_wait3A_123] : memref<800x8xf32, #tpu.memory_space<vmem>> -> memref<800x8xf32, #tpu.memory_space<vmem>>
      %dma_wait3A_125 = arith.constant 0 : i32
      %dma_wait3A_126 = tpu.memref_slice %arg10[%add3A_97, %dma_wait3A_125] : memref<50432x8xf32, #tpu.memory_space<vmem_shared>> -> memref<800x8xf32, #tpu.memory_space<vmem_shared>>
      %dma_wait3A_127 = arith.constant 0 : i32
      %dma_wait3A_128 = arith.constant 0 : i32
      %dma_wait3A_129 = tpu.memref_slice %arg9[%dma_wait3A_127, %dma_wait3A_128] : memref<800x8xf32, #tpu.memory_space<vmem>> -> memref<800x8xf32, #tpu.memory_space<vmem>>
      %dma_wait3A_130 = arith.constant 0 : i32
      %dma_wait3A_131 = tpu.memref_slice %arg10[%add3A_97, %dma_wait3A_130] : memref<50432x8xf32, #tpu.memory_space<vmem_shared>> -> memref<800x8xf32, #tpu.memory_space<vmem_shared>>
      tpu.wait_dma2 semaphore(%run_scoped3A_113 : memref<!tpu.dma_semaphore, #tpu.memory_space<semaphore_mem>>) src(%dma_wait3A_131 : memref<800x8xf32, #tpu.memory_space<vmem_shared>>) dst(%dma_wait3A_129 : memref<800x8xf32, #tpu.memory_space<vmem>>)
      tpu.yield
    }) : () -> ()
    %mul3A_98 = arith.constant 50432 : i32
    %mul3A_99 = arith.muli %arg0, %mul3A_98 : i32
    %add3A_100 = arith.addi %mul3A_99, %mul3A_0 : i32
    %add3A_101 = arith.constant 1600 : i32
    %add3A_102 = arith.addi %add3A_100, %add3A_101 : i32
    %run_scoped3A_103 = arith.constant 1 : i32
    "tpu.region"() ({
      %run_scoped3A_113 = tpu.sem_alloc : memref<!tpu.dma_semaphore, #tpu.memory_space<semaphore_mem>>
      %dma_start3A = arith.constant 0 : i32
      %dma_start3A_114 = arith.constant 0 : i32
      %dma_start3A_115 = tpu.memref_slice %arg9[%dma_start3A, %dma_start3A_114] : memref<800x8xf32, #tpu.memory_space<vmem>> -> memref<800x8xf32, #tpu.memory_space<vmem>>
      %dma_start3A_116 = arith.constant 0 : i32
      %dma_start3A_117 = tpu.memref_slice %arg5[%run_scoped3A_103, %add3A_102, %dma_start3A_116] : memref<2x100864x8xf32, #tpu.memory_space<hbm>> -> memref<1x800x8xf32, #tpu.memory_space<hbm>>
      %dma_start3A_118 = tpu.memref_squeeze %dma_start3A_117 : memref<1x800x8xf32, #tpu.memory_space<hbm>> -> memref<800x8xf32, #tpu.memory_space<hbm>>
      %dma_start3A_119 = arith.constant 0 : i32
      %dma_start3A_120 = tpu.memref_slice %arg5[%run_scoped3A_103, %add3A_102, %dma_start3A_119] : memref<2x100864x8xf32, #tpu.memory_space<hbm>> -> memref<1x800x8xf32, #tpu.memory_space<hbm>>
      %dma_start3A_121 = tpu.memref_squeeze %dma_start3A_120 : memref<1x800x8xf32, #tpu.memory_space<hbm>> -> memref<800x8xf32, #tpu.memory_space<hbm>>
      %dma_start3A_122 = arith.constant 0 : i32
      %dma_start3A_123 = arith.constant 0 : i32
      %dma_start3A_124 = tpu.memref_slice %arg9[%dma_start3A_122, %dma_start3A_123] : memref<800x8xf32, #tpu.memory_space<vmem>> -> memref<800x8xf32, #tpu.memory_space<vmem>>
      tpu.enqueue_dma source(%dma_start3A_124 : memref<800x8xf32, #tpu.memory_space<vmem>>) target(%dma_start3A_121 : memref<800x8xf32, #tpu.memory_space<hbm>>) target_semaphore(%run_scoped3A_113 : memref<!tpu.dma_semaphore, #tpu.memory_space<semaphore_mem>>)
      %dma_wait3A = arith.constant 0 : i32
      %dma_wait3A_125 = arith.constant 0 : i32
      %dma_wait3A_126 = tpu.memref_slice %arg9[%dma_wait3A, %dma_wait3A_125] : memref<800x8xf32, #tpu.memory_space<vmem>> -> memref<800x8xf32, #tpu.memory_space<vmem>>
      %dma_wait3A_127 = arith.constant 0 : i32
      %dma_wait3A_128 = tpu.memref_slice %arg5[%run_scoped3A_103, %add3A_102, %dma_wait3A_127] : memref<2x100864x8xf32, #tpu.memory_space<hbm>> -> memref<1x800x8xf32, #tpu.memory_space<hbm>>
      %dma_wait3A_129 = tpu.memref_squeeze %dma_wait3A_128 : memref<1x800x8xf32, #tpu.memory_space<hbm>> -> memref<800x8xf32, #tpu.memory_space<hbm>>
      %dma_wait3A_130 = arith.constant 0 : i32
      %dma_wait3A_131 = tpu.memref_slice %arg5[%run_scoped3A_103, %add3A_102, %dma_wait3A_130] : memref<2x100864x8xf32, #tpu.memory_space<hbm>> -> memref<1x800x8xf32, #tpu.memory_space<hbm>>
      %dma_wait3A_132 = tpu.memref_squeeze %dma_wait3A_131 : memref<1x800x8xf32, #tpu.memory_space<hbm>> -> memref<800x8xf32, #tpu.memory_space<hbm>>
      %dma_wait3A_133 = arith.constant 0 : i32
      %dma_wait3A_134 = arith.constant 0 : i32
      %dma_wait3A_135 = tpu.memref_slice %arg9[%dma_wait3A_133, %dma_wait3A_134] : memref<800x8xf32, #tpu.memory_space<vmem>> -> memref<800x8xf32, #tpu.memory_space<vmem>>
      tpu.wait_dma2 semaphore(%run_scoped3A_113 : memref<!tpu.dma_semaphore, #tpu.memory_space<semaphore_mem>>) src(%dma_wait3A_135 : memref<800x8xf32, #tpu.memory_space<vmem>>) dst(%dma_wait3A_132 : memref<800x8xf32, #tpu.memory_space<hbm>>)
      tpu.yield
    }) : () -> ()
    %add3A_104 = arith.constant 2400 : i32
    %add3A_105 = arith.addi %mul3A_0, %add3A_104 : i32
    "tpu.region"() ({
      %run_scoped3A_113 = tpu.sem_alloc : memref<!tpu.dma_semaphore, #tpu.memory_space<semaphore_mem>>
      %dma_start3A = arith.constant 0 : i32
      %dma_start3A_114 = arith.constant 0 : i32
      %dma_start3A_115 = tpu.memref_slice %arg9[%dma_start3A, %dma_start3A_114] : memref<800x8xf32, #tpu.memory_space<vmem>> -> memref<752x8xf32, #tpu.memory_space<vmem>>
      %dma_start3A_116 = arith.constant 0 : i32
      %dma_start3A_117 = tpu.memref_slice %arg10[%add3A_105, %dma_start3A_116] : memref<50432x8xf32, #tpu.memory_space<vmem_shared>> -> memref<752x8xf32, #tpu.memory_space<vmem_shared>>
      %dma_start3A_118 = arith.constant 0 : i32
      %dma_start3A_119 = arith.constant 0 : i32
      %dma_start3A_120 = tpu.memref_slice %arg9[%dma_start3A_118, %dma_start3A_119] : memref<800x8xf32, #tpu.memory_space<vmem>> -> memref<752x8xf32, #tpu.memory_space<vmem>>
      %dma_start3A_121 = arith.constant 0 : i32
      %dma_start3A_122 = tpu.memref_slice %arg10[%add3A_105, %dma_start3A_121] : memref<50432x8xf32, #tpu.memory_space<vmem_shared>> -> memref<752x8xf32, #tpu.memory_space<vmem_shared>>
      tpu.enqueue_dma source(%dma_start3A_122 : memref<752x8xf32, #tpu.memory_space<vmem_shared>>) target(%dma_start3A_120 : memref<752x8xf32, #tpu.memory_space<vmem>>) target_semaphore(%run_scoped3A_113 : memref<!tpu.dma_semaphore, #tpu.memory_space<semaphore_mem>>)
      %dma_wait3A = arith.constant 0 : i32
      %dma_wait3A_123 = arith.constant 0 : i32
      %dma_wait3A_124 = tpu.memref_slice %arg9[%dma_wait3A, %dma_wait3A_123] : memref<800x8xf32, #tpu.memory_space<vmem>> -> memref<752x8xf32, #tpu.memory_space<vmem>>
      %dma_wait3A_125 = arith.constant 0 : i32
      %dma_wait3A_126 = tpu.memref_slice %arg10[%add3A_105, %dma_wait3A_125] : memref<50432x8xf32, #tpu.memory_space<vmem_shared>> -> memref<752x8xf32, #tpu.memory_space<vmem_shared>>
      %dma_wait3A_127 = arith.constant 0 : i32
      %dma_wait3A_128 = arith.constant 0 : i32
      %dma_wait3A_129 = tpu.memref_slice %arg9[%dma_wait3A_127, %dma_wait3A_128] : memref<800x8xf32, #tpu.memory_space<vmem>> -> memref<752x8xf32, #tpu.memory_space<vmem>>
      %dma_wait3A_130 = arith.constant 0 : i32
      %dma_wait3A_131 = tpu.memref_slice %arg10[%add3A_105, %dma_wait3A_130] : memref<50432x8xf32, #tpu.memory_space<vmem_shared>> -> memref<752x8xf32, #tpu.memory_space<vmem_shared>>
      tpu.wait_dma2 semaphore(%run_scoped3A_113 : memref<!tpu.dma_semaphore, #tpu.memory_space<semaphore_mem>>) src(%dma_wait3A_131 : memref<752x8xf32, #tpu.memory_space<vmem_shared>>) dst(%dma_wait3A_129 : memref<752x8xf32, #tpu.memory_space<vmem>>)
      tpu.yield
    }) : () -> ()
    %mul3A_106 = arith.constant 50432 : i32
    %mul3A_107 = arith.muli %arg0, %mul3A_106 : i32
    %add3A_108 = arith.addi %mul3A_107, %mul3A_0 : i32
    %add3A_109 = arith.constant 2400 : i32
    %add3A_110 = arith.addi %add3A_108, %add3A_109 : i32
    %run_scoped3A_111 = arith.constant 1 : i32
    "tpu.region"() ({
      %run_scoped3A_113 = tpu.sem_alloc : memref<!tpu.dma_semaphore, #tpu.memory_space<semaphore_mem>>
      %dma_start3A = arith.constant 0 : i32
      %dma_start3A_114 = arith.constant 0 : i32
      %dma_start3A_115 = tpu.memref_slice %arg9[%dma_start3A, %dma_start3A_114] : memref<800x8xf32, #tpu.memory_space<vmem>> -> memref<752x8xf32, #tpu.memory_space<vmem>>
      %dma_start3A_116 = arith.constant 0 : i32
      %dma_start3A_117 = tpu.memref_slice %arg5[%run_scoped3A_111, %add3A_110, %dma_start3A_116] : memref<2x100864x8xf32, #tpu.memory_space<hbm>> -> memref<1x752x8xf32, #tpu.memory_space<hbm>>
      %dma_start3A_118 = tpu.memref_squeeze %dma_start3A_117 : memref<1x752x8xf32, #tpu.memory_space<hbm>> -> memref<752x8xf32, #tpu.memory_space<hbm>>
      %dma_start3A_119 = arith.constant 0 : i32
      %dma_start3A_120 = tpu.memref_slice %arg5[%run_scoped3A_111, %add3A_110, %dma_start3A_119] : memref<2x100864x8xf32, #tpu.memory_space<hbm>> -> memref<1x752x8xf32, #tpu.memory_space<hbm>>
      %dma_start3A_121 = tpu.memref_squeeze %dma_start3A_120 : memref<1x752x8xf32, #tpu.memory_space<hbm>> -> memref<752x8xf32, #tpu.memory_space<hbm>>
      %dma_start3A_122 = arith.constant 0 : i32
      %dma_start3A_123 = arith.constant 0 : i32
      %dma_start3A_124 = tpu.memref_slice %arg9[%dma_start3A_122, %dma_start3A_123] : memref<800x8xf32, #tpu.memory_space<vmem>> -> memref<752x8xf32, #tpu.memory_space<vmem>>
      tpu.enqueue_dma source(%dma_start3A_124 : memref<752x8xf32, #tpu.memory_space<vmem>>) target(%dma_start3A_121 : memref<752x8xf32, #tpu.memory_space<hbm>>) target_semaphore(%run_scoped3A_113 : memref<!tpu.dma_semaphore, #tpu.memory_space<semaphore_mem>>)
      %dma_wait3A = arith.constant 0 : i32
      %dma_wait3A_125 = arith.constant 0 : i32
      %dma_wait3A_126 = tpu.memref_slice %arg9[%dma_wait3A, %dma_wait3A_125] : memref<800x8xf32, #tpu.memory_space<vmem>> -> memref<752x8xf32, #tpu.memory_space<vmem>>
      %dma_wait3A_127 = arith.constant 0 : i32
      %dma_wait3A_128 = tpu.memref_slice %arg5[%run_scoped3A_111, %add3A_110, %dma_wait3A_127] : memref<2x100864x8xf32, #tpu.memory_space<hbm>> -> memref<1x752x8xf32, #tpu.memory_space<hbm>>
      %dma_wait3A_129 = tpu.memref_squeeze %dma_wait3A_128 : memref<1x752x8xf32, #tpu.memory_space<hbm>> -> memref<752x8xf32, #tpu.memory_space<hbm>>
      %dma_wait3A_130 = arith.constant 0 : i32
      %dma_wait3A_131 = tpu.memref_slice %arg5[%run_scoped3A_111, %add3A_110, %dma_wait3A_130] : memref<2x100864x8xf32, #tpu.memory_space<hbm>> -> memref<1x752x8xf32, #tpu.memory_space<hbm>>
      %dma_wait3A_132 = tpu.memref_squeeze %dma_wait3A_131 : memref<1x752x8xf32, #tpu.memory_space<hbm>> -> memref<752x8xf32, #tpu.memory_space<hbm>>
      %dma_wait3A_133 = arith.constant 0 : i32
      %dma_wait3A_134 = arith.constant 0 : i32
      %dma_wait3A_135 = tpu.memref_slice %arg9[%dma_wait3A_133, %dma_wait3A_134] : memref<800x8xf32, #tpu.memory_space<vmem>> -> memref<752x8xf32, #tpu.memory_space<vmem>>
      tpu.wait_dma2 semaphore(%run_scoped3A_113 : memref<!tpu.dma_semaphore, #tpu.memory_space<semaphore_mem>>) src(%dma_wait3A_135 : memref<752x8xf32, #tpu.memory_space<vmem>>) dst(%dma_wait3A_132 : memref<752x8xf32, #tpu.memory_space<hbm>>)
      tpu.yield
    }) : () -> ()
    %barrier3A_112 = arith.constant 0 : index
    tpu.barrier barrier_id(%barrier3A_112)
    return
  }
}

#map = affine_map<(d0, d1) -> (0)>
module attributes {stable_mosaic.version = 14 : i64} {
  func.func @_kern_a2(%arg0: i32, %arg1: i32, %arg2: memref<819200xf32, #tpu.memory_space<hbm>>, %arg3: memref<819200xi32, #tpu.memory_space<hbm>>, %arg4: memref<50432xf32, #tpu.memory_space<hbm>>, %arg5: memref<1613824xf32, #tpu.memory_space<hbm>>, %arg6: memref<1613824xf32, #tpu.memory_space<hbm>>, %arg7: memref<5120xf32, #tpu.memory_space<vmem>>, %arg8: memref<5120xi32, #tpu.memory_space<vmem>>, %arg9: memref<50432xf32, #tpu.memory_space<vmem>>, %arg10: memref<50432xf32, #tpu.memory_space<vmem>>) attributes {dimension_semantics = [#tpu.dimension_semantics<core_parallel>, #tpu.dimension_semantics<subcore_parallel>], iteration_bounds = array<i64: 2, 16>, scalar_prefetch = 0 : i64, scratch_operands = 4 : i64, tpu.core_type = #tpu.core_type<sc_vector_subcore>, window_params = [{transform_indices = #map}, {transform_indices = #map}, {transform_indices = #map}, {transform_indices = #map}, {transform_indices = #map}]} {
    %mul3A = arith.constant 2 : i32
    %mul3A_0 = arith.muli %arg1, %mul3A : i32
    %add3A = arith.addi %mul3A_0, %arg0 : i32
    "tpu.region"() ({
      %run_scoped3A = tpu.sem_alloc : memref<!tpu.dma_semaphore, #tpu.memory_space<semaphore_mem>>
      tpu.enqueue_dma source(%arg4 : memref<50432xf32, #tpu.memory_space<hbm>>) target(%arg9 : memref<50432xf32, #tpu.memory_space<vmem>>) target_semaphore(%run_scoped3A : memref<!tpu.dma_semaphore, #tpu.memory_space<semaphore_mem>>)
      tpu.wait_dma2 semaphore(%run_scoped3A : memref<!tpu.dma_semaphore, #tpu.memory_space<semaphore_mem>>) src(%arg4 : memref<50432xf32, #tpu.memory_space<hbm>>) dst(%arg9 : memref<50432xf32, #tpu.memory_space<vmem>>)
      tpu.yield
    }) : () -> ()
    "tpu.region"() ({
      %run_scoped3A = tpu.sem_alloc : memref<!tpu.dma_semaphore, #tpu.memory_space<semaphore_mem>>
      tpu.enqueue_dma source(%arg4 : memref<50432xf32, #tpu.memory_space<hbm>>) target(%arg10 : memref<50432xf32, #tpu.memory_space<vmem>>) target_semaphore(%run_scoped3A : memref<!tpu.dma_semaphore, #tpu.memory_space<semaphore_mem>>)
      tpu.wait_dma2 semaphore(%run_scoped3A : memref<!tpu.dma_semaphore, #tpu.memory_space<semaphore_mem>>) src(%arg4 : memref<50432xf32, #tpu.memory_space<hbm>>) dst(%arg10 : memref<50432xf32, #tpu.memory_space<vmem>>)
      tpu.yield
    }) : () -> ()
    %iota3A = tpu.iota {dimensions = array<i32: 0>} : vector<16xi32>
    %broadcast_in_dim3A = arith.constant 1.000000e+00 : f32
    %broadcast_in_dim3A_1 = vector.broadcast %broadcast_in_dim3A : f32 to vector<16xf32>
    %scan3A = arith.constant 0 : i32
    %scan3A_2 = arith.constant 0 : i32
    %scan3A_3 = arith.constant 5 : i32
    %scan3A_4 = arith.addi %scan3A_2, %scan3A_3 : i32
    %scan3A_5 = arith.constant 1 : i32
    %scan3A_6 = scf.for %scan3A_12 = %scan3A_2 to %scan3A_4 step %scan3A_5 iter_args(%scan3A_13 = %scan3A) -> (i32)  : i32 {
      %mul3A_14 = arith.constant 25600 : i32
      %mul3A_15 = arith.muli %add3A, %mul3A_14 : i32
      %mul3A_16 = arith.constant 5120 : i32
      %mul3A_17 = arith.muli %scan3A_12, %mul3A_16 : i32
      %add3A_18 = arith.addi %mul3A_15, %mul3A_17 : i32
      "tpu.region"() ({
        %run_scoped3A = tpu.sem_alloc : memref<!tpu.dma_semaphore, #tpu.memory_space<semaphore_mem>>
        %dma_start3A = tpu.memref_slice %arg2[%add3A_18] : memref<819200xf32, #tpu.memory_space<hbm>> -> memref<5120xf32, #tpu.memory_space<hbm>>
        %dma_start3A_27 = tpu.memref_slice %arg2[%add3A_18] : memref<819200xf32, #tpu.memory_space<hbm>> -> memref<5120xf32, #tpu.memory_space<hbm>>
        tpu.enqueue_dma source(%dma_start3A_27 : memref<5120xf32, #tpu.memory_space<hbm>>) target(%arg7 : memref<5120xf32, #tpu.memory_space<vmem>>) target_semaphore(%run_scoped3A : memref<!tpu.dma_semaphore, #tpu.memory_space<semaphore_mem>>)
        %dma_wait3A = tpu.memref_slice %arg2[%add3A_18] : memref<819200xf32, #tpu.memory_space<hbm>> -> memref<5120xf32, #tpu.memory_space<hbm>>
        %dma_wait3A_28 = tpu.memref_slice %arg2[%add3A_18] : memref<819200xf32, #tpu.memory_space<hbm>> -> memref<5120xf32, #tpu.memory_space<hbm>>
        tpu.wait_dma2 semaphore(%run_scoped3A : memref<!tpu.dma_semaphore, #tpu.memory_space<semaphore_mem>>) src(%dma_wait3A_28 : memref<5120xf32, #tpu.memory_space<hbm>>) dst(%arg7 : memref<5120xf32, #tpu.memory_space<vmem>>)
        tpu.yield
      }) : () -> ()
      "tpu.region"() ({
        %run_scoped3A = tpu.sem_alloc : memref<!tpu.dma_semaphore, #tpu.memory_space<semaphore_mem>>
        %dma_start3A = tpu.memref_slice %arg3[%add3A_18] : memref<819200xi32, #tpu.memory_space<hbm>> -> memref<5120xi32, #tpu.memory_space<hbm>>
        %dma_start3A_27 = tpu.memref_slice %arg3[%add3A_18] : memref<819200xi32, #tpu.memory_space<hbm>> -> memref<5120xi32, #tpu.memory_space<hbm>>
        tpu.enqueue_dma source(%dma_start3A_27 : memref<5120xi32, #tpu.memory_space<hbm>>) target(%arg8 : memref<5120xi32, #tpu.memory_space<vmem>>) target_semaphore(%run_scoped3A : memref<!tpu.dma_semaphore, #tpu.memory_space<semaphore_mem>>)
        %dma_wait3A = tpu.memref_slice %arg3[%add3A_18] : memref<819200xi32, #tpu.memory_space<hbm>> -> memref<5120xi32, #tpu.memory_space<hbm>>
        %dma_wait3A_28 = tpu.memref_slice %arg3[%add3A_18] : memref<819200xi32, #tpu.memory_space<hbm>> -> memref<5120xi32, #tpu.memory_space<hbm>>
        tpu.wait_dma2 semaphore(%run_scoped3A : memref<!tpu.dma_semaphore, #tpu.memory_space<semaphore_mem>>) src(%dma_wait3A_28 : memref<5120xi32, #tpu.memory_space<hbm>>) dst(%arg8 : memref<5120xi32, #tpu.memory_space<vmem>>)
        tpu.yield
      }) : () -> ()
      %scan3A_19 = arith.constant 0 : i32
      %scan3A_20 = arith.constant 0 : i32
      %scan3A_21 = arith.constant 320 : i32
      %scan3A_22 = arith.addi %scan3A_20, %scan3A_21 : i32
      %scan3A_23 = arith.constant 1 : i32
      %scan3A_24 = scf.for %scan3A_27 = %scan3A_20 to %scan3A_22 step %scan3A_23 iter_args(%scan3A_28 = %scan3A_19) -> (i32)  : i32 {
        %mul3A_29 = arith.constant 16 : i32
        %mul3A_30 = arith.muli %scan3A_27, %mul3A_29 : i32
        %get3A = arith.index_cast %mul3A_30 : i32 to index
        %get3A_31 = tpu.vector_load %arg8[%get3A] {strides = array<i32>} : memref<5120xi32, #tpu.memory_space<vmem>>, vector<16xi32>,
        %mul3A_32 = arith.constant 16 : i32
        %mul3A_33 = arith.muli %scan3A_27, %mul3A_32 : i32
        %get3A_34 = arith.index_cast %mul3A_33 : i32 to index
        %get3A_35 = tpu.vector_load %arg7[%get3A_34] {strides = array<i32>} : memref<5120xf32, #tpu.memory_space<vmem>>, vector<16xf32>,
        tpu.vector_store_idx %arg9[%get3A_31], %get3A_35 {add = true} : memref<50432xf32, #tpu.memory_space<vmem>>[vector<16xi32>], vector<16xf32>,
        tpu.vector_store_idx %arg10[%get3A_31], %broadcast_in_dim3A_1 {add = true} : memref<50432xf32, #tpu.memory_space<vmem>>[vector<16xi32>], vector<16xf32>,
        %scan3A_36 = arith.constant 0 : i32
        scf.yield %scan3A_36 : i32
      }
      %scan3A_25 = arith.constant 320 : i32
      %scan3A_26 = arith.constant 0 : i32
      scf.yield %scan3A_26 : i32
    }
    %scan3A_7 = arith.constant 5 : i32
    %mul3A_8 = arith.constant 50432 : i32
    %mul3A_9 = arith.muli %add3A, %mul3A_8 : i32
    "tpu.region"() ({
      %run_scoped3A = tpu.sem_alloc : memref<!tpu.dma_semaphore, #tpu.memory_space<semaphore_mem>>
      %dma_start3A = tpu.memref_slice %arg5[%mul3A_9] : memref<1613824xf32, #tpu.memory_space<hbm>> -> memref<50432xf32, #tpu.memory_space<hbm>>
      %dma_start3A_12 = tpu.memref_slice %arg5[%mul3A_9] : memref<1613824xf32, #tpu.memory_space<hbm>> -> memref<50432xf32, #tpu.memory_space<hbm>>
      tpu.enqueue_dma source(%arg9 : memref<50432xf32, #tpu.memory_space<vmem>>) target(%dma_start3A_12 : memref<50432xf32, #tpu.memory_space<hbm>>) target_semaphore(%run_scoped3A : memref<!tpu.dma_semaphore, #tpu.memory_space<semaphore_mem>>)
      %dma_wait3A = tpu.memref_slice %arg5[%mul3A_9] : memref<1613824xf32, #tpu.memory_space<hbm>> -> memref<50432xf32, #tpu.memory_space<hbm>>
      %dma_wait3A_13 = tpu.memref_slice %arg5[%mul3A_9] : memref<1613824xf32, #tpu.memory_space<hbm>> -> memref<50432xf32, #tpu.memory_space<hbm>>
      tpu.wait_dma2 semaphore(%run_scoped3A : memref<!tpu.dma_semaphore, #tpu.memory_space<semaphore_mem>>) src(%arg9 : memref<50432xf32, #tpu.memory_space<vmem>>) dst(%dma_wait3A_13 : memref<50432xf32, #tpu.memory_space<hbm>>)
      tpu.yield
    }) : () -> ()
    %mul3A_10 = arith.constant 50432 : i32
    %mul3A_11 = arith.muli %add3A, %mul3A_10 : i32
    "tpu.region"() ({
      %run_scoped3A = tpu.sem_alloc : memref<!tpu.dma_semaphore, #tpu.memory_space<semaphore_mem>>
      %dma_start3A = tpu.memref_slice %arg6[%mul3A_11] : memref<1613824xf32, #tpu.memory_space<hbm>> -> memref<50432xf32, #tpu.memory_space<hbm>>
      %dma_start3A_12 = tpu.memref_slice %arg6[%mul3A_11] : memref<1613824xf32, #tpu.memory_space<hbm>> -> memref<50432xf32, #tpu.memory_space<hbm>>
      tpu.enqueue_dma source(%arg10 : memref<50432xf32, #tpu.memory_space<vmem>>) target(%dma_start3A_12 : memref<50432xf32, #tpu.memory_space<hbm>>) target_semaphore(%run_scoped3A : memref<!tpu.dma_semaphore, #tpu.memory_space<semaphore_mem>>)
      %dma_wait3A = tpu.memref_slice %arg6[%mul3A_11] : memref<1613824xf32, #tpu.memory_space<hbm>> -> memref<50432xf32, #tpu.memory_space<hbm>>
      %dma_wait3A_13 = tpu.memref_slice %arg6[%mul3A_11] : memref<1613824xf32, #tpu.memory_space<hbm>> -> memref<50432xf32, #tpu.memory_space<hbm>>
      tpu.wait_dma2 semaphore(%run_scoped3A : memref<!tpu.dma_semaphore, #tpu.memory_space<semaphore_mem>>) src(%arg10 : memref<50432xf32, #tpu.memory_space<vmem>>) dst(%dma_wait3A_13 : memref<50432xf32, #tpu.memory_space<hbm>>)
      tpu.yield
    }) : () -> ()
    return
  }
}

#map = affine_map<(d0, d1) -> (0)>
module attributes {stable_mosaic.version = 14 : i64} {
  func.func @_kern_a(%arg0: i32, %arg1: i32, %arg2: memref<50000xf32, #tpu.memory_space<hbm>>, %arg3: memref<50000xf32, #tpu.memory_space<hbm>>, %arg4: memref<819200xi32, #tpu.memory_space<hbm>>, %arg5: memref<819200xf32, #tpu.memory_space<hbm>>, %arg6: memref<819200xf32, #tpu.memory_space<hbm>>, %arg7: memref<50000xf32, #tpu.memory_space<vmem>>, %arg8: memref<50000xf32, #tpu.memory_space<vmem>>, %arg9: memref<5120xi32, #tpu.memory_space<vmem>>, %arg10: memref<5120xf32, #tpu.memory_space<vmem>>, %arg11: memref<5120xf32, #tpu.memory_space<vmem>>) attributes {dimension_semantics = [#tpu.dimension_semantics<core_parallel>, #tpu.dimension_semantics<subcore_parallel>], iteration_bounds = array<i64: 2, 16>, scalar_prefetch = 0 : i64, scratch_operands = 5 : i64, tpu.core_type = #tpu.core_type<sc_vector_subcore>, window_params = [{transform_indices = #map}, {transform_indices = #map}, {transform_indices = #map}, {transform_indices = #map}, {transform_indices = #map}]} {
    %mul3A = arith.constant 2 : i32
    %mul3A_0 = arith.muli %arg1, %mul3A : i32
    %add3A = arith.addi %mul3A_0, %arg0 : i32
    "tpu.region"() ({
      %run_scoped3A = tpu.sem_alloc : memref<!tpu.dma_semaphore, #tpu.memory_space<semaphore_mem>>
      tpu.enqueue_dma source(%arg2 : memref<50000xf32, #tpu.memory_space<hbm>>) target(%arg7 : memref<50000xf32, #tpu.memory_space<vmem>>) target_semaphore(%run_scoped3A : memref<!tpu.dma_semaphore, #tpu.memory_space<semaphore_mem>>)
      tpu.wait_dma2 semaphore(%run_scoped3A : memref<!tpu.dma_semaphore, #tpu.memory_space<semaphore_mem>>) src(%arg2 : memref<50000xf32, #tpu.memory_space<hbm>>) dst(%arg7 : memref<50000xf32, #tpu.memory_space<vmem>>)
      tpu.yield
    }) : () -> ()
    "tpu.region"() ({
      %run_scoped3A = tpu.sem_alloc : memref<!tpu.dma_semaphore, #tpu.memory_space<semaphore_mem>>
      tpu.enqueue_dma source(%arg3 : memref<50000xf32, #tpu.memory_space<hbm>>) target(%arg8 : memref<50000xf32, #tpu.memory_space<vmem>>) target_semaphore(%run_scoped3A : memref<!tpu.dma_semaphore, #tpu.memory_space<semaphore_mem>>)
      tpu.wait_dma2 semaphore(%run_scoped3A : memref<!tpu.dma_semaphore, #tpu.memory_space<semaphore_mem>>) src(%arg3 : memref<50000xf32, #tpu.memory_space<hbm>>) dst(%arg8 : memref<50000xf32, #tpu.memory_space<vmem>>)
      tpu.yield
    }) : () -> ()
    %scan3A = arith.constant 0 : i32
    %scan3A_1 = arith.constant 0 : i32
    %scan3A_2 = arith.constant 5 : i32
    %scan3A_3 = arith.addi %scan3A_1, %scan3A_2 : i32
    %scan3A_4 = arith.constant 1 : i32
    %scan3A_5 = scf.for %scan3A_7 = %scan3A_1 to %scan3A_3 step %scan3A_4 iter_args(%scan3A_8 = %scan3A) -> (i32)  : i32 {
      %mul3A_9 = arith.constant 25600 : i32
      %mul3A_10 = arith.muli %add3A, %mul3A_9 : i32
      %mul3A_11 = arith.constant 5120 : i32
      %mul3A_12 = arith.muli %scan3A_7, %mul3A_11 : i32
      %add3A_13 = arith.addi %mul3A_10, %mul3A_12 : i32
      "tpu.region"() ({
        %run_scoped3A = tpu.sem_alloc : memref<!tpu.dma_semaphore, #tpu.memory_space<semaphore_mem>>
        %dma_start3A = tpu.memref_slice %arg4[%add3A_13] : memref<819200xi32, #tpu.memory_space<hbm>> -> memref<5120xi32, #tpu.memory_space<hbm>>
        %dma_start3A_22 = tpu.memref_slice %arg4[%add3A_13] : memref<819200xi32, #tpu.memory_space<hbm>> -> memref<5120xi32, #tpu.memory_space<hbm>>
        tpu.enqueue_dma source(%dma_start3A_22 : memref<5120xi32, #tpu.memory_space<hbm>>) target(%arg9 : memref<5120xi32, #tpu.memory_space<vmem>>) target_semaphore(%run_scoped3A : memref<!tpu.dma_semaphore, #tpu.memory_space<semaphore_mem>>)
        %dma_wait3A = tpu.memref_slice %arg4[%add3A_13] : memref<819200xi32, #tpu.memory_space<hbm>> -> memref<5120xi32, #tpu.memory_space<hbm>>
        %dma_wait3A_23 = tpu.memref_slice %arg4[%add3A_13] : memref<819200xi32, #tpu.memory_space<hbm>> -> memref<5120xi32, #tpu.memory_space<hbm>>
        tpu.wait_dma2 semaphore(%run_scoped3A : memref<!tpu.dma_semaphore, #tpu.memory_space<semaphore_mem>>) src(%dma_wait3A_23 : memref<5120xi32, #tpu.memory_space<hbm>>) dst(%arg9 : memref<5120xi32, #tpu.memory_space<vmem>>)
        tpu.yield
      }) : () -> ()
      %scan3A_14 = arith.constant 0 : i32
      %scan3A_15 = arith.constant 0 : i32
      %scan3A_16 = arith.constant 320 : i32
      %scan3A_17 = arith.addi %scan3A_15, %scan3A_16 : i32
      %scan3A_18 = arith.constant 1 : i32
      %scan3A_19 = scf.for %scan3A_22 = %scan3A_15 to %scan3A_17 step %scan3A_18 iter_args(%scan3A_23 = %scan3A_14) -> (i32)  : i32 {
        %mul3A_24 = arith.constant 16 : i32
        %mul3A_25 = arith.muli %scan3A_22, %mul3A_24 : i32
        %get3A = arith.index_cast %mul3A_25 : i32 to index
        %get3A_26 = tpu.vector_load %arg9[%get3A] {strides = array<i32>} : memref<5120xi32, #tpu.memory_space<vmem>>, vector<16xi32>,
        %gather3A = tpu.vector_load_idx %arg7[%get3A_26] : memref<50000xf32, #tpu.memory_space<vmem>>[vector<16xi32>], vector<16xf32>,
        %mul3A_27 = arith.constant 16 : i32
        %mul3A_28 = arith.muli %scan3A_22, %mul3A_27 : i32
        %swap3A = arith.index_cast %mul3A_28 : i32 to index
        %swap3A_29 = tpu.vector_load %arg10[%swap3A] {strides = array<i32>} : memref<5120xf32, #tpu.memory_space<vmem>>, vector<16xf32>,
        tpu.vector_store %arg10[%swap3A], %gather3A {strides = array<i32>} : memref<5120xf32, #tpu.memory_space<vmem>>, vector<16xf32>,
        %gather3A_30 = tpu.vector_load_idx %arg8[%get3A_26] : memref<50000xf32, #tpu.memory_space<vmem>>[vector<16xi32>], vector<16xf32>,
        %mul3A_31 = arith.constant 16 : i32
        %mul3A_32 = arith.muli %scan3A_22, %mul3A_31 : i32
        %swap3A_33 = arith.index_cast %mul3A_32 : i32 to index
        %swap3A_34 = tpu.vector_load %arg11[%swap3A_33] {strides = array<i32>} : memref<5120xf32, #tpu.memory_space<vmem>>, vector<16xf32>,
        tpu.vector_store %arg11[%swap3A_33], %gather3A_30 {strides = array<i32>} : memref<5120xf32, #tpu.memory_space<vmem>>, vector<16xf32>,
        %scan3A_35 = arith.constant 0 : i32
        scf.yield %scan3A_35 : i32
      }
      %scan3A_20 = arith.constant 320 : i32
      "tpu.region"() ({
        %run_scoped3A = tpu.sem_alloc : memref<!tpu.dma_semaphore, #tpu.memory_space<semaphore_mem>>
        %dma_start3A = tpu.memref_slice %arg5[%add3A_13] : memref<819200xf32, #tpu.memory_space<hbm>> -> memref<5120xf32, #tpu.memory_space<hbm>>
        %dma_start3A_22 = tpu.memref_slice %arg5[%add3A_13] : memref<819200xf32, #tpu.memory_space<hbm>> -> memref<5120xf32, #tpu.memory_space<hbm>>
        tpu.enqueue_dma source(%arg10 : memref<5120xf32, #tpu.memory_space<vmem>>) target(%dma_start3A_22 : memref<5120xf32, #tpu.memory_space<hbm>>) target_semaphore(%run_scoped3A : memref<!tpu.dma_semaphore, #tpu.memory_space<semaphore_mem>>)
        %dma_wait3A = tpu.memref_slice %arg5[%add3A_13] : memref<819200xf32, #tpu.memory_space<hbm>> -> memref<5120xf32, #tpu.memory_space<hbm>>
        %dma_wait3A_23 = tpu.memref_slice %arg5[%add3A_13] : memref<819200xf32, #tpu.memory_space<hbm>> -> memref<5120xf32, #tpu.memory_space<hbm>>
        tpu.wait_dma2 semaphore(%run_scoped3A : memref<!tpu.dma_semaphore, #tpu.memory_space<semaphore_mem>>) src(%arg10 : memref<5120xf32, #tpu.memory_space<vmem>>) dst(%dma_wait3A_23 : memref<5120xf32, #tpu.memory_space<hbm>>)
        tpu.yield
      }) : () -> ()
      "tpu.region"() ({
        %run_scoped3A = tpu.sem_alloc : memref<!tpu.dma_semaphore, #tpu.memory_space<semaphore_mem>>
        %dma_start3A = tpu.memref_slice %arg6[%add3A_13] : memref<819200xf32, #tpu.memory_space<hbm>> -> memref<5120xf32, #tpu.memory_space<hbm>>
        %dma_start3A_22 = tpu.memref_slice %arg6[%add3A_13] : memref<819200xf32, #tpu.memory_space<hbm>> -> memref<5120xf32, #tpu.memory_space<hbm>>
        tpu.enqueue_dma source(%arg11 : memref<5120xf32, #tpu.memory_space<vmem>>) target(%dma_start3A_22 : memref<5120xf32, #tpu.memory_space<hbm>>) target_semaphore(%run_scoped3A : memref<!tpu.dma_semaphore, #tpu.memory_space<semaphore_mem>>)
        %dma_wait3A = tpu.memref_slice %arg6[%add3A_13] : memref<819200xf32, #tpu.memory_space<hbm>> -> memref<5120xf32, #tpu.memory_space<hbm>>
        %dma_wait3A_23 = tpu.memref_slice %arg6[%add3A_13] : memref<819200xf32, #tpu.memory_space<hbm>> -> memref<5120xf32, #tpu.memory_space<hbm>>
        tpu.wait_dma2 semaphore(%run_scoped3A : memref<!tpu.dma_semaphore, #tpu.memory_space<semaphore_mem>>) src(%arg11 : memref<5120xf32, #tpu.memory_space<vmem>>) dst(%dma_wait3A_23 : memref<5120xf32, #tpu.memory_space<hbm>>)
        tpu.yield
      }) : () -> ()
      %scan3A_21 = arith.constant 0 : i32
      scf.yield %scan3A_21 : i32
    }
    %scan3A_6 = arith.constant 5 : i32
    return
  }
}

#map = affine_map<(d0, d1) -> (0)>
module attributes {stable_mosaic.version = 14 : i64} {
  func.func @_kern_d(%arg0: i32, %arg1: i32, %arg2: memref<50176xf32, #tpu.memory_space<hbm>>, %arg3: memref<1638400xi32, #tpu.memory_space<hbm>>, %arg4: memref<1638400xf32, #tpu.memory_space<hbm>>, %arg5: memref<1638400xi32, #tpu.memory_space<hbm>>, %arg6: memref<50432xf32, #tpu.memory_space<hbm>>, %arg7: memref<1613824xf32, #tpu.memory_space<hbm>>, %arg8: memref<50176xf32, #tpu.memory_space<vmem>>, %arg9: memref<5120xi32, #tpu.memory_space<vmem>>, %arg10: memref<5120xi32, #tpu.memory_space<vmem>>, %arg11: memref<5120xf32, #tpu.memory_space<vmem>>, %arg12: memref<50432xf32, #tpu.memory_space<vmem>>) attributes {dimension_semantics = [#tpu.dimension_semantics<core_parallel>, #tpu.dimension_semantics<subcore_parallel>], iteration_bounds = array<i64: 2, 16>, scalar_prefetch = 0 : i64, scratch_operands = 5 : i64, tpu.core_type = #tpu.core_type<sc_vector_subcore>, window_params = [{transform_indices = #map}, {transform_indices = #map}, {transform_indices = #map}, {transform_indices = #map}, {transform_indices = #map}, {transform_indices = #map}]} {
    %mul3A = arith.constant 2 : i32
    %mul3A_0 = arith.muli %arg1, %mul3A : i32
    %add3A = arith.addi %mul3A_0, %arg0 : i32
    "tpu.region"() ({
      %run_scoped3A = tpu.sem_alloc : memref<!tpu.dma_semaphore, #tpu.memory_space<semaphore_mem>>
      tpu.enqueue_dma source(%arg2 : memref<50176xf32, #tpu.memory_space<hbm>>) target(%arg8 : memref<50176xf32, #tpu.memory_space<vmem>>) target_semaphore(%run_scoped3A : memref<!tpu.dma_semaphore, #tpu.memory_space<semaphore_mem>>)
      tpu.wait_dma2 semaphore(%run_scoped3A : memref<!tpu.dma_semaphore, #tpu.memory_space<semaphore_mem>>) src(%arg2 : memref<50176xf32, #tpu.memory_space<hbm>>) dst(%arg8 : memref<50176xf32, #tpu.memory_space<vmem>>)
      tpu.yield
    }) : () -> ()
    "tpu.region"() ({
      %run_scoped3A = tpu.sem_alloc : memref<!tpu.dma_semaphore, #tpu.memory_space<semaphore_mem>>
      tpu.enqueue_dma source(%arg6 : memref<50432xf32, #tpu.memory_space<hbm>>) target(%arg12 : memref<50432xf32, #tpu.memory_space<vmem>>) target_semaphore(%run_scoped3A : memref<!tpu.dma_semaphore, #tpu.memory_space<semaphore_mem>>)
      tpu.wait_dma2 semaphore(%run_scoped3A : memref<!tpu.dma_semaphore, #tpu.memory_space<semaphore_mem>>) src(%arg6 : memref<50432xf32, #tpu.memory_space<hbm>>) dst(%arg12 : memref<50432xf32, #tpu.memory_space<vmem>>)
      tpu.yield
    }) : () -> ()
    %scan3A = arith.constant 0 : i32
    %scan3A_1 = arith.constant 0 : i32
    %scan3A_2 = arith.constant 10 : i32
    %scan3A_3 = arith.addi %scan3A_1, %scan3A_2 : i32
    %scan3A_4 = arith.constant 1 : i32
    %scan3A_5 = scf.for %scan3A_9 = %scan3A_1 to %scan3A_3 step %scan3A_4 iter_args(%scan3A_10 = %scan3A) -> (i32)  : i32 {
      %mul3A_11 = arith.constant 51200 : i32
      %mul3A_12 = arith.muli %add3A, %mul3A_11 : i32
      %mul3A_13 = arith.constant 5120 : i32
      %mul3A_14 = arith.muli %scan3A_9, %mul3A_13 : i32
      %add3A_15 = arith.addi %mul3A_12, %mul3A_14 : i32
      "tpu.region"() ({
        %run_scoped3A = tpu.sem_alloc : memref<!tpu.dma_semaphore, #tpu.memory_space<semaphore_mem>>
        %dma_start3A = tpu.memref_slice %arg3[%add3A_15] : memref<1638400xi32, #tpu.memory_space<hbm>> -> memref<5120xi32, #tpu.memory_space<hbm>>
        %dma_start3A_24 = tpu.memref_slice %arg3[%add3A_15] : memref<1638400xi32, #tpu.memory_space<hbm>> -> memref<5120xi32, #tpu.memory_space<hbm>>
        tpu.enqueue_dma source(%dma_start3A_24 : memref<5120xi32, #tpu.memory_space<hbm>>) target(%arg9 : memref<5120xi32, #tpu.memory_space<vmem>>) target_semaphore(%run_scoped3A : memref<!tpu.dma_semaphore, #tpu.memory_space<semaphore_mem>>)
        %dma_wait3A = tpu.memref_slice %arg3[%add3A_15] : memref<1638400xi32, #tpu.memory_space<hbm>> -> memref<5120xi32, #tpu.memory_space<hbm>>
        %dma_wait3A_25 = tpu.memref_slice %arg3[%add3A_15] : memref<1638400xi32, #tpu.memory_space<hbm>> -> memref<5120xi32, #tpu.memory_space<hbm>>
        tpu.wait_dma2 semaphore(%run_scoped3A : memref<!tpu.dma_semaphore, #tpu.memory_space<semaphore_mem>>) src(%dma_wait3A_25 : memref<5120xi32, #tpu.memory_space<hbm>>) dst(%arg9 : memref<5120xi32, #tpu.memory_space<vmem>>)
        tpu.yield
      }) : () -> ()
      "tpu.region"() ({
        %run_scoped3A = tpu.sem_alloc : memref<!tpu.dma_semaphore, #tpu.memory_space<semaphore_mem>>
        %dma_start3A = tpu.memref_slice %arg5[%add3A_15] : memref<1638400xi32, #tpu.memory_space<hbm>> -> memref<5120xi32, #tpu.memory_space<hbm>>
        %dma_start3A_24 = tpu.memref_slice %arg5[%add3A_15] : memref<1638400xi32, #tpu.memory_space<hbm>> -> memref<5120xi32, #tpu.memory_space<hbm>>
        tpu.enqueue_dma source(%dma_start3A_24 : memref<5120xi32, #tpu.memory_space<hbm>>) target(%arg10 : memref<5120xi32, #tpu.memory_space<vmem>>) target_semaphore(%run_scoped3A : memref<!tpu.dma_semaphore, #tpu.memory_space<semaphore_mem>>)
        %dma_wait3A = tpu.memref_slice %arg5[%add3A_15] : memref<1638400xi32, #tpu.memory_space<hbm>> -> memref<5120xi32, #tpu.memory_space<hbm>>
        %dma_wait3A_25 = tpu.memref_slice %arg5[%add3A_15] : memref<1638400xi32, #tpu.memory_space<hbm>> -> memref<5120xi32, #tpu.memory_space<hbm>>
        tpu.wait_dma2 semaphore(%run_scoped3A : memref<!tpu.dma_semaphore, #tpu.memory_space<semaphore_mem>>) src(%dma_wait3A_25 : memref<5120xi32, #tpu.memory_space<hbm>>) dst(%arg10 : memref<5120xi32, #tpu.memory_space<vmem>>)
        tpu.yield
      }) : () -> ()
      "tpu.region"() ({
        %run_scoped3A = tpu.sem_alloc : memref<!tpu.dma_semaphore, #tpu.memory_space<semaphore_mem>>
        %dma_start3A = tpu.memref_slice %arg4[%add3A_15] : memref<1638400xf32, #tpu.memory_space<hbm>> -> memref<5120xf32, #tpu.memory_space<hbm>>
        %dma_start3A_24 = tpu.memref_slice %arg4[%add3A_15] : memref<1638400xf32, #tpu.memory_space<hbm>> -> memref<5120xf32, #tpu.memory_space<hbm>>
        tpu.enqueue_dma source(%dma_start3A_24 : memref<5120xf32, #tpu.memory_space<hbm>>) target(%arg11 : memref<5120xf32, #tpu.memory_space<vmem>>) target_semaphore(%run_scoped3A : memref<!tpu.dma_semaphore, #tpu.memory_space<semaphore_mem>>)
        %dma_wait3A = tpu.memref_slice %arg4[%add3A_15] : memref<1638400xf32, #tpu.memory_space<hbm>> -> memref<5120xf32, #tpu.memory_space<hbm>>
        %dma_wait3A_25 = tpu.memref_slice %arg4[%add3A_15] : memref<1638400xf32, #tpu.memory_space<hbm>> -> memref<5120xf32, #tpu.memory_space<hbm>>
        tpu.wait_dma2 semaphore(%run_scoped3A : memref<!tpu.dma_semaphore, #tpu.memory_space<semaphore_mem>>) src(%dma_wait3A_25 : memref<5120xf32, #tpu.memory_space<hbm>>) dst(%arg11 : memref<5120xf32, #tpu.memory_space<vmem>>)
        tpu.yield
      }) : () -> ()
      %scan3A_16 = arith.constant 0 : i32
      %scan3A_17 = arith.constant 0 : i32
      %scan3A_18 = arith.constant 320 : i32
      %scan3A_19 = arith.addi %scan3A_17, %scan3A_18 : i32
      %scan3A_20 = arith.constant 1 : i32
      %scan3A_21 = scf.for %scan3A_24 = %scan3A_17 to %scan3A_19 step %scan3A_20 iter_args(%scan3A_25 = %scan3A_16) -> (i32)  : i32 {
        %mul3A_26 = arith.constant 16 : i32
        %mul3A_27 = arith.muli %scan3A_24, %mul3A_26 : i32
        %get3A = arith.index_cast %mul3A_27 : i32 to index
        %get3A_28 = tpu.vector_load %arg9[%get3A] {strides = array<i32>} : memref<5120xi32, #tpu.memory_space<vmem>>, vector<16xi32>,
        %gather3A = tpu.vector_load_idx %arg8[%get3A_28] : memref<50176xf32, #tpu.memory_space<vmem>>[vector<16xi32>], vector<16xf32>,
        %mul3A_29 = arith.constant 16 : i32
        %mul3A_30 = arith.muli %scan3A_24, %mul3A_29 : i32
        %get3A_31 = arith.index_cast %mul3A_30 : i32 to index
        %get3A_32 = tpu.vector_load %arg10[%get3A_31] {strides = array<i32>} : memref<5120xi32, #tpu.memory_space<vmem>>, vector<16xi32>,
        %mul3A_33 = arith.constant 16 : i32
        %mul3A_34 = arith.muli %scan3A_24, %mul3A_33 : i32
        %get3A_35 = arith.index_cast %mul3A_34 : i32 to index
        %get3A_36 = tpu.vector_load %arg11[%get3A_35] {strides = array<i32>} : memref<5120xf32, #tpu.memory_space<vmem>>, vector<16xf32>,
        %mul3A_37 = arith.mulf %gather3A, %get3A_36 : vector<16xf32>
        tpu.vector_store_idx %arg12[%get3A_32], %mul3A_37 {add = true} : memref<50432xf32, #tpu.memory_space<vmem>>[vector<16xi32>], vector<16xf32>,
        %scan3A_38 = arith.constant 0 : i32
        scf.yield %scan3A_38 : i32
      }
      %scan3A_22 = arith.constant 320 : i32
      %scan3A_23 = arith.constant 0 : i32
      scf.yield %scan3A_23 : i32
    }
    %scan3A_6 = arith.constant 10 : i32
    %mul3A_7 = arith.constant 50432 : i32
    %mul3A_8 = arith.muli %add3A, %mul3A_7 : i32
    "tpu.region"() ({
      %run_scoped3A = tpu.sem_alloc : memref<!tpu.dma_semaphore, #tpu.memory_space<semaphore_mem>>
      %dma_start3A = tpu.memref_slice %arg7[%mul3A_8] : memref<1613824xf32, #tpu.memory_space<hbm>> -> memref<50432xf32, #tpu.memory_space<hbm>>
      %dma_start3A_9 = tpu.memref_slice %arg7[%mul3A_8] : memref<1613824xf32, #tpu.memory_space<hbm>> -> memref<50432xf32, #tpu.memory_space<hbm>>
      tpu.enqueue_dma source(%arg12 : memref<50432xf32, #tpu.memory_space<vmem>>) target(%dma_start3A_9 : memref<50432xf32, #tpu.memory_space<hbm>>) target_semaphore(%run_scoped3A : memref<!tpu.dma_semaphore, #tpu.memory_space<semaphore_mem>>)
      %dma_wait3A = tpu.memref_slice %arg7[%mul3A_8] : memref<1613824xf32, #tpu.memory_space<hbm>> -> memref<50432xf32, #tpu.memory_space<hbm>>
      %dma_wait3A_10 = tpu.memref_slice %arg7[%mul3A_8] : memref<1613824xf32, #tpu.memory_space<hbm>> -> memref<50432xf32, #tpu.memory_space<hbm>>
      tpu.wait_dma2 semaphore(%run_scoped3A : memref<!tpu.dma_semaphore, #tpu.memory_space<semaphore_mem>>) src(%arg12 : memref<50432xf32, #tpu.memory_space<vmem>>) dst(%dma_wait3A_10 : memref<50432xf32, #tpu.memory_space<hbm>>)
      tpu.yield
    }) : () -> ()
    return
  }
}

module attributes {stable_mosaic.version = 14 : i64} {
  func.func @_b1_body(%arg0: i32, %arg1: memref<8x2048xf32, #tpu.memory_space<vmem>>, %arg2: memref<8x2048xf32, #tpu.memory_space<vmem>>, %arg3: memref<64x2xf32, #tpu.memory_space<vmem>>, %arg4: memref<64x1xf32, #tpu.memory_space<vmem>>, %arg5: memref<32x64xf32, #tpu.memory_space<vmem>>, %arg6: memref<32x1xf32, #tpu.memory_space<vmem>>, %arg7: memref<2x16x128x128xf32, #tpu.memory_space<vmem>>) attributes {dimension_semantics = [#tpu.dimension_semantics<arbitrary>], iteration_bounds = array<i64: 50>, scalar_prefetch = 0 : i64, scratch_operands = 0 : i64, tpu.core_type = #tpu.core_type<tc>, window_params = [{transform_indices = @transform_0, window_bounds = array<i64: 8, 2048>}, {transform_indices = @transform_1, window_bounds = array<i64: 8, 2048>}, {pipeline_mode = #tpu.pipeline_mode<synchronous>, transform_indices = @transform_2, window_bounds = array<i64: 64, 2>}, {pipeline_mode = #tpu.pipeline_mode<synchronous>, transform_indices = @transform_3, window_bounds = array<i64: 64, 1>}, {pipeline_mode = #tpu.pipeline_mode<synchronous>, transform_indices = @transform_4, window_bounds = array<i64: 32, 64>}, {pipeline_mode = #tpu.pipeline_mode<synchronous>, transform_indices = @transform_5, window_bounds = array<i64: 32, 1>}, {transform_indices = @transform_6, window_bounds = array<i64: 2, 16, 128, 128>}]} {
    %get3A = arith.constant 0 : index
    %get3A_0 = arith.constant 0 : index
    %get3A_1 = vector.load %arg3[%get3A, %get3A_0] : memref<64x2xf32, #tpu.memory_space<vmem>>, vector<64x1xf32>
    %get3A_2 = arith.constant 0 : index
    %get3A_3 = arith.constant 1 : index
    %get3A_4 = vector.load %arg3[%get3A_2, %get3A_3] : memref<64x2xf32, #tpu.memory_space<vmem>>, vector<64x1xf32>
    %get3A_5 = arith.constant 0 : index
    %get3A_6 = arith.constant 0 : index
    %get3A_7 = vector.load %arg1[%get3A_5, %get3A_6] : memref<8x2048xf32, #tpu.memory_space<vmem>>, vector<1x2048xf32>
    %get3A_8 = arith.constant 0 : index
    %get3A_9 = arith.constant 0 : index
    %get3A_10 = vector.load %arg2[%get3A_8, %get3A_9] : memref<8x2048xf32, #tpu.memory_space<vmem>>, vector<1x2048xf32>
    %mul3A = vector.broadcast %get3A_1 : vector<64x1xf32> to vector<64x2048xf32>
    %mul3A_11 = vector.broadcast %get3A_7 : vector<1x2048xf32> to vector<64x2048xf32>
    %mul3A_12 = arith.mulf %mul3A, %mul3A_11 : vector<64x2048xf32>
    %mul3A_13 = vector.broadcast %get3A_4 : vector<64x1xf32> to vector<64x2048xf32>
    %mul3A_14 = vector.broadcast %get3A_10 : vector<1x2048xf32> to vector<64x2048xf32>
    %mul3A_15 = arith.mulf %mul3A_13, %mul3A_14 : vector<64x2048xf32>
    %add3A = arith.addf %mul3A_12, %mul3A_15 : vector<64x2048xf32>
    %get3A_16 = arith.constant 0 : index
    %get3A_17 = arith.constant 0 : index
    %get3A_18 = vector.load %arg4[%get3A_16, %get3A_17] : memref<64x1xf32, #tpu.memory_space<vmem>>, vector<64x1xf32>
    %add3A_19 = vector.broadcast %get3A_18 : vector<64x1xf32> to vector<64x2048xf32>
    %add3A_20 = arith.addf %add3A, %add3A_19 : vector<64x2048xf32>
    %tanh3A = math.tanh %add3A_20 : vector<64x2048xf32>
    %get3A_21 = arith.constant 0 : index
    %get3A_22 = arith.constant 0 : index
    %get3A_23 = vector.load %arg5[%get3A_21, %get3A_22] : memref<32x64xf32, #tpu.memory_space<vmem>>, vector<32x64xf32>
    %dot_general3A = arith.constant dense<0.000000e+00> : vector<32x2048xf32>
    %dot_general3A_24 = tpu.matmul %get3A_23, %tanh3A, %dot_general3A {dimension_numbers = #tpu.dot_dimension_numbers<[1], [0], [0], [1], [0, 0, 1, 1], [], []>, transpose_lhs_hint = false} : vector<32x64xf32>, vector<64x2048xf32>, vector<32x2048xf32> -> vector<32x2048xf32>
    %get3A_25 = arith.constant 0 : index
    %get3A_26 = arith.constant 0 : index
    %get3A_27 = vector.load %arg6[%get3A_25, %get3A_26] : memref<32x1xf32, #tpu.memory_space<vmem>>, vector<32x1xf32>
    %add3A_28 = vector.broadcast %get3A_27 : vector<32x1xf32> to vector<32x2048xf32>
    %add3A_29 = arith.addf %dot_general3A_24, %add3A_28 : vector<32x2048xf32>
    %reshape3A = vector.shape_cast %add3A_29 : vector<32x2048xf32> to vector<2x16x16x128xf32>
    %swap3A = arith.constant 0 : index
    %swap3A_30 = arith.constant 0 : index
    %swap3A_31 = arith.constant 0 : index
    %swap3A_32 = arith.constant 0 : index
    %swap3A_33 = vector.load %arg7[%swap3A, %swap3A_30, %swap3A_31, %swap3A_32] : memref<2x16x128x128xf32, #tpu.memory_space<vmem>>, vector<2x16x16x128xf32>
    tpu.vector_store %arg7[%swap3A, %swap3A_30, %swap3A_31, %swap3A_32], %reshape3A {strides = array<i32>} : memref<2x16x128x128xf32, #tpu.memory_space<vmem>>, vector<2x16x16x128xf32>,
    %get3A_34 = arith.constant 1 : index
    %get3A_35 = arith.constant 0 : index
    %get3A_36 = vector.load %arg1[%get3A_34, %get3A_35] : memref<8x2048xf32, #tpu.memory_space<vmem>>, vector<1x2048xf32>
    %get3A_37 = arith.constant 1 : index
    %get3A_38 = arith.constant 0 : index
    %get3A_39 = vector.load %arg2[%get3A_37, %get3A_38] : memref<8x2048xf32, #tpu.memory_space<vmem>>, vector<1x2048xf32>
    %mul3A_40 = vector.broadcast %get3A_1 : vector<64x1xf32> to vector<64x2048xf32>
    %mul3A_41 = vector.broadcast %get3A_36 : vector<1x2048xf32> to vector<64x2048xf32>
    %mul3A_42 = arith.mulf %mul3A_40, %mul3A_41 : vector<64x2048xf32>
    %mul3A_43 = vector.broadcast %get3A_4 : vector<64x1xf32> to vector<64x2048xf32>
    %mul3A_44 = vector.broadcast %get3A_39 : vector<1x2048xf32> to vector<64x2048xf32>
    %mul3A_45 = arith.mulf %mul3A_43, %mul3A_44 : vector<64x2048xf32>
    %add3A_46 = arith.addf %mul3A_42, %mul3A_45 : vector<64x2048xf32>
    %get3A_47 = arith.constant 0 : index
    %get3A_48 = arith.constant 0 : index
    %get3A_49 = vector.load %arg4[%get3A_47, %get3A_48] : memref<64x1xf32, #tpu.memory_space<vmem>>, vector<64x1xf32>
    %add3A_50 = vector.broadcast %get3A_49 : vector<64x1xf32> to vector<64x2048xf32>
    %add3A_51 = arith.addf %add3A_46, %add3A_50 : vector<64x2048xf32>
    %tanh3A_52 = math.tanh %add3A_51 : vector<64x2048xf32>
    %get3A_53 = arith.constant 0 : index
    %get3A_54 = arith.constant 0 : index
    %get3A_55 = vector.load %arg5[%get3A_53, %get3A_54] : memref<32x64xf32, #tpu.memory_space<vmem>>, vector<32x64xf32>
    %dot_general3A_56 = arith.constant dense<0.000000e+00> : vector<32x2048xf32>
    %dot_general3A_57 = tpu.matmul %get3A_55, %tanh3A_52, %dot_general3A_56 {dimension_numbers = #tpu.dot_dimension_numbers<[1], [0], [0], [1], [0, 0, 1, 1], [], []>, transpose_lhs_hint = false} : vector<32x64xf32>, vector<64x2048xf32>, vector<32x2048xf32> -> vector<32x2048xf32>
    %get3A_58 = arith.constant 0 : index
    %get3A_59 = arith.constant 0 : index
    %get3A_60 = vector.load %arg6[%get3A_58, %get3A_59] : memref<32x1xf32, #tpu.memory_space<vmem>>, vector<32x1xf32>
    %add3A_61 = vector.broadcast %get3A_60 : vector<32x1xf32> to vector<32x2048xf32>
    %add3A_62 = arith.addf %dot_general3A_57, %add3A_61 : vector<32x2048xf32>
    %reshape3A_63 = vector.shape_cast %add3A_62 : vector<32x2048xf32> to vector<2x16x16x128xf32>
    %swap3A_64 = arith.constant 0 : index
    %swap3A_65 = arith.constant 0 : index
    %swap3A_66 = arith.constant 16 : index
    %swap3A_67 = arith.constant 0 : index
    %swap3A_68 = vector.load %arg7[%swap3A_64, %swap3A_65, %swap3A_66, %swap3A_67] : memref<2x16x128x128xf32, #tpu.memory_space<vmem>>, vector<2x16x16x128xf32>
    tpu.vector_store %arg7[%swap3A_64, %swap3A_65, %swap3A_66, %swap3A_67], %reshape3A_63 {strides = array<i32>} : memref<2x16x128x128xf32, #tpu.memory_space<vmem>>, vector<2x16x16x128xf32>,
    %get3A_69 = arith.constant 2 : index
    %get3A_70 = arith.constant 0 : index
    %get3A_71 = vector.load %arg1[%get3A_69, %get3A_70] : memref<8x2048xf32, #tpu.memory_space<vmem>>, vector<1x2048xf32>
    %get3A_72 = arith.constant 2 : index
    %get3A_73 = arith.constant 0 : index
    %get3A_74 = vector.load %arg2[%get3A_72, %get3A_73] : memref<8x2048xf32, #tpu.memory_space<vmem>>, vector<1x2048xf32>
    %mul3A_75 = vector.broadcast %get3A_1 : vector<64x1xf32> to vector<64x2048xf32>
    %mul3A_76 = vector.broadcast %get3A_71 : vector<1x2048xf32> to vector<64x2048xf32>
    %mul3A_77 = arith.mulf %mul3A_75, %mul3A_76 : vector<64x2048xf32>
    %mul3A_78 = vector.broadcast %get3A_4 : vector<64x1xf32> to vector<64x2048xf32>
    %mul3A_79 = vector.broadcast %get3A_74 : vector<1x2048xf32> to vector<64x2048xf32>
    %mul3A_80 = arith.mulf %mul3A_78, %mul3A_79 : vector<64x2048xf32>
    %add3A_81 = arith.addf %mul3A_77, %mul3A_80 : vector<64x2048xf32>
    %get3A_82 = arith.constant 0 : index
    %get3A_83 = arith.constant 0 : index
    %get3A_84 = vector.load %arg4[%get3A_82, %get3A_83] : memref<64x1xf32, #tpu.memory_space<vmem>>, vector<64x1xf32>
    %add3A_85 = vector.broadcast %get3A_84 : vector<64x1xf32> to vector<64x2048xf32>
    %add3A_86 = arith.addf %add3A_81, %add3A_85 : vector<64x2048xf32>
    %tanh3A_87 = math.tanh %add3A_86 : vector<64x2048xf32>
    %get3A_88 = arith.constant 0 : index
    %get3A_89 = arith.constant 0 : index
    %get3A_90 = vector.load %arg5[%get3A_88, %get3A_89] : memref<32x64xf32, #tpu.memory_space<vmem>>, vector<32x64xf32>
    %dot_general3A_91 = arith.constant dense<0.000000e+00> : vector<32x2048xf32>
    %dot_general3A_92 = tpu.matmul %get3A_90, %tanh3A_87, %dot_general3A_91 {dimension_numbers = #tpu.dot_dimension_numbers<[1], [0], [0], [1], [0, 0, 1, 1], [], []>, transpose_lhs_hint = false} : vector<32x64xf32>, vector<64x2048xf32>, vector<32x2048xf32> -> vector<32x2048xf32>
    %get3A_93 = arith.constant 0 : index
    %get3A_94 = arith.constant 0 : index
    %get3A_95 = vector.load %arg6[%get3A_93, %get3A_94] : memref<32x1xf32, #tpu.memory_space<vmem>>, vector<32x1xf32>
    %add3A_96 = vector.broadcast %get3A_95 : vector<32x1xf32> to vector<32x2048xf32>
    %add3A_97 = arith.addf %dot_general3A_92, %add3A_96 : vector<32x2048xf32>
    %reshape3A_98 = vector.shape_cast %add3A_97 : vector<32x2048xf32> to vector<2x16x16x128xf32>
    %swap3A_99 = arith.constant 0 : index
    %swap3A_100 = arith.constant 0 : index
    %swap3A_101 = arith.constant 32 : index
    %swap3A_102 = arith.constant 0 : index
    %swap3A_103 = vector.load %arg7[%swap3A_99, %swap3A_100, %swap3A_101, %swap3A_102] : memref<2x16x128x128xf32, #tpu.memory_space<vmem>>, vector<2x16x16x128xf32>
    tpu.vector_store %arg7[%swap3A_99, %swap3A_100, %swap3A_101, %swap3A_102], %reshape3A_98 {strides = array<i32>} : memref<2x16x128x128xf32, #tpu.memory_space<vmem>>, vector<2x16x16x128xf32>,
    %get3A_104 = arith.constant 3 : index
    %get3A_105 = arith.constant 0 : index
    %get3A_106 = vector.load %arg1[%get3A_104, %get3A_105] : memref<8x2048xf32, #tpu.memory_space<vmem>>, vector<1x2048xf32>
    %get3A_107 = arith.constant 3 : index
    %get3A_108 = arith.constant 0 : index
    %get3A_109 = vector.load %arg2[%get3A_107, %get3A_108] : memref<8x2048xf32, #tpu.memory_space<vmem>>, vector<1x2048xf32>
    %mul3A_110 = vector.broadcast %get3A_1 : vector<64x1xf32> to vector<64x2048xf32>
    %mul3A_111 = vector.broadcast %get3A_106 : vector<1x2048xf32> to vector<64x2048xf32>
    %mul3A_112 = arith.mulf %mul3A_110, %mul3A_111 : vector<64x2048xf32>
    %mul3A_113 = vector.broadcast %get3A_4 : vector<64x1xf32> to vector<64x2048xf32>
    %mul3A_114 = vector.broadcast %get3A_109 : vector<1x2048xf32> to vector<64x2048xf32>
    %mul3A_115 = arith.mulf %mul3A_113, %mul3A_114 : vector<64x2048xf32>
    %add3A_116 = arith.addf %mul3A_112, %mul3A_115 : vector<64x2048xf32>
    %get3A_117 = arith.constant 0 : index
    %get3A_118 = arith.constant 0 : index
    %get3A_119 = vector.load %arg4[%get3A_117, %get3A_118] : memref<64x1xf32, #tpu.memory_space<vmem>>, vector<64x1xf32>
    %add3A_120 = vector.broadcast %get3A_119 : vector<64x1xf32> to vector<64x2048xf32>
    %add3A_121 = arith.addf %add3A_116, %add3A_120 : vector<64x2048xf32>
    %tanh3A_122 = math.tanh %add3A_121 : vector<64x2048xf32>
    %get3A_123 = arith.constant 0 : index
    %get3A_124 = arith.constant 0 : index
    %get3A_125 = vector.load %arg5[%get3A_123, %get3A_124] : memref<32x64xf32, #tpu.memory_space<vmem>>, vector<32x64xf32>
    %dot_general3A_126 = arith.constant dense<0.000000e+00> : vector<32x2048xf32>
    %dot_general3A_127 = tpu.matmul %get3A_125, %tanh3A_122, %dot_general3A_126 {dimension_numbers = #tpu.dot_dimension_numbers<[1], [0], [0], [1], [0, 0, 1, 1], [], []>, transpose_lhs_hint = false} : vector<32x64xf32>, vector<64x2048xf32>, vector<32x2048xf32> -> vector<32x2048xf32>
    %get3A_128 = arith.constant 0 : index
    %get3A_129 = arith.constant 0 : index
    %get3A_130 = vector.load %arg6[%get3A_128, %get3A_129] : memref<32x1xf32, #tpu.memory_space<vmem>>, vector<32x1xf32>
    %add3A_131 = vector.broadcast %get3A_130 : vector<32x1xf32> to vector<32x2048xf32>
    %add3A_132 = arith.addf %dot_general3A_127, %add3A_131 : vector<32x2048xf32>
    %reshape3A_133 = vector.shape_cast %add3A_132 : vector<32x2048xf32> to vector<2x16x16x128xf32>
    %swap3A_134 = arith.constant 0 : index
    %swap3A_135 = arith.constant 0 : index
    %swap3A_136 = arith.constant 48 : index
    %swap3A_137 = arith.constant 0 : index
    %swap3A_138 = vector.load %arg7[%swap3A_134, %swap3A_135, %swap3A_136, %swap3A_137] : memref<2x16x128x128xf32, #tpu.memory_space<vmem>>, vector<2x16x16x128xf32>
    tpu.vector_store %arg7[%swap3A_134, %swap3A_135, %swap3A_136, %swap3A_137], %reshape3A_133 {strides = array<i32>} : memref<2x16x128x128xf32, #tpu.memory_space<vmem>>, vector<2x16x16x128xf32>,
    %get3A_139 = arith.constant 4 : index
    %get3A_140 = arith.constant 0 : index
    %get3A_141 = vector.load %arg1[%get3A_139, %get3A_140] : memref<8x2048xf32, #tpu.memory_space<vmem>>, vector<1x2048xf32>
    %get3A_142 = arith.constant 4 : index
    %get3A_143 = arith.constant 0 : index
    %get3A_144 = vector.load %arg2[%get3A_142, %get3A_143] : memref<8x2048xf32, #tpu.memory_space<vmem>>, vector<1x2048xf32>
    %mul3A_145 = vector.broadcast %get3A_1 : vector<64x1xf32> to vector<64x2048xf32>
    %mul3A_146 = vector.broadcast %get3A_141 : vector<1x2048xf32> to vector<64x2048xf32>
    %mul3A_147 = arith.mulf %mul3A_145, %mul3A_146 : vector<64x2048xf32>
    %mul3A_148 = vector.broadcast %get3A_4 : vector<64x1xf32> to vector<64x2048xf32>
    %mul3A_149 = vector.broadcast %get3A_144 : vector<1x2048xf32> to vector<64x2048xf32>
    %mul3A_150 = arith.mulf %mul3A_148, %mul3A_149 : vector<64x2048xf32>
    %add3A_151 = arith.addf %mul3A_147, %mul3A_150 : vector<64x2048xf32>
    %get3A_152 = arith.constant 0 : index
    %get3A_153 = arith.constant 0 : index
    %get3A_154 = vector.load %arg4[%get3A_152, %get3A_153] : memref<64x1xf32, #tpu.memory_space<vmem>>, vector<64x1xf32>
    %add3A_155 = vector.broadcast %get3A_154 : vector<64x1xf32> to vector<64x2048xf32>
    %add3A_156 = arith.addf %add3A_151, %add3A_155 : vector<64x2048xf32>
    %tanh3A_157 = math.tanh %add3A_156 : vector<64x2048xf32>
    %get3A_158 = arith.constant 0 : index
    %get3A_159 = arith.constant 0 : index
    %get3A_160 = vector.load %arg5[%get3A_158, %get3A_159] : memref<32x64xf32, #tpu.memory_space<vmem>>, vector<32x64xf32>
    %dot_general3A_161 = arith.constant dense<0.000000e+00> : vector<32x2048xf32>
    %dot_general3A_162 = tpu.matmul %get3A_160, %tanh3A_157, %dot_general3A_161 {dimension_numbers = #tpu.dot_dimension_numbers<[1], [0], [0], [1], [0, 0, 1, 1], [], []>, transpose_lhs_hint = false} : vector<32x64xf32>, vector<64x2048xf32>, vector<32x2048xf32> -> vector<32x2048xf32>
    %get3A_163 = arith.constant 0 : index
    %get3A_164 = arith.constant 0 : index
    %get3A_165 = vector.load %arg6[%get3A_163, %get3A_164] : memref<32x1xf32, #tpu.memory_space<vmem>>, vector<32x1xf32>
    %add3A_166 = vector.broadcast %get3A_165 : vector<32x1xf32> to vector<32x2048xf32>
    %add3A_167 = arith.addf %dot_general3A_162, %add3A_166 : vector<32x2048xf32>
    %reshape3A_168 = vector.shape_cast %add3A_167 : vector<32x2048xf32> to vector<2x16x16x128xf32>
    %swap3A_169 = arith.constant 0 : index
    %swap3A_170 = arith.constant 0 : index
    %swap3A_171 = arith.constant 64 : index
    %swap3A_172 = arith.constant 0 : index
    %swap3A_173 = vector.load %arg7[%swap3A_169, %swap3A_170, %swap3A_171, %swap3A_172] : memref<2x16x128x128xf32, #tpu.memory_space<vmem>>, vector<2x16x16x128xf32>
    tpu.vector_store %arg7[%swap3A_169, %swap3A_170, %swap3A_171, %swap3A_172], %reshape3A_168 {strides = array<i32>} : memref<2x16x128x128xf32, #tpu.memory_space<vmem>>, vector<2x16x16x128xf32>,
    %get3A_174 = arith.constant 5 : index
    %get3A_175 = arith.constant 0 : index
    %get3A_176 = vector.load %arg1[%get3A_174, %get3A_175] : memref<8x2048xf32, #tpu.memory_space<vmem>>, vector<1x2048xf32>
    %get3A_177 = arith.constant 5 : index
    %get3A_178 = arith.constant 0 : index
    %get3A_179 = vector.load %arg2[%get3A_177, %get3A_178] : memref<8x2048xf32, #tpu.memory_space<vmem>>, vector<1x2048xf32>
    %mul3A_180 = vector.broadcast %get3A_1 : vector<64x1xf32> to vector<64x2048xf32>
    %mul3A_181 = vector.broadcast %get3A_176 : vector<1x2048xf32> to vector<64x2048xf32>
    %mul3A_182 = arith.mulf %mul3A_180, %mul3A_181 : vector<64x2048xf32>
    %mul3A_183 = vector.broadcast %get3A_4 : vector<64x1xf32> to vector<64x2048xf32>
    %mul3A_184 = vector.broadcast %get3A_179 : vector<1x2048xf32> to vector<64x2048xf32>
    %mul3A_185 = arith.mulf %mul3A_183, %mul3A_184 : vector<64x2048xf32>
    %add3A_186 = arith.addf %mul3A_182, %mul3A_185 : vector<64x2048xf32>
    %get3A_187 = arith.constant 0 : index
    %get3A_188 = arith.constant 0 : index
    %get3A_189 = vector.load %arg4[%get3A_187, %get3A_188] : memref<64x1xf32, #tpu.memory_space<vmem>>, vector<64x1xf32>
    %add3A_190 = vector.broadcast %get3A_189 : vector<64x1xf32> to vector<64x2048xf32>
    %add3A_191 = arith.addf %add3A_186, %add3A_190 : vector<64x2048xf32>
    %tanh3A_192 = math.tanh %add3A_191 : vector<64x2048xf32>
    %get3A_193 = arith.constant 0 : index
    %get3A_194 = arith.constant 0 : index
    %get3A_195 = vector.load %arg5[%get3A_193, %get3A_194] : memref<32x64xf32, #tpu.memory_space<vmem>>, vector<32x64xf32>
    %dot_general3A_196 = arith.constant dense<0.000000e+00> : vector<32x2048xf32>
    %dot_general3A_197 = tpu.matmul %get3A_195, %tanh3A_192, %dot_general3A_196 {dimension_numbers = #tpu.dot_dimension_numbers<[1], [0], [0], [1], [0, 0, 1, 1], [], []>, transpose_lhs_hint = false} : vector<32x64xf32>, vector<64x2048xf32>, vector<32x2048xf32> -> vector<32x2048xf32>
    %get3A_198 = arith.constant 0 : index
    %get3A_199 = arith.constant 0 : index
    %get3A_200 = vector.load %arg6[%get3A_198, %get3A_199] : memref<32x1xf32, #tpu.memory_space<vmem>>, vector<32x1xf32>
    %add3A_201 = vector.broadcast %get3A_200 : vector<32x1xf32> to vector<32x2048xf32>
    %add3A_202 = arith.addf %dot_general3A_197, %add3A_201 : vector<32x2048xf32>
    %reshape3A_203 = vector.shape_cast %add3A_202 : vector<32x2048xf32> to vector<2x16x16x128xf32>
    %swap3A_204 = arith.constant 0 : index
    %swap3A_205 = arith.constant 0 : index
    %swap3A_206 = arith.constant 80 : index
    %swap3A_207 = arith.constant 0 : index
    %swap3A_208 = vector.load %arg7[%swap3A_204, %swap3A_205, %swap3A_206, %swap3A_207] : memref<2x16x128x128xf32, #tpu.memory_space<vmem>>, vector<2x16x16x128xf32>
    tpu.vector_store %arg7[%swap3A_204, %swap3A_205, %swap3A_206, %swap3A_207], %reshape3A_203 {strides = array<i32>} : memref<2x16x128x128xf32, #tpu.memory_space<vmem>>, vector<2x16x16x128xf32>,
    %get3A_209 = arith.constant 6 : index
    %get3A_210 = arith.constant 0 : index
    %get3A_211 = vector.load %arg1[%get3A_209, %get3A_210] : memref<8x2048xf32, #tpu.memory_space<vmem>>, vector<1x2048xf32>
    %get3A_212 = arith.constant 6 : index
    %get3A_213 = arith.constant 0 : index
    %get3A_214 = vector.load %arg2[%get3A_212, %get3A_213] : memref<8x2048xf32, #tpu.memory_space<vmem>>, vector<1x2048xf32>
    %mul3A_215 = vector.broadcast %get3A_1 : vector<64x1xf32> to vector<64x2048xf32>
    %mul3A_216 = vector.broadcast %get3A_211 : vector<1x2048xf32> to vector<64x2048xf32>
    %mul3A_217 = arith.mulf %mul3A_215, %mul3A_216 : vector<64x2048xf32>
    %mul3A_218 = vector.broadcast %get3A_4 : vector<64x1xf32> to vector<64x2048xf32>
    %mul3A_219 = vector.broadcast %get3A_214 : vector<1x2048xf32> to vector<64x2048xf32>
    %mul3A_220 = arith.mulf %mul3A_218, %mul3A_219 : vector<64x2048xf32>
    %add3A_221 = arith.addf %mul3A_217, %mul3A_220 : vector<64x2048xf32>
    %get3A_222 = arith.constant 0 : index
    %get3A_223 = arith.constant 0 : index
    %get3A_224 = vector.load %arg4[%get3A_222, %get3A_223] : memref<64x1xf32, #tpu.memory_space<vmem>>, vector<64x1xf32>
    %add3A_225 = vector.broadcast %get3A_224 : vector<64x1xf32> to vector<64x2048xf32>
    %add3A_226 = arith.addf %add3A_221, %add3A_225 : vector<64x2048xf32>
    %tanh3A_227 = math.tanh %add3A_226 : vector<64x2048xf32>
    %get3A_228 = arith.constant 0 : index
    %get3A_229 = arith.constant 0 : index
    %get3A_230 = vector.load %arg5[%get3A_228, %get3A_229] : memref<32x64xf32, #tpu.memory_space<vmem>>, vector<32x64xf32>
    %dot_general3A_231 = arith.constant dense<0.000000e+00> : vector<32x2048xf32>
    %dot_general3A_232 = tpu.matmul %get3A_230, %tanh3A_227, %dot_general3A_231 {dimension_numbers = #tpu.dot_dimension_numbers<[1], [0], [0], [1], [0, 0, 1, 1], [], []>, transpose_lhs_hint = false} : vector<32x64xf32>, vector<64x2048xf32>, vector<32x2048xf32> -> vector<32x2048xf32>
    %get3A_233 = arith.constant 0 : index
    %get3A_234 = arith.constant 0 : index
    %get3A_235 = vector.load %arg6[%get3A_233, %get3A_234] : memref<32x1xf32, #tpu.memory_space<vmem>>, vector<32x1xf32>
    %add3A_236 = vector.broadcast %get3A_235 : vector<32x1xf32> to vector<32x2048xf32>
    %add3A_237 = arith.addf %dot_general3A_232, %add3A_236 : vector<32x2048xf32>
    %reshape3A_238 = vector.shape_cast %add3A_237 : vector<32x2048xf32> to vector<2x16x16x128xf32>
    %swap3A_239 = arith.constant 0 : index
    %swap3A_240 = arith.constant 0 : index
    %swap3A_241 = arith.constant 96 : index
    %swap3A_242 = arith.constant 0 : index
    %swap3A_243 = vector.load %arg7[%swap3A_239, %swap3A_240, %swap3A_241, %swap3A_242] : memref<2x16x128x128xf32, #tpu.memory_space<vmem>>, vector<2x16x16x128xf32>
    tpu.vector_store %arg7[%swap3A_239, %swap3A_240, %swap3A_241, %swap3A_242], %reshape3A_238 {strides = array<i32>} : memref<2x16x128x128xf32, #tpu.memory_space<vmem>>, vector<2x16x16x128xf32>,
    %get3A_244 = arith.constant 7 : index
    %get3A_245 = arith.constant 0 : index
    %get3A_246 = vector.load %arg1[%get3A_244, %get3A_245] : memref<8x2048xf32, #tpu.memory_space<vmem>>, vector<1x2048xf32>
    %get3A_247 = arith.constant 7 : index
    %get3A_248 = arith.constant 0 : index
    %get3A_249 = vector.load %arg2[%get3A_247, %get3A_248] : memref<8x2048xf32, #tpu.memory_space<vmem>>, vector<1x2048xf32>
    %mul3A_250 = vector.broadcast %get3A_1 : vector<64x1xf32> to vector<64x2048xf32>
    %mul3A_251 = vector.broadcast %get3A_246 : vector<1x2048xf32> to vector<64x2048xf32>
    %mul3A_252 = arith.mulf %mul3A_250, %mul3A_251 : vector<64x2048xf32>
    %mul3A_253 = vector.broadcast %get3A_4 : vector<64x1xf32> to vector<64x2048xf32>
    %mul3A_254 = vector.broadcast %get3A_249 : vector<1x2048xf32> to vector<64x2048xf32>
    %mul3A_255 = arith.mulf %mul3A_253, %mul3A_254 : vector<64x2048xf32>
    %add3A_256 = arith.addf %mul3A_252, %mul3A_255 : vector<64x2048xf32>
    %get3A_257 = arith.constant 0 : index
    %get3A_258 = arith.constant 0 : index
    %get3A_259 = vector.load %arg4[%get3A_257, %get3A_258] : memref<64x1xf32, #tpu.memory_space<vmem>>, vector<64x1xf32>
    %add3A_260 = vector.broadcast %get3A_259 : vector<64x1xf32> to vector<64x2048xf32>
    %add3A_261 = arith.addf %add3A_256, %add3A_260 : vector<64x2048xf32>
    %tanh3A_262 = math.tanh %add3A_261 : vector<64x2048xf32>
    %get3A_263 = arith.constant 0 : index
    %get3A_264 = arith.constant 0 : index
    %get3A_265 = vector.load %arg5[%get3A_263, %get3A_264] : memref<32x64xf32, #tpu.memory_space<vmem>>, vector<32x64xf32>
    %dot_general3A_266 = arith.constant dense<0.000000e+00> : vector<32x2048xf32>
    %dot_general3A_267 = tpu.matmul %get3A_265, %tanh3A_262, %dot_general3A_266 {dimension_numbers = #tpu.dot_dimension_numbers<[1], [0], [0], [1], [0, 0, 1, 1], [], []>, transpose_lhs_hint = false} : vector<32x64xf32>, vector<64x2048xf32>, vector<32x2048xf32> -> vector<32x2048xf32>
    %get3A_268 = arith.constant 0 : index
    %get3A_269 = arith.constant 0 : index
    %get3A_270 = vector.load %arg6[%get3A_268, %get3A_269] : memref<32x1xf32, #tpu.memory_space<vmem>>, vector<32x1xf32>
    %add3A_271 = vector.broadcast %get3A_270 : vector<32x1xf32> to vector<32x2048xf32>
    %add3A_272 = arith.addf %dot_general3A_267, %add3A_271 : vector<32x2048xf32>
    %reshape3A_273 = vector.shape_cast %add3A_272 : vector<32x2048xf32> to vector<2x16x16x128xf32>
    %swap3A_274 = arith.constant 0 : index
    %swap3A_275 = arith.constant 0 : index
    %swap3A_276 = arith.constant 112 : index
    %swap3A_277 = arith.constant 0 : index
    %swap3A_278 = vector.load %arg7[%swap3A_274, %swap3A_275, %swap3A_276, %swap3A_277] : memref<2x16x128x128xf32, #tpu.memory_space<vmem>>, vector<2x16x16x128xf32>
    tpu.vector_store %arg7[%swap3A_274, %swap3A_275, %swap3A_276, %swap3A_277], %reshape3A_273 {strides = array<i32>} : memref<2x16x128x128xf32, #tpu.memory_space<vmem>>, vector<2x16x16x128xf32>,
    return
  }
  func.func @transform_0(%arg0: i32) -> (i32, i32) {
    %c0_i32 = arith.constant 0 : i32
    %c0_i32_0 = arith.constant 0 : i32
    return %arg0, %c0_i32 : i32, i32
  }
  func.func @transform_1(%arg0: i32) -> (i32, i32) {
    %c0_i32 = arith.constant 0 : i32
    %c0_i32_0 = arith.constant 0 : i32
    return %arg0, %c0_i32 : i32, i32
  }
  func.func @transform_2(%arg0: i32) -> (i32, i32) {
    %c0_i32 = arith.constant 0 : i32
    %c0_i32_0 = arith.constant 0 : i32
    %c0_i32_1 = arith.constant 0 : i32
    return %c0_i32, %c0_i32_0 : i32, i32
  }
  func.func @transform_3(%arg0: i32) -> (i32, i32) {
    %c0_i32 = arith.constant 0 : i32
    %c0_i32_0 = arith.constant 0 : i32
    %c0_i32_1 = arith.constant 0 : i32
    return %c0_i32, %c0_i32_0 : i32, i32
  }
  func.func @transform_4(%arg0: i32) -> (i32, i32) {
    %c0_i32 = arith.constant 0 : i32
    %c0_i32_0 = arith.constant 0 : i32
    %c0_i32_1 = arith.constant 0 : i32
    return %c0_i32, %c0_i32_0 : i32, i32
  }
  func.func @transform_5(%arg0: i32) -> (i32, i32) {
    %c0_i32 = arith.constant 0 : i32
    %c0_i32_0 = arith.constant 0 : i32
    %c0_i32_1 = arith.constant 0 : i32
    return %c0_i32, %c0_i32_0 : i32, i32
  }
  func.func @transform_6(%arg0: i32) -> (i32, i32, i32, i32) {
    %c0_i32 = arith.constant 0 : i32
    %c0_i32_0 = arith.constant 0 : i32
    %c0_i32_1 = arith.constant 0 : i32
    %c0_i32_2 = arith.constant 0 : i32
    return %c0_i32, %c0_i32_0, %arg0, %c0_i32_1 : i32, i32, i32, i32
  }
}

module attributes {stable_mosaic.version = 14 : i64} {
  func.func @_b3a_body(%arg0: i32, %arg1: memref<1024x8xf32, #tpu.memory_space<vmem>>, %arg2: memref<1024x8xf32, #tpu.memory_space<vmem>>, %arg3: memref<1024x8xf32, #tpu.memory_space<vmem>>, %arg4: memref<1024x8xf32, #tpu.memory_space<vmem>>, %arg5: memref<32x64xf32, #tpu.memory_space<vmem>>, %arg6: memref<1x64xf32, #tpu.memory_space<vmem>>, %arg7: memref<64x1xf32, #tpu.memory_space<vmem>>, %arg8: memref<1x1xf32, #tpu.memory_space<vmem>>, %arg9: memref<1024x1xf32, #tpu.memory_space<vmem>>) attributes {dimension_semantics = [#tpu.dimension_semantics<arbitrary>], iteration_bounds = array<i64: 49>, scalar_prefetch = 0 : i64, scratch_operands = 0 : i64, tpu.core_type = #tpu.core_type<tc>, window_params = [{transform_indices = @transform_0, window_bounds = array<i64: 1024, 8>}, {transform_indices = @transform_1, window_bounds = array<i64: 1024, 8>}, {transform_indices = @transform_2, window_bounds = array<i64: 1024, 8>}, {transform_indices = @transform_3, window_bounds = array<i64: 1024, 8>}, {pipeline_mode = #tpu.pipeline_mode<synchronous>, transform_indices = @transform_4, window_bounds = array<i64: 32, 64>}, {pipeline_mode = #tpu.pipeline_mode<synchronous>, transform_indices = @transform_5, window_bounds = array<i64: 1, 64>}, {pipeline_mode = #tpu.pipeline_mode<synchronous>, transform_indices = @transform_6, window_bounds = array<i64: 64, 1>}, {pipeline_mode = #tpu.pipeline_mode<synchronous>, transform_indices = @transform_7, window_bounds = array<i64: 1, 1>}, {transform_indices = @transform_8, window_bounds = array<i64: 1024, 1>}]} {
    %get3A = arith.constant 0 : index
    %get3A_0 = arith.constant 0 : index
    %get3A_1 = vector.load %arg1[%get3A, %get3A_0] : memref<1024x8xf32, #tpu.memory_space<vmem>>, vector<1024x8xf32>
    %get3A_2 = arith.constant 0 : index
    %get3A_3 = arith.constant 0 : index
    %get3A_4 = vector.load %arg2[%get3A_2, %get3A_3] : memref<1024x8xf32, #tpu.memory_space<vmem>>, vector<1024x8xf32>
    %get3A_5 = arith.constant 0 : index
    %get3A_6 = arith.constant 0 : index
    %get3A_7 = vector.load %arg3[%get3A_5, %get3A_6] : memref<1024x8xf32, #tpu.memory_space<vmem>>, vector<1024x8xf32>
    %get3A_8 = arith.constant 0 : index
    %get3A_9 = arith.constant 0 : index
    %get3A_10 = vector.load %arg4[%get3A_8, %get3A_9] : memref<1024x8xf32, #tpu.memory_space<vmem>>, vector<1024x8xf32>
    %concatenate3A = tpu.concatenate %get3A_1, %get3A_4, %get3A_7, %get3A_10 in 1 : vector<1024x8xf32>, vector<1024x8xf32>, vector<1024x8xf32>, vector<1024x8xf32> -> vector<1024x32xf32>
    %get3A_11 = arith.constant 0 : index
    %get3A_12 = arith.constant 0 : index
    %get3A_13 = vector.load %arg5[%get3A_11, %get3A_12] : memref<32x64xf32, #tpu.memory_space<vmem>>, vector<32x64xf32>
    %dot_general3A = arith.constant dense<0.000000e+00> : vector<1024x64xf32>
    %dot_general3A_14 = tpu.matmul %concatenate3A, %get3A_13, %dot_general3A {dimension_numbers = #tpu.dot_dimension_numbers<[1], [0], [0], [1], [0, 0, 1, 1], [], []>, transpose_lhs_hint = false} : vector<1024x32xf32>, vector<32x64xf32>, vector<1024x64xf32> -> vector<1024x64xf32>
    %get3A_15 = arith.constant 0 : index
    %get3A_16 = arith.constant 0 : index
    %get3A_17 = vector.load %arg6[%get3A_15, %get3A_16] : memref<1x64xf32, #tpu.memory_space<vmem>>, vector<1x64xf32>
    %add3A = vector.broadcast %get3A_17 : vector<1x64xf32> to vector<1024x64xf32>
    %add3A_18 = arith.addf %dot_general3A_14, %add3A : vector<1024x64xf32>
    %tanh3A = math.tanh %add3A_18 : vector<1024x64xf32>
    %get3A_19 = arith.constant 0 : index
    %get3A_20 = arith.constant 0 : index
    %get3A_21 = vector.load %arg7[%get3A_19, %get3A_20] : memref<64x1xf32, #tpu.memory_space<vmem>>, vector<64x1xf32>
    %dot_general3A_22 = arith.constant dense<0.000000e+00> : vector<1024x1xf32>
    %dot_general3A_23 = tpu.matmul %tanh3A, %get3A_21, %dot_general3A_22 {dimension_numbers = #tpu.dot_dimension_numbers<[1], [0], [0], [1], [0, 0, 1, 1], [], []>, transpose_lhs_hint = false} : vector<1024x64xf32>, vector<64x1xf32>, vector<1024x1xf32> -> vector<1024x1xf32>
    %get3A_24 = arith.constant 0 : index
    %get3A_25 = arith.constant 0 : index
    %get3A_26 = vector.load %arg8[%get3A_24, %get3A_25] : memref<1x1xf32, #tpu.memory_space<vmem>>, vector<1x1xf32>
    %add3A_27 = vector.broadcast %get3A_26 : vector<1x1xf32> to vector<1024x1xf32>
    %add3A_28 = arith.addf %dot_general3A_23, %add3A_27 : vector<1024x1xf32>
    %swap3A = arith.constant 0 : index
    %swap3A_29 = arith.constant 0 : index
    %swap3A_30 = vector.load %arg9[%swap3A, %swap3A_29] : memref<1024x1xf32, #tpu.memory_space<vmem>>, vector<1024x1xf32>
    tpu.vector_store %arg9[%swap3A, %swap3A_29], %add3A_28 {strides = array<i32>} : memref<1024x1xf32, #tpu.memory_space<vmem>>, vector<1024x1xf32>,
    return
  }
  func.func @transform_0(%arg0: i32) -> (i32, i32) {
    %c0_i32 = arith.constant 0 : i32
    %c0_i32_0 = arith.constant 0 : i32
    return %arg0, %c0_i32 : i32, i32
  }
  func.func @transform_1(%arg0: i32) -> (i32, i32) {
    %c0_i32 = arith.constant 0 : i32
    %c0_i32_0 = arith.constant 0 : i32
    return %arg0, %c0_i32 : i32, i32
  }
  func.func @transform_2(%arg0: i32) -> (i32, i32) {
    %c0_i32 = arith.constant 0 : i32
    %c0_i32_0 = arith.constant 0 : i32
    return %arg0, %c0_i32 : i32, i32
  }
  func.func @transform_3(%arg0: i32) -> (i32, i32) {
    %c0_i32 = arith.constant 0 : i32
    %c0_i32_0 = arith.constant 0 : i32
    return %arg0, %c0_i32 : i32, i32
  }
  func.func @transform_4(%arg0: i32) -> (i32, i32) {
    %c0_i32 = arith.constant 0 : i32
    %c0_i32_0 = arith.constant 0 : i32
    %c0_i32_1 = arith.constant 0 : i32
    return %c0_i32, %c0_i32_0 : i32, i32
  }
  func.func @transform_5(%arg0: i32) -> (i32, i32) {
    %c0_i32 = arith.constant 0 : i32
    %c0_i32_0 = arith.constant 0 : i32
    %c0_i32_1 = arith.constant 0 : i32
    return %c0_i32, %c0_i32_0 : i32, i32
  }
  func.func @transform_6(%arg0: i32) -> (i32, i32) {
    %c0_i32 = arith.constant 0 : i32
    %c0_i32_0 = arith.constant 0 : i32
    %c0_i32_1 = arith.constant 0 : i32
    return %c0_i32, %c0_i32_0 : i32, i32
  }
  func.func @transform_7(%arg0: i32) -> (i32, i32) {
    %c0_i32 = arith.constant 0 : i32
    %c0_i32_0 = arith.constant 0 : i32
    %c0_i32_1 = arith.constant 0 : i32
    return %c0_i32, %c0_i32_0 : i32, i32
  }
  func.func @transform_8(%arg0: i32) -> (i32, i32) {
    %c0_i32 = arith.constant 0 : i32
    %c0_i32_0 = arith.constant 0 : i32
    return %arg0, %c0_i32 : i32, i32
  }
}

module attributes {stable_mosaic.version = 14 : i64} {
  func.func @_b3b_body(%arg0: i32, %arg1: memref<8x128xf32, #tpu.memory_space<vmem>>, %arg2: memref<32x8x128xf32, #tpu.memory_space<vmem>>, %arg3: memref<32x8x128xf32, #tpu.memory_space<vmem>>, %arg4: memref<8x128xf32, #tpu.memory_space<vmem>>, %arg5: memref<8x128xf32, #tpu.memory_space<vmem>>) attributes {dimension_semantics = [#tpu.dimension_semantics<arbitrary>], iteration_bounds = array<i64: 49>, scalar_prefetch = 0 : i64, scratch_operands = 0 : i64, tpu.core_type = #tpu.core_type<tc>, window_params = [{transform_indices = @transform_0, window_bounds = array<i64: 8, 128>}, {transform_indices = @transform_1, window_bounds = array<i64: 32, 8, 128>}, {transform_indices = @transform_2, window_bounds = array<i64: 32, 8, 128>}, {transform_indices = @transform_3, window_bounds = array<i64: 8, 128>}, {transform_indices = @transform_4, window_bounds = array<i64: 8, 128>}]} {
    %get3A = arith.constant 0 : index
    %get3A_0 = arith.constant 0 : index
    %get3A_1 = vector.load %arg1[%get3A, %get3A_0] : memref<8x128xf32, #tpu.memory_space<vmem>>, vector<8x128xf32>
    %max3A = arith.constant 0.000000e+00 : f32
    %max3A_2 = vector.broadcast %max3A : f32 to vector<8x128xf32>
    %max3A_3 = arith.maximumf %get3A_1, %max3A_2 : vector<8x128xf32>
    %abs3A = math.absf %get3A_1 : vector<8x128xf32>
    %neg3A = arith.constant 0.000000e+00 : f32
    %neg3A_4 = vector.broadcast %neg3A : f32 to vector<8x128xf32>
    %neg3A_5 = arith.subf %neg3A_4, %abs3A : vector<8x128xf32>
    %exp3A = math.exp %neg3A_5 : vector<8x128xf32>
    %log1p3A = math.log1p %exp3A : vector<8x128xf32>
    %add3A = arith.addf %max3A_3, %log1p3A : vector<8x128xf32>
    %get3A_6 = arith.constant 0 : index
    %get3A_7 = arith.constant 0 : index
    %get3A_8 = arith.constant 0 : index
    %get3A_9 = vector.load %arg3[%get3A_6, %get3A_7, %get3A_8] : memref<32x8x128xf32, #tpu.memory_space<vmem>>, vector<32x8x128xf32>
    %reduce_sum3A = arith.constant dense<0.000000e+00> : vector<8x128xf32>
    %reduce_sum3A_10 = vector.multi_reduction <add>, %get3A_9, %reduce_sum3A [0] : vector<32x8x128xf32> to vector<8x128xf32>
    %max3A_11 = arith.constant 1.000000e+00 : f32
    %max3A_12 = vector.broadcast %max3A_11 : f32 to vector<8x128xf32>
    %max3A_13 = arith.maximumf %reduce_sum3A_10, %max3A_12 : vector<8x128xf32>
    %get3A_14 = arith.constant 0 : index
    %get3A_15 = arith.constant 0 : index
    %get3A_16 = arith.constant 0 : index
    %get3A_17 = vector.load %arg2[%get3A_14, %get3A_15, %get3A_16] : memref<32x8x128xf32, #tpu.memory_space<vmem>>, vector<32x8x128xf32>
    %reduce_sum3A_18 = arith.constant dense<0.000000e+00> : vector<8x128xf32>
    %reduce_sum3A_19 = vector.multi_reduction <add>, %get3A_17, %reduce_sum3A_18 [0] : vector<32x8x128xf32> to vector<8x128xf32>
    %div3A = arith.divf %reduce_sum3A_19, %max3A_13 : vector<8x128xf32>
    %get3A_20 = arith.constant 0 : index
    %get3A_21 = arith.constant 0 : index
    %get3A_22 = vector.load %arg4[%get3A_20, %get3A_21] : memref<8x128xf32, #tpu.memory_space<vmem>>, vector<8x128xf32>
    %mul3A = arith.constant 2.30258512 : f32
    %mul3A_23 = vector.broadcast %mul3A : f32 to vector<8x128xf32>
    %mul3A_24 = arith.mulf %get3A_22, %mul3A_23 : vector<8x128xf32>
    %exp3A_25 = math.exp %mul3A_24 : vector<8x128xf32>
    %mul3A_26 = arith.mulf %exp3A_25, %div3A : vector<8x128xf32>
    %mul3A_27 = arith.mulf %mul3A_26, %add3A : vector<8x128xf32>
    %swap3A = arith.constant 0 : index
    %swap3A_28 = arith.constant 0 : index
    %swap3A_29 = vector.load %arg5[%swap3A, %swap3A_28] : memref<8x128xf32, #tpu.memory_space<vmem>>, vector<8x128xf32>
    tpu.vector_store %arg5[%swap3A, %swap3A_28], %mul3A_27 {strides = array<i32>} : memref<8x128xf32, #tpu.memory_space<vmem>>, vector<8x128xf32>,
    return
  }
  func.func @transform_0(%arg0: i32) -> (i32, i32) {
    %c0_i32 = arith.constant 0 : i32
    %c0_i32_0 = arith.constant 0 : i32
    return %arg0, %c0_i32 : i32, i32
  }
  func.func @transform_1(%arg0: i32) -> (i32, i32, i32) {
    %c0_i32 = arith.constant 0 : i32
    %c0_i32_0 = arith.constant 0 : i32
    %c0_i32_1 = arith.constant 0 : i32
    return %c0_i32, %arg0, %c0_i32_0 : i32, i32, i32
  }
  func.func @transform_2(%arg0: i32) -> (i32, i32, i32) {
    %c0_i32 = arith.constant 0 : i32
    %c0_i32_0 = arith.constant 0 : i32
    %c0_i32_1 = arith.constant 0 : i32
    return %c0_i32, %arg0, %c0_i32_0 : i32, i32, i32
  }
  func.func @transform_3(%arg0: i32) -> (i32, i32) {
    %c0_i32 = arith.constant 0 : i32
    %c0_i32_0 = arith.constant 0 : i32
    return %arg0, %c0_i32 : i32, i32
  }
  func.func @transform_4(%arg0: i32) -> (i32, i32) {
    %c0_i32 = arith.constant 0 : i32
    %c0_i32_0 = arith.constant 0 : i32
    return %arg0, %c0_i32 : i32, i32
  }
}

module attributes {stable_mosaic.version = 14 : i64} {
  func.func @_e_body(%arg0: i32, %arg1: memref<32x8x128xf32, #tpu.memory_space<vmem>>, %arg2: memref<8x128xf32, #tpu.memory_space<vmem>>) attributes {dimension_semantics = [#tpu.dimension_semantics<arbitrary>], iteration_bounds = array<i64: 49>, scalar_prefetch = 0 : i64, scratch_operands = 0 : i64, tpu.core_type = #tpu.core_type<tc>, window_params = [{transform_indices = @transform_0, window_bounds = array<i64: 32, 8, 128>}, {transform_indices = @transform_1, window_bounds = array<i64: 8, 128>}]} {
    %get3A = arith.constant 0 : index
    %get3A_0 = arith.constant 0 : index
    %get3A_1 = arith.constant 0 : index
    %get3A_2 = vector.load %arg1[%get3A, %get3A_0, %get3A_1] : memref<32x8x128xf32, #tpu.memory_space<vmem>>, vector<32x8x128xf32>
    %reduce_sum3A = arith.constant dense<0.000000e+00> : vector<8x128xf32>
    %reduce_sum3A_3 = vector.multi_reduction <add>, %get3A_2, %reduce_sum3A [0] : vector<32x8x128xf32> to vector<8x128xf32>
    %mul3A = arith.constant 5.000000e-03 : f32
    %mul3A_4 = vector.broadcast %mul3A : f32 to vector<8x128xf32>
    %mul3A_5 = arith.mulf %mul3A_4, %reduce_sum3A_3 : vector<8x128xf32>
    %swap3A = arith.constant 0 : index
    %swap3A_6 = arith.constant 0 : index
    %swap3A_7 = vector.load %arg2[%swap3A, %swap3A_6] : memref<8x128xf32, #tpu.memory_space<vmem>>, vector<8x128xf32>
    tpu.vector_store %arg2[%swap3A, %swap3A_6], %mul3A_5 {strides = array<i32>} : memref<8x128xf32, #tpu.memory_space<vmem>>, vector<8x128xf32>,
    return
  }
  func.func @transform_0(%arg0: i32) -> (i32, i32, i32) {
    %c0_i32 = arith.constant 0 : i32
    %c0_i32_0 = arith.constant 0 : i32
    %c0_i32_1 = arith.constant 0 : i32
    return %c0_i32, %arg0, %c0_i32_0 : i32, i32, i32
  }
  func.func @transform_1(%arg0: i32) -> (i32, i32) {
    %c0_i32 = arith.constant 0 : i32
    %c0_i32_0 = arith.constant 0 : i32
    return %arg0, %c0_i32 : i32, i32
  }
}

</mosaic_0001>

<sc_bundles>
// kernel: kernel.10.cloned.1.call-start
scs
__scs_entry_jumppad:
0x0: {  	(pc) =	sbr.rel $0x88, $3  }
0x1: {  	(tag) =	ssettag $0x0;
	lr =	simm.s32 $0x1  }
0x2: {  	[smem:$0x3F91] =	sst lr;
	_ =	strace $0xD0000000  }
0x3: {  	_ = 	snop  }
0x4: {  	_ = 	snop  }
0x5: {  	_ = 	snop  }
0x6: {  	_ = 	snop  }
0x7: {  	_ = 	snop  }
__scs_overlays_trampoline_lowered:
0x8: {  	[smem:$0x3FA0] =	sst s0  }
0x9: {  	[smem:$0x3FA1] =	sst s1  }
0xa: {  	[smem:$0x3FA2] =	sst s2  }
0xb: {  	[smem:$0x3FA3] =	sst s3  }
0xc: {  	[smem:$0x3FA4] =	sst s4  }
0xd: {  	[smem:$0x3FA5] =	sst s5  }
0xe: {  	[smem:$0x3FA6] =	sst s6  }
0xf: {  	[smem:$0x3FA7] =	sst s7  }
0x10: {  	[smem:$0x3FA8] =	sst s8  }
0x11: {  	[smem:$0x3FA9] =	sst s9;
	s0 =	simm.s32 @!p0 $0x0  }
0x12: {  	s1 =	sld [smem:$0x3F8F];
	s0 =	simm.s32 @p0 $0x1  }
0x13: {  	[smem:$0x3FAA] =	sst s0;
	s0 =	simm.s32 @!p1 $0x0  }
0x14: {  	s2 =	sld [smem:$0x3F8E];
	s0 =	simm.s32 @p1 $0x1  }
0x15: {  	[smem:$0x3FAB] =	sst s0;
	s0 =	simm.s32 @!p2 $0x0  }
0x16: {  	s3 =	sld [smem:$0x3FDB];
	s0 =	simm.s32 @p2 $0x1  }
0x17: {  	s4 =	simm.s32 $0x1BF5;
	[smem:$0x3FAD] =	sst s0  }
0x18: {  	s0 =	sld [smem:$0x3F90];
	_ =	swait.ge [sflag:s4], $0x0  }
0x19: {  	s7 =	sld [smem:$0x3F91]  }
0x1a: {  	s8 =	sadd.s32 $0xFFFFE003, lr  }
0x1b: {  	s9 =	sadd.s32 $0xFFFFFEF7, lr;
	s5 =	simm.s32 $0xFFFFFFFF;
	p2 =	slt.u32 s8, $0xFFFFF086  }
0x1c: {  	p1 =	slt.u32 s9, $0xF7A;
	s5 =	simm.s32 @!p2 $0x0  }
0x1d: {  	s5 =	simm.s32 @p1 $0x1;
	p0 =	seq.s32 s7, s2  }
0x1e: {  	s7 =	smul.u32 @!p0 $0xF7A, s2;
	p2 =	seq.s32 @!p0 s5, $0x0  }
0x1f: {  	s9 =	smul.u32 $0xF7A, s1;
	s8 =	simm.s32 @!p0 $0x1BF5;
	p2 =	por !p2, p0  }
0x20: {  	[sflag:s8] =	ssyncset.s32 @!p0 $0xFFFFF086;
	s6 =	sadd.s32 @!p0 s3, s7;
	s7 =	simm.s32 @!p0 $0x108  }
0x21: {  	s3 =	sadd.s32 s3, s9;
	s6 =	sadd.s32 @!p0 $0x88, s6;
	s7 =	simm.s32 @p2 $0x1082  }
0x22: {  	[simem:s7], [sflag:s8] =	dma.local @!p0 [hbm:s6], $0xF7A  }
0x23: {  	s9 =	sor.u32 $0xD0000000, s2;
	s6 =	simm.s32 $0x108;
	_ =	swait.ge @!p0 [sflag:s8], $0x0  }
0x24: {  	s3 =	sadd.s32 $0x88, s3;
	s6 =	simm.s32 @!p1 $0x1082;
	[sflag:s4] =	ssyncset.s32 $0xFFFFF086  }
0x25: {  	[simem:s6], [sflag:s4] =	dma.local [hbm:s3], $0xF7A  }
0x26: {  	[smem:$0x3F91] =	sst s1;
	(tag) =	ssettag s2;
	_ =	strace s9  }
0x27: {  	s1 =	sld [smem:$0x3FA1]  }
0x28: {  	s2 =	sld [smem:$0x3FA2]  }
0x29: {  	s4 =	sld [smem:$0x3FA4]  }
0x2a: {  	p0 =	seq.s32 s5, $0x0;
	s5 =	sld [smem:$0x3FA5]  }
0x2b: {  	s6 =	sld [smem:$0x3FA6]  }
0x2c: {  	s7 =	sld [smem:$0x3FA7]  }
0x2d: {  	s3 =	simm.s32 $0x108;
	s8 =	sld [smem:$0x3FA8]  }
0x2e: {  	s3 =	simm.s32 @!p0 $0x1082;
	s9 =	sld [smem:$0x3FA9]  }
0x2f: {  	lr =	sadd.s32 s0, s3;
	s0 =	sld [smem:$0x3FA0]  }
0x30: {  	s3 =	sld [smem:$0x3FA3]  }
0x31: {  	[smem:$0x3FAC] =	sst s10  }
0x32: {  	s10 =	sld [smem:$0x3FAA];
	_ =	sdelay $0x3  }
0x33: {  	p0 =	seq.s32 s10, $0x1;
	s10 =	sld [smem:$0x3FAC];
	_ =	sdelay $0x3  }
0x34: {  	[smem:$0x3FAC] =	sst s10  }
0x35: {  	s10 =	sld [smem:$0x3FAB];
	_ =	sdelay $0x3  }
0x36: {  	p1 =	seq.s32 s10, $0x1;
	s10 =	sld [smem:$0x3FAC];
	_ =	sdelay $0x3  }
0x37: {  	[smem:$0x3FAC] =	sst s10  }
0x38: {  	s10 =	sld [smem:$0x3FAD]  }
0x39: {  	_ = 	snop;
	(pc) =	sbr.ind lr, $3  }
0x3a: {  	_ = 	snop  }
0x3b: {  	_ = 	snop  }
0x3c: {  	p2 =	seq.s32 s10, $0x1;
	s10 =	sld [smem:$0x3FAC]  }
0x3d: {  	_ =	shalt  }
0x3e: {  	_ =	shalt  }
0x3f: {  	_ =	shalt  }
0x40: {  	_ =	shalt  }
0x41: {  	_ =	shalt  }
0x42: {  	_ =	shalt  }
0x43: {  	_ =	shalt  }
0x44: {  	_ =	shalt  }
0x45: {  	_ =	shalt  }
0x46: {  	_ =	shalt  }
0x47: {  	_ =	shalt  }
0x48: {  	_ =	shalt  }
0x49: {  	_ =	shalt  }
0x4a: {  	_ =	shalt  }
0x4b: {  	_ =	shalt  }
0x4c: {  	_ =	shalt  }
0x4d: {  	_ =	shalt  }
0x4e: {  	_ =	shalt  }
0x4f: {  	_ =	shalt  }
0x50: {  	_ =	shalt  }
0x51: {  	_ =	shalt  }
0x52: {  	_ =	shalt  }
0x53: {  	_ =	shalt  }
0x54: {  	_ =	shalt  }
0x55: {  	_ =	shalt  }
0x56: {  	_ =	shalt  }
0x57: {  	_ =	shalt  }
0x58: {  	_ =	shalt  }
0x59: {  	_ =	shalt  }
0x5a: {  	_ =	shalt  }
0x5b: {  	_ =	shalt  }
0x5c: {  	_ =	shalt  }
0x5d: {  	_ =	shalt  }
0x5e: {  	_ =	shalt  }
0x5f: {  	_ =	shalt  }
0x60: {  	_ =	shalt  }
0x61: {  	_ =	shalt  }
0x62: {  	_ =	shalt  }
0x63: {  	_ =	shalt  }
0x64: {  	_ =	shalt  }
0x65: {  	_ =	shalt  }
0x66: {  	_ =	shalt  }
0x67: {  	_ =	shalt  }
0x68: {  	_ =	shalt  }
0x69: {  	_ =	shalt  }
0x6a: {  	_ =	shalt  }
0x6b: {  	_ =	shalt  }
0x6c: {  	_ =	shalt  }
0x6d: {  	_ =	shalt  }
0x6e: {  	_ =	shalt  }
0x6f: {  	_ =	shalt  }
0x70: {  	_ =	shalt  }
0x71: {  	_ =	shalt  }
0x72: {  	_ =	shalt  }
0x73: {  	_ =	shalt  }
0x74: {  	_ =	shalt  }
0x75: {  	_ =	shalt  }
0x76: {  	_ =	shalt  }
0x77: {  	_ =	shalt  }
0x78: {  	_ =	shalt  }
0x79: {  	_ =	shalt  }
0x7a: {  	_ =	shalt  }
0x7b: {  	_ =	shalt  }
0x7c: {  	_ =	shalt  }
0x7d: {  	_ =	shalt  }
0x7e: {  	_ =	shalt  }
0x7f: {  	_ =	shalt  }
0x80: {  	_ =	shalt  }
0x81: {  	_ =	shalt  }
0x82: {  	_ =	shalt  }
0x83: {  	_ =	shalt  }
0x84: {  	_ =	shalt  }
0x85: {  	_ =	shalt  }
0x86: {  	_ =	shalt  }
0x87: {  	_ =	shalt  }
.Lfunc_end0:
.L_simem_size_0:
called_computation_lowered:
.L_overlay_start_0:
0x88: {  	s2 =	sld [smem:$0x3FD9]  }
0x89: {  	s3 =	sld [smem:$0x3FFE];
	_ =	sdelay $0x1  }
0x8a: {  	s1 =	srdreg.scid  }
0x8b: {  	s0 =	sand.u32 $0x1, s1  }
0x8c: {  	s16 =	sshll.u32 s0, $0xA;
	s2 =	sadd.s32 s3, s2  }
0x8d: {  	s2 =	sadd.s32 s2, s16  }
0x8e: {  	[smem:$0x3FB8] =	sst s2  }
0x8f: {  	_ = 	snop  }
0x90: {  	(tm) =	ssettm $0x1  }
0x91: {  	s17 =	sld [smem:$0x3FFB];
	_ =	sdelay $0x3  }
0x92: {  	_ =	strace s17  }
0x93: {  	s2 =	sld [smem:$0x3FFC];
	_ =	sdelay $0x3  }
0x94: {  	_ =	strace s2  }
0x95: {  	s2 =	sld [smem:$0x3FFD];
	_ =	sdelay $0x3  }
0x96: {  	_ =	strace s2  }
0x97: {  	_ =	strace $0x8FFFFFFF  }
0x98: {  	s18 =	sld [smem:$0x3FDB];
	_ =	sdelay $0x1  }
0x99: {  	s19 =	simm.s32 $_scs_section_size  }
0x9a: {  	s4 =	simm.s32 $_size__tile_overlayer_lowered;
	s5 =	simm.s32 $_tile_overlayer_lowered  }
0x9b: {  	s22 =	simm.s32 $0x1BFF;
	s21 =	sshll.u32 s5, $0x1;
	s2 =	sadd.s32 s19, s18  }
0x9c: {  	s6 =	simm.s32 $0x0;
	s20 =	sshll.u32 s4, $0x1;
	s4 =	sadd.s32 s21, s2  }
0x9d: {  	[timem:s6], [sflag:s22] =	dma.local [hbm:s4], s20  }
0x9e: {  	_ =	swait.ge [sflag:s22], s20  }
0x9f: {  	s3 =	ssub.s32 $0x0, s20;
	[sflag:s22] =	ssyncset.done $0x0  }
0xa0: {  	[sflag:s22] =	ssyncadd.s32 s3;
	_ =	sdelay $0x1  }
0xa1: {  	s23 =	simm.s32 $0x1B8B  }
0xa2: {  	_ =	swait.ge [sflag:s23], $0x1  }
0xa3: {  	[sflag:s23] =	ssyncset.done $0x0  }
0xa4: {  	s25 =	simm.s32 $0x1B8E;
	s24 =	sld [smem:$0x3FFE];
	[sflag:s23] =	ssyncadd.s32 $0xFFFFFFFF  }
0xa5: {  	s26 =	simm.s32 $execute0_lowered;
	[smem:$0x3FD2] =	sst s25  }
0xa6: {  	s4 =	sshll.u32 s26, $0x1;
	_ =	strace $0x80000046;
	[dreg:$0x1] =	wrdreg $0xFFFFFFFF  }
0xa7: {  	s28 =	simm.s32 $_size_execute0_lowered;
	s2 =	sadd.s32 s2, s4;
	[dreg:$0x0] =	wrdreg $0x0  }
0xa8: {  	s4 =	sshll.u32 s28, $0x1;
	[dreg:$0x2] =	wrdreg s2  }
0xa9: {  	[dreg:$0x3] =	wrdreg s4  }
0xaa: {  	[dreg:$0x4] =	wrdreg $0xC0  }
0xab: {  	_ =	task [dreg:s6], $0x5FFFF  }
0xac: {  	[dreg:$0x1] =	wrdreg $0xFFFFFFFF  }
0xad: {  	[dreg:$0x0] =	wrdreg $0x60  }
0xae: {  	[dreg:$0x2] =	wrdreg s24  }
0xaf: {  	[dreg:$0x3] =	wrdreg $0x9  }
0xb0: {  	_ =	task.clear_ibuf [dreg:s6], $0x4FFFF;
	_ =	strace $0x90000046  }
0xb1: {  	s29 =	simm.s32 $0x9;
	_ =	strace $0x80000048  }
0xb2: {  	_ =	swait.ge [sflag:s29], $0x1  }
0xb3: {  	[sflag:s29] =	ssyncadd.s32 $0xFFFFFFFF  }
0xb4: {  	_ =	strace $0x90000048  }
0xb5: {  	_ =	sfence  }
0xb6: {  	s30 =	sld [smem:$0x0];
	_ =	sdelay $0x2  }
0xb7: {  	s31 =	sshll.u32 s1, $0xD;
	s1 =	sshrl.u32 s1, $0x2  }
0xb8: {  	s3 =	sand.u32 $0x4000, s31;
	s1 =	sadd.s32 s1, s30  }
0xb9: {  	s0 =	sor.u32 s3, s0;
	s1 =	sshll.u32 s1, $0x11  }
0xba: {  	s0 =	sor.u32 s1, s0  }
0xbb: {  	s0 =	sadd.s32 $0x8F2B, s0  }
0xbc: {  	[sflag:s0] =	ssyncadd.remote.s32 $0x1  }
0xbd: {  	_ =	sfence.sel $0xFFFF  }
0xbe: {  	[dreg:$0x0] =	wrdreg $0xFFFFFFFF;
	(pc) =	sbr.abs _section_cstart, $3  }
0xbf: {  	[dreg:$0x1] =	wrdreg $0xFFFFFFFF  }
0xc0: {  	_ =	task.clear_ibuf [dreg:s6], $0x2FFFF;
	_ =	strace $0x9FFFFFFF  }
0xc1: {  	(tm) =	ssettm $0x7FFFFFFF  }
tec
execute0_lowered:
.L_overlay_start_1:
0x0: {  	(tag) =	ssettag $0x1  }
0x1: {  	s7 =	rddreg [dreg:$0x0]  }
0x2: {  	s0 =	rddreg [dreg:$0x1]  }
0x3: {  	s1 =	simm.s32 $0x0;
	s2 =	srdreg.scid;
	s12 =	simm.s32 $0x186A0  }
0x4: {  	s13 =	simm.s32 $0x19AA0;
	s14 =	simm.s32 $0x1AEA0;
	s15 =	simm.s32 $0x0  }
0x5: {  	[smem:$0x7FF] =	sst s1;
	s3 =	sadd.s32 $0x5800, s7;
	s8 =	sand.u32 $0x1, s2  }
0x6: {  	s4 =	sadd.s32 $0x3E00, s7;
	s2 =	stileid.u32;
	s5 =	sadd.s32 $0x7200, s7  }
0x7: {  	s6 =	sadd.s32 $0x20200, s7;
	s7 =	sadd.s32 $0x39200, s7;
	s9 =	ssub.s32 $0x2, s8  }
0x8: {  	_ =	strace $0x80000047;
	s11 =	sshll.u32 s2, $0x1;
	s10 =	sshrl.u32 s9, $0x1  }
0x9: {  	s8 =	sor.u32 s8, s11;
	s11 =	simm.s32 $0xC350;
	s9 =	ssub.s32 s9, s10  }
0xa: {  	s8 =	smul.u32 $0x6400, s8;
	s10 =	simm.s32 $0x1;
	s9 =	smax.u32 s9, $0x1  }
.LBB2_1:
0xb: {  	[tilespmem:s1], [sflag:$0x1] =	stream.linear.gather [hbm4b:s3+s1], $0xC350, $0x38;
	[tilespmem:$0x1C2A0] =	vst v63  }
0xc: {  	_ =	swait.ge [sflag:s10], $0xC350  }
0xd: {  	[sflag:s10] =	ssyncset.done $0x0  }
0xe: {  	[sflag:s10] =	ssyncadd.s32 $0xFFFF3CB0  }
0xf: {  	[tilespmem:s11], [sflag:$0x1] =	stream.linear.gather [hbm4b:s4+s1], $0xC350, $0x38;
	[tilespmem:$0x1C2A0] =	vst v63  }
0x10: {  	_ =	swait.ge [sflag:s10], $0xC350  }
0x11: {  	[sflag:s10] =	ssyncset.done $0x0  }
0x12: {  	s16 =	simm.s32 $0x0;
	[sflag:s10] =	ssyncadd.s32 $0xFFFF3CB0  }
.LBB2_2:
0x13: {  	s17 =	smul.u32 $0x1400, s16;
	_ =	sdelay $0x1  }
0x14: {  	s17 =	sadd.s32 s8, s17  }
0x15: {  	s17 =	sshrl.u32 s17, $0x3  }
0x16: {  	s19 =	simm.s32 $0x0;
	s18 =	sadd.s32 s5, s17  }
0x17: {  	[tilespmem:s12], [sflag:$0x1] =	stream.linear.gather [hbm4b:s18+s19], $0x1400, $0x38;
	[tilespmem:$0x1C2A0] =	vst v63  }
0x18: {  	_ =	swait.ge [sflag:s10], $0x1400  }
0x19: {  	[sflag:s10] =	ssyncset.done $0x0  }
0x1a: {  	s18 =	simm.s32 $0x0;
	[sflag:s10] =	ssyncadd.s32 $0xFFFFEC00  }
0x1b: {  	v0 =	vld [tilespmem:s18+$0x186A0];
	_ =	sdelay $0x7  }
0x1c: {  	v1 =	vld.idx.msk [tilespmem:v0+s1+$0x0], $0xffff;
	_ =	sdelay $0x3  }
0x1d: {  	s20 =	simm.s32 $0x80;
	s19 =	simm.s32 $0x10  }
.LBB2_3:
0x1e: {  	p0 =	sne.s32 s20, $0x4FC0;
	v2 =	vld [tilespmem:s19+$0x186A0];
	[tilespmem:s18+$0x19AA0] =	vst v1  }
0x1f: {  	v1 =	vld.idx.msk [tilespmem:v0+s11+$0x0], $0xffff;
	_ =	sdelay $0x3  }
0x20: {  	v0 =	vmov v2;
	_ =	sdelay $0x1  }
0x21: {  	[tilespmem:s18+$0x1AEA0] =	vst v1;
	s18 =	smov.u32 s19  }
0x22: {  	v1 =	vld.idx.msk [tilespmem:v2+s1+$0x0], $0xffff  }
.Ltmp0:
0x23: {  	(pc) =	sbr.rel @p0 .LBB2_3-.Ltmp0, $2  }
0x24: {  	_ =	sdelay $0x2  }
0x25: {  	s19 =	sshra.s32 s20, $0x2;
	s20 =	sadd.s32 $0x40, s20  }
0x26: {  	_ =	sdelay $0x1  }
0x27: {  	v2 =	vld [tilespmem:s19+$0x186A0]  }
0x28: {  	[tilespmem:s18+$0x19AA0] =	vst v1  }
0x29: {  	v0 =	vld.idx.msk [tilespmem:v0+s11+$0x0], $0xffff;
	_ =	sdelay $0x4  }
0x2a: {  	[tilespmem:s18+$0x1AEA0] =	vst v0  }
0x2b: {  	v0 =	vld.idx.msk [tilespmem:v2+s1+$0x0], $0xffff;
	_ =	sdelay $0x4  }
0x2c: {  	[tilespmem:s19+$0x19AA0] =	vst v0  }
0x2d: {  	v0 =	vld.idx.msk [tilespmem:v2+s11+$0x0], $0xffff;
	_ =	sdelay $0x4  }
0x2e: {  	s30 =	sadd.s32 s6, s17;
	[tilespmem:s19+$0x1AEA0] =	vst v0  }
0x2f: {  	[hbm4b:s30+s1] =	stream.linear.scatter [tilespmem:s13], [sflag:$0x1], $0x1400, $0x38;
	[tilespmem:$0x1C2A0] =	vst v63  }
0x30: {  	s16 =	sadd.s32 $0x1, s16;
	_ =	swait.ge [sflag:s10], $0x1400  }
0x31: {  	p0 =	sne.s32 s16, $0x5;
	[sflag:s10] =	ssyncset.done $0x0  }
.Ltmp1:
0x32: {  	s31 =	sadd.s32 s7, s17;
	[sflag:s10] =	ssyncadd.s32 $0xFFFFEC00;
	(pc) =	sbr.rel @p0 .LBB2_2-.Ltmp1, $4  }
0x33: {  	[hbm4b:s31+s1] =	stream.linear.scatter [tilespmem:s14], [sflag:$0x1], $0x1400, $0x38;
	[tilespmem:$0x1C2A0] =	vst v63  }
0x34: {  	_ =	swait.ge [sflag:s10], $0x1400  }
0x35: {  	[sflag:s10] =	ssyncset.done $0x0  }
0x36: {  	[sflag:s10] =	ssyncadd.s32 $0xFFFFEC00  }
0x37: {  	s15 =	sadd.s32 $0x1, s15  }
0x38: {  	p0 =	sne.s32 s15, s9  }
.Ltmp2:
0x39: {  	_ = 	snop;
	(pc) =	sbr.rel @p0 .LBB2_1-.Ltmp2, $1  }
0x3a: {  	_ =	sdelay $0x3  }
0x3b: {  	_ =	sfence.sel $0x180000  }
0x3c: {  	[bflag:$0x0] =	sbarrier.arrive $0xFFFF  }
0x3d: {  	p0 =	sne.s32 s2, $0x0;
	_ =	strace $0x90000047  }
0x3e: {  	s0 =	sadd.s32 @!p0 $0x100000, s0;
	[bflag:$0x2] =	sbarrier.arrive $0xFFFF  }
0x3f: {  	[sflag:s0] =	ssyncadd.tile.s32 @!p0 $0x1;
	_ =	shalt  }
.Lfunc_end2:
_tile_overlayer_lowered:
.L_overlay_start_2:
0x40: {  	(tag) =	ssettag $0x2  }
0x41: {  	s0 =	rddreg [dreg:$0x0];
	s2 =	stileid.u32  }
0x42: {  	s1 =	rddreg [dreg:$0x1];
	p0 =	sne.s32 s2, $0x0  }
0x43: {  	s3 =	rddreg [dreg:$0x2];
	[bflag:$0x3] =	sbarrier.arrive $0xFFFF;
	s2 =	simm.s32 @!p0 $0x1C01  }
0x44: {  	[timem:s3], [sflag:s2] =	dma.local @!p0 [hbm:s0], s1  }
0x45: {  	s0 =	simm.s32 @!p0 $0x1  }
0x46: {  	_ =	swait.ge @!p0 [sflag:s0], s1  }
0x47: {  	s1 =	ssub.s32 @!p0 $0x0, s1;
	[sflag:s0] =	ssyncset.done @!p0 $0x0  }
0x48: {  	[sflag:s0] =	ssyncadd.s32 @!p0 s1  }
0x49: {  	[bflag:$0x3] =	sbarrier.arrive $0xFFFF  }
0x4a: {  	_ =	shalt  }

// kernel: kernel.13.cloned.1.call-start
scs
__scs_entry_jumppad:
0x0: {  	(pc) =	sbr.rel $0x88, $3  }
0x1: {  	(tag) =	ssettag $0x0;
	lr =	simm.s32 $0x1  }
0x2: {  	[smem:$0x3F91] =	sst lr;
	_ =	strace $0xD0000000  }
0x3: {  	_ = 	snop  }
0x4: {  	_ = 	snop  }
0x5: {  	_ = 	snop  }
0x6: {  	_ = 	snop  }
0x7: {  	_ = 	snop  }
__scs_overlays_trampoline_lowered:
0x8: {  	[smem:$0x3FA0] =	sst s0  }
0x9: {  	[smem:$0x3FA1] =	sst s1  }
0xa: {  	[smem:$0x3FA2] =	sst s2  }
0xb: {  	[smem:$0x3FA3] =	sst s3  }
0xc: {  	[smem:$0x3FA4] =	sst s4  }
0xd: {  	[smem:$0x3FA5] =	sst s5  }
0xe: {  	[smem:$0x3FA6] =	sst s6  }
0xf: {  	[smem:$0x3FA7] =	sst s7  }
0x10: {  	[smem:$0x3FA8] =	sst s8  }
0x11: {  	[smem:$0x3FA9] =	sst s9;
	s0 =	simm.s32 @!p0 $0x0  }
0x12: {  	s1 =	sld [smem:$0x3F8F];
	s0 =	simm.s32 @p0 $0x1  }
0x13: {  	[smem:$0x3FAA] =	sst s0;
	s0 =	simm.s32 @!p1 $0x0  }
0x14: {  	s2 =	sld [smem:$0x3F8E];
	s0 =	simm.s32 @p1 $0x1  }
0x15: {  	[smem:$0x3FAB] =	sst s0;
	s0 =	simm.s32 @!p2 $0x0  }
0x16: {  	s3 =	sld [smem:$0x3FDB];
	s0 =	simm.s32 @p2 $0x1  }
0x17: {  	s4 =	simm.s32 $0x1BF5;
	[smem:$0x3FAD] =	sst s0  }
0x18: {  	s0 =	sld [smem:$0x3F90];
	_ =	swait.ge [sflag:s4], $0x0  }
0x19: {  	s7 =	sld [smem:$0x3F91]  }
0x1a: {  	s8 =	sadd.s32 $0xFFFFE003, lr  }
0x1b: {  	s9 =	sadd.s32 $0xFFFFFEF7, lr;
	s5 =	simm.s32 $0xFFFFFFFF;
	p2 =	slt.u32 s8, $0xFFFFF086  }
0x1c: {  	p1 =	slt.u32 s9, $0xF7A;
	s5 =	simm.s32 @!p2 $0x0  }
0x1d: {  	s5 =	simm.s32 @p1 $0x1;
	p0 =	seq.s32 s7, s2  }
0x1e: {  	s7 =	smul.u32 @!p0 $0xF7A, s2;
	p2 =	seq.s32 @!p0 s5, $0x0  }
0x1f: {  	s9 =	smul.u32 $0xF7A, s1;
	s8 =	simm.s32 @!p0 $0x1BF5;
	p2 =	por !p2, p0  }
0x20: {  	[sflag:s8] =	ssyncset.s32 @!p0 $0xFFFFF086;
	s6 =	sadd.s32 @!p0 s3, s7;
	s7 =	simm.s32 @!p0 $0x108  }
0x21: {  	s3 =	sadd.s32 s3, s9;
	s6 =	sadd.s32 @!p0 $0x88, s6;
	s7 =	simm.s32 @p2 $0x1082  }
0x22: {  	[simem:s7], [sflag:s8] =	dma.local @!p0 [hbm:s6], $0xF7A  }
0x23: {  	s9 =	sor.u32 $0xD0000000, s2;
	s6 =	simm.s32 $0x108;
	_ =	swait.ge @!p0 [sflag:s8], $0x0  }
0x24: {  	s3 =	sadd.s32 $0x88, s3;
	s6 =	simm.s32 @!p1 $0x1082;
	[sflag:s4] =	ssyncset.s32 $0xFFFFF086  }
0x25: {  	[simem:s6], [sflag:s4] =	dma.local [hbm:s3], $0xF7A  }
0x26: {  	[smem:$0x3F91] =	sst s1;
	(tag) =	ssettag s2;
	_ =	strace s9  }
0x27: {  	s1 =	sld [smem:$0x3FA1]  }
0x28: {  	s2 =	sld [smem:$0x3FA2]  }
0x29: {  	s4 =	sld [smem:$0x3FA4]  }
0x2a: {  	p0 =	seq.s32 s5, $0x0;
	s5 =	sld [smem:$0x3FA5]  }
0x2b: {  	s6 =	sld [smem:$0x3FA6]  }
0x2c: {  	s7 =	sld [smem:$0x3FA7]  }
0x2d: {  	s3 =	simm.s32 $0x108;
	s8 =	sld [smem:$0x3FA8]  }
0x2e: {  	s3 =	simm.s32 @!p0 $0x1082;
	s9 =	sld [smem:$0x3FA9]  }
0x2f: {  	lr =	sadd.s32 s0, s3;
	s0 =	sld [smem:$0x3FA0]  }
0x30: {  	s3 =	sld [smem:$0x3FA3]  }
0x31: {  	[smem:$0x3FAC] =	sst s10  }
0x32: {  	s10 =	sld [smem:$0x3FAA];
	_ =	sdelay $0x3  }
0x33: {  	p0 =	seq.s32 s10, $0x1;
	s10 =	sld [smem:$0x3FAC];
	_ =	sdelay $0x3  }
0x34: {  	[smem:$0x3FAC] =	sst s10  }
0x35: {  	s10 =	sld [smem:$0x3FAB];
	_ =	sdelay $0x3  }
0x36: {  	p1 =	seq.s32 s10, $0x1;
	s10 =	sld [smem:$0x3FAC];
	_ =	sdelay $0x3  }
0x37: {  	[smem:$0x3FAC] =	sst s10  }
0x38: {  	s10 =	sld [smem:$0x3FAD]  }
0x39: {  	_ = 	snop;
	(pc) =	sbr.ind lr, $3  }
0x3a: {  	_ = 	snop  }
0x3b: {  	_ = 	snop  }
0x3c: {  	p2 =	seq.s32 s10, $0x1;
	s10 =	sld [smem:$0x3FAC]  }
0x3d: {  	_ =	shalt  }
0x3e: {  	_ =	shalt  }
0x3f: {  	_ =	shalt  }
0x40: {  	_ =	shalt  }
0x41: {  	_ =	shalt  }
0x42: {  	_ =	shalt  }
0x43: {  	_ =	shalt  }
0x44: {  	_ =	shalt  }
0x45: {  	_ =	shalt  }
0x46: {  	_ =	shalt  }
0x47: {  	_ =	shalt  }
0x48: {  	_ =	shalt  }
0x49: {  	_ =	shalt  }
0x4a: {  	_ =	shalt  }
0x4b: {  	_ =	shalt  }
0x4c: {  	_ =	shalt  }
0x4d: {  	_ =	shalt  }
0x4e: {  	_ =	shalt  }
0x4f: {  	_ =	shalt  }
0x50: {  	_ =	shalt  }
0x51: {  	_ =	shalt  }
0x52: {  	_ =	shalt  }
0x53: {  	_ =	shalt  }
0x54: {  	_ =	shalt  }
0x55: {  	_ =	shalt  }
0x56: {  	_ =	shalt  }
0x57: {  	_ =	shalt  }
0x58: {  	_ =	shalt  }
0x59: {  	_ =	shalt  }
0x5a: {  	_ =	shalt  }
0x5b: {  	_ =	shalt  }
0x5c: {  	_ =	shalt  }
0x5d: {  	_ =	shalt  }
0x5e: {  	_ =	shalt  }
0x5f: {  	_ =	shalt  }
0x60: {  	_ =	shalt  }
0x61: {  	_ =	shalt  }
0x62: {  	_ =	shalt  }
0x63: {  	_ =	shalt  }
0x64: {  	_ =	shalt  }
0x65: {  	_ =	shalt  }
0x66: {  	_ =	shalt  }
0x67: {  	_ =	shalt  }
0x68: {  	_ =	shalt  }
0x69: {  	_ =	shalt  }
0x6a: {  	_ =	shalt  }
0x6b: {  	_ =	shalt  }
0x6c: {  	_ =	shalt  }
0x6d: {  	_ =	shalt  }
0x6e: {  	_ =	shalt  }
0x6f: {  	_ =	shalt  }
0x70: {  	_ =	shalt  }
0x71: {  	_ =	shalt  }
0x72: {  	_ =	shalt  }
0x73: {  	_ =	shalt  }
0x74: {  	_ =	shalt  }
0x75: {  	_ =	shalt  }
0x76: {  	_ =	shalt  }
0x77: {  	_ =	shalt  }
0x78: {  	_ =	shalt  }
0x79: {  	_ =	shalt  }
0x7a: {  	_ =	shalt  }
0x7b: {  	_ =	shalt  }
0x7c: {  	_ =	shalt  }
0x7d: {  	_ =	shalt  }
0x7e: {  	_ =	shalt  }
0x7f: {  	_ =	shalt  }
0x80: {  	_ =	shalt  }
0x81: {  	_ =	shalt  }
0x82: {  	_ =	shalt  }
0x83: {  	_ =	shalt  }
0x84: {  	_ =	shalt  }
0x85: {  	_ =	shalt  }
0x86: {  	_ =	shalt  }
0x87: {  	_ =	shalt  }
.Lfunc_end0:
.L_simem_size_0:
called_computation.1_lowered:
.L_overlay_start_0:
0x88: {  	s2 =	sld [smem:$0x3FD9]  }
0x89: {  	s3 =	sld [smem:$0x3FFE];
	_ =	sdelay $0x1  }
0x8a: {  	s1 =	srdreg.scid  }
0x8b: {  	s0 =	sand.u32 $0x1, s1  }
0x8c: {  	s17 =	sshll.u32 s0, $0xA;
	s2 =	sadd.s32 s3, s2  }
0x8d: {  	s2 =	sadd.s32 s2, s17  }
0x8e: {  	[smem:$0x3FB8] =	sst s2  }
0x8f: {  	_ = 	snop  }
0x90: {  	(tm) =	ssettm $0x1  }
0x91: {  	s18 =	sld [smem:$0x3FFB];
	_ =	sdelay $0x3  }
0x92: {  	_ =	strace s18  }
0x93: {  	s2 =	sld [smem:$0x3FFC];
	_ =	sdelay $0x3  }
0x94: {  	_ =	strace s2  }
0x95: {  	s2 =	sld [smem:$0x3FFD];
	_ =	sdelay $0x3  }
0x96: {  	_ =	strace s2  }
0x97: {  	_ =	strace $0x8FFFFFFF  }
0x98: {  	s19 =	sld [smem:$0x3FDB];
	_ =	sdelay $0x1  }
0x99: {  	s20 =	simm.s32 $_scs_section_size  }
0x9a: {  	s4 =	simm.s32 $_size__tile_overlayer_lowered;
	s5 =	simm.s32 $_tile_overlayer_lowered  }
0x9b: {  	s6 =	simm.s32 $0x1BFF;
	s21 =	sshll.u32 s5, $0x1;
	s3 =	sadd.s32 s20, s19  }
0x9c: {  	s22 =	simm.s32 $0x0;
	s4 =	sshll.u32 s4, $0x1;
	s5 =	sadd.s32 s21, s3  }
0x9d: {  	[timem:s22], [sflag:s6] =	dma.local [hbm:s5], s4  }
0x9e: {  	_ =	swait.ge [sflag:s6], s4  }
0x9f: {  	s4 =	ssub.s32 $0x0, s4;
	[sflag:s6] =	ssyncset.done $0x0  }
0xa0: {  	[sflag:s6] =	ssyncadd.s32 s4;
	_ =	sdelay $0x1  }
0xa1: {  	s23 =	simm.s32 $0x1B8B  }
0xa2: {  	_ =	swait.ge [sflag:s23], $0x1  }
0xa3: {  	[sflag:s23] =	ssyncset.done $0x0  }
0xa4: {  	[sflag:s23] =	ssyncadd.s32 $0xFFFFFFFF  }
0xa5: {  	s4 =	sld [smem:$0x0]  }
0xa6: {  	s5 =	sand.u32 $0xFFFFFFFE, s1  }
0xa7: {  	p0 =	sne.s32 s1, s5  }
0xa8: {  	s5 =	sshll.u32 @p0 s5, $0xE  }
0xa9: {  	s5 =	sadd.s32 @p0 $0x11B8D, s5;
	s6 =	sshll.u32 @p0 s4, $0x11  }
0xaa: {  	s5 =	sor.u32 @p0 s6, s5  }
0xab: {  	[sflag:s5] =	ssyncadd.remote.s32 @p0 $0x1;
	_ =	sdelay $0x1  }
0xac: {  	s5 =	simm.s32 @p0 $0x1B8D  }
0xad: {  	_ =	swait.eq @p0 [sflag:s5], $0x1  }
0xae: {  	[sflag:s5] =	ssyncadd.s32 @p0 $0xFFFFFFFF  }
0xaf: {  	s6 =	sshll.u32 @!p0 s1, $0xE  }
0xb0: {  	s6 =	sor.u32 @!p0 $0x4000, s6;
	s5 =	simm.s32 @!p0 $0x1B8D  }
0xb1: {  	s4 =	sshll.u32 @!p0 s4, $0x11;
	s6 =	sadd.s32 @!p0 $0x11B8D, s6;
	_ =	swait.eq @!p0 [sflag:s5], $0x1  }
0xb2: {  	s4 =	sor.u32 @!p0 s4, s6;
	[sflag:s5] =	ssyncadd.s32 @!p0 $0xFFFFFFFF  }
0xb3: {  	s25 =	simm.s32 $0x1B8E;
	s24 =	sld [smem:$0x3FFE];
	[sflag:s4] =	ssyncadd.remote.s32 @!p0 $0x1  }
0xb4: {  	s26 =	simm.s32 $execute0_lowered;
	[smem:$0x3FD2] =	sst s25  }
0xb5: {  	s5 =	sshll.u32 s26, $0x1;
	_ =	strace $0x8000004C;
	[dreg:$0x1] =	wrdreg $0xFFFFFFFF  }
0xb6: {  	s28 =	simm.s32 $_size_execute0_lowered;
	s3 =	sadd.s32 s3, s5;
	[dreg:$0x0] =	wrdreg $0x0  }
0xb7: {  	s5 =	sshll.u32 s28, $0x1;
	[dreg:$0x2] =	wrdreg s3  }
0xb8: {  	[dreg:$0x3] =	wrdreg s5  }
0xb9: {  	[dreg:$0x4] =	wrdreg $0xC0  }
0xba: {  	_ =	task [dreg:s22], $0x5FFFF  }
0xbb: {  	[dreg:$0x1] =	wrdreg $0xFFFFFFFF  }
0xbc: {  	[dreg:$0x0] =	wrdreg $0x60  }
0xbd: {  	[dreg:$0x2] =	wrdreg s24  }
0xbe: {  	[dreg:$0x3] =	wrdreg $0x9  }
0xbf: {  	_ =	task.clear_ibuf [dreg:s22], $0x4FFFF;
	_ =	strace $0x9000004C  }
0xc0: {  	s29 =	simm.s32 $0x9;
	_ =	strace $0x8000004E  }
0xc1: {  	_ =	swait.ge [sflag:s29], $0x1  }
0xc2: {  	[sflag:s29] =	ssyncadd.s32 $0xFFFFFFFF  }
0xc3: {  	_ =	strace $0x9000004E  }
0xc4: {  	_ =	sfence  }
0xc5: {  	s30 =	sld [smem:$0x0];
	_ =	sdelay $0x2  }
0xc6: {  	s31 =	sshll.u32 s1, $0xD;
	s1 =	sshrl.u32 s1, $0x2  }
0xc7: {  	s4 =	sand.u32 $0x4000, s31;
	s1 =	sadd.s32 s1, s30  }
0xc8: {  	s0 =	sor.u32 s4, s0;
	s1 =	sshll.u32 s1, $0x11  }
0xc9: {  	s0 =	sor.u32 s1, s0  }
0xca: {  	s0 =	sadd.s32 $0x8F2B, s0  }
0xcb: {  	[sflag:s0] =	ssyncadd.remote.s32 $0x1  }
0xcc: {  	_ =	sfence.sel $0xFFFF  }
0xcd: {  	[dreg:$0x0] =	wrdreg $0xFFFFFFFF;
	(pc) =	sbr.abs _section_cstart, $3  }
0xce: {  	[dreg:$0x1] =	wrdreg $0xFFFFFFFF  }
0xcf: {  	_ =	task.clear_ibuf [dreg:s22], $0x2FFFF;
	_ =	strace $0x9FFFFFFF  }
0xd0: {  	(tm) =	ssettm $0x7FFFFFFF  }
0xd1: {  	_ =	shalt  }
tec
execute0_lowered:
.L_overlay_start_1:
0x0: {  	(tag) =	ssettag $0x1  }
0x1: {  	s6 =	rddreg [dreg:$0x0]  }
0x2: {  	s0 =	rddreg [dreg:$0x1]  }
0x3: {  	s3 =	srdreg.scid;
	s1 =	stileid.u32  }
0x4: {  	s2 =	simm.s32 $0x0;
	s11 =	simm.s32 $0x1;
	s12 =	simm.s32 $0xED00  }
0x5: {  	s13 =	simm.s32 $0x1400;
	s7 =	sand.u32 $0x1, s3;
	s31 =	sshll.u32 s1, $0x1  }
0x6: {  	s14 =	simm.s32 $0x0;
	s18 =	simm.s32 $0x0;
	s8 =	sor.u32 s7, s31  }
0x7: {  	[smem:$0x7FF] =	sst s2;
	s3 =	sadd.s32 $0x39200, s6;
	s9 =	smul.u32 $0x18A0, s8  }
0x8: {  	s4 =	sadd.s32 $0x52200, s6;
	s5 =	sadd.s32 $0x10400, s6;
	s7 =	ssub.s32 $0x2, s7  }
0x9: {  	_ =	strace $0x8000004D;
	s10 =	sshrl.u32 s7, $0x1;
	s9 =	sadd.s32 s9, s6  }
0xa: {  	s10 =	ssub.s32 s7, s10;
	s6 =	smul.u32 $0x6400, s8;
	s7 =	sadd.s32 $0x3BC600, s9  }
0xb: {  	v0 =	vimm.f32 $1.000000000e+00;
	s8 =	sadd.s32 $0x3EDA00, s9;
	s9 =	smax.u32 s10, $0x1;
	s10 =	simm.s32 $0x2800  }
.LBB2_1:
0xc: {  	[tilespmem:s10], [sflag:$0x1] =	stream.linear.gather [hbm4b:s5+s2], $0xC500, $0x38;
	[tilespmem:$0x1B200] =	vst v63  }
0xd: {  	_ =	swait.ge [sflag:s11], $0xC500  }
0xe: {  	[sflag:s11] =	ssyncset.done $0x0  }
0xf: {  	[sflag:s11] =	ssyncadd.s32 $0xFFFF3B00  }
0x10: {  	[tilespmem:s12], [sflag:$0x1] =	stream.linear.gather [hbm4b:s5+s2], $0xC500, $0x38;
	[tilespmem:$0x1B200] =	vst v63  }
0x11: {  	_ =	swait.ge [sflag:s11], $0xC500  }
0x12: {  	[sflag:s11] =	ssyncset.done $0x0  }
0x13: {  	s15 =	simm.s32 $0x0;
	[sflag:s11] =	ssyncadd.s32 $0xFFFF3B00  }
.LBB2_2:
0x14: {  	s16 =	smul.u32 $0x1400, s15;
	_ =	sdelay $0x1  }
0x15: {  	s16 =	sadd.s32 s6, s16  }
0x16: {  	s16 =	sshrl.u32 s16, $0x3  }
0x17: {  	s17 =	sadd.s32 s3, s16  }
0x18: {  	[tilespmem:s18], [sflag:$0x1] =	stream.linear.gather [hbm4b:s17+s18], $0x1400, $0x38;
	[tilespmem:$0x1B200] =	vst v63  }
0x19: {  	_ =	swait.ge [sflag:s11], $0x1400  }
0x1a: {  	[sflag:s11] =	ssyncset.done $0x0  }
0x1b: {  	s16 =	sadd.s32 s4, s16;
	[sflag:s11] =	ssyncadd.s32 $0xFFFFEC00  }
0x1c: {  	[tilespmem:s13], [sflag:$0x1] =	stream.linear.gather [hbm4b:s16+s18], $0x1400, $0x38;
	[tilespmem:$0x1B200] =	vst v63  }
0x1d: {  	_ =	swait.ge [sflag:s11], $0x1400  }
0x1e: {  	[sflag:s11] =	ssyncset.done $0x0  }
0x1f: {  	s17 =	simm.s32 $0x0;
	[sflag:s11] =	ssyncadd.s32 $0xFFFFEC00  }
0x20: {  	s16 =	simm.s32 $0x40;
	v1 =	vld [tilespmem:s17+$0x1400]  }
.LBB2_3:
0x21: {  	p0 =	sne.s32 s16, $0x4FC0;
	_ =	sdelay $0x1  }
0x22: {  	v2 =	vld [tilespmem:s17+$0x0];
	_ =	sdelay $0x2  }
.Ltmp0:
0x23: {  	(pc) =	sbr.rel @p0 .LBB2_3-.Ltmp0, $4  }
0x24: {  	_ = 	snop  }
0x25: {  	[tilespmem:v1+s10+$0x0] =	vst.idx.add.f32.msk $0xffff, v2  }
0x26: {  	s17 =	sshra.s32 s16, $0x2;
	[tilespmem:v1+s12+$0x0] =	vst.idx.add.f32.msk $0xffff, v0  }
0x27: {  	s16 =	sadd.s32 $0x40, s16;
	v1 =	vld [tilespmem:s17+$0x1400]  }
0x28: {  	_ =	sdelay $0x2  }
0x29: {  	v2 =	vld [tilespmem:s17+$0x0];
	s15 =	sadd.s32 $0x1, s15  }
0x2a: {  	p0 =	sne.s32 s15, $0x5  }
.Ltmp1:
0x2b: {  	_ = 	snop;
	(pc) =	sbr.rel @p0 .LBB2_2-.Ltmp1, $3  }
0x2c: {  	_ =	sdelay $0x1  }
0x2d: {  	[tilespmem:v1+s10+$0x0] =	vst.idx.add.f32.msk $0xffff, v2  }
0x2e: {  	[tilespmem:v1+s12+$0x0] =	vst.idx.add.f32.msk $0xffff, v0  }
0x2f: {  	[hbm4b:s7+s2] =	stream.linear.scatter [tilespmem:s10], [sflag:$0x1], $0xC500, $0x38;
	[tilespmem:$0x1B200] =	vst v63  }
0x30: {  	s14 =	sadd.s32 $0x1, s14;
	_ =	swait.ge [sflag:s11], $0xC500  }
0x31: {  	p0 =	sne.s32 s14, s9;
	[sflag:s11] =	ssyncset.done $0x0  }
.Ltmp2:
0x32: {  	[sflag:s11] =	ssyncadd.s32 $0xFFFF3B00;
	(pc) =	sbr.rel @p0 .LBB2_1-.Ltmp2, $4  }
0x33: {  	[hbm4b:s8+s2] =	stream.linear.scatter [tilespmem:s12], [sflag:$0x1], $0xC500, $0x38;
	[tilespmem:$0x1B200] =	vst v63  }
0x34: {  	_ =	swait.ge [sflag:s11], $0xC500  }
0x35: {  	[sflag:s11] =	ssyncset.done $0x0  }
0x36: {  	[sflag:s11] =	ssyncadd.s32 $0xFFFF3B00  }
0x37: {  	_ =	sfence.sel $0x180000  }
0x38: {  	[bflag:$0x0] =	sbarrier.arrive $0xFFFF  }
0x39: {  	p0 =	sne.s32 s1, $0x0;
	_ =	strace $0x9000004D  }
0x3a: {  	s0 =	sadd.s32 @!p0 $0x100000, s0;
	[bflag:$0x2] =	sbarrier.arrive $0xFFFF  }
0x3b: {  	[sflag:s0] =	ssyncadd.tile.s32 @!p0 $0x1;
	_ =	shalt  }
.Lfunc_end2:
_tile_overlayer_lowered:
.L_overlay_start_2:
0x3c: {  	(tag) =	ssettag $0x2  }
0x3d: {  	s0 =	rddreg [dreg:$0x0];
	s2 =	stileid.u32  }
0x3e: {  	s1 =	rddreg [dreg:$0x1];
	p0 =	sne.s32 s2, $0x0  }
0x3f: {  	s3 =	rddreg [dreg:$0x2];
	[bflag:$0x3] =	sbarrier.arrive $0xFFFF;
	s2 =	simm.s32 @!p0 $0x1C01  }
0x40: {  	[timem:s3], [sflag:s2] =	dma.local @!p0 [hbm:s0], s1  }
0x41: {  	s0 =	simm.s32 @!p0 $0x1  }
0x42: {  	_ =	swait.ge @!p0 [sflag:s0], s1  }
0x43: {  	s1 =	ssub.s32 @!p0 $0x0, s1;
	[sflag:s0] =	ssyncset.done @!p0 $0x0  }
0x44: {  	[sflag:s0] =	ssyncadd.s32 @!p0 s1  }
0x45: {  	[bflag:$0x3] =	sbarrier.arrive $0xFFFF  }
0x46: {  	_ =	shalt  }

// kernel: kernel.16.cloned.1.call-start
scs
__scs_entry_jumppad:
0x0: {  	(pc) =	sbr.rel $0x88, $3  }
0x1: {  	(tag) =	ssettag $0x0;
	lr =	simm.s32 $0x1  }
0x2: {  	[smem:$0x3F91] =	sst lr;
	_ =	strace $0xD0000000  }
0x3: {  	_ = 	snop  }
0x4: {  	_ = 	snop  }
0x5: {  	_ = 	snop  }
0x6: {  	_ = 	snop  }
0x7: {  	_ = 	snop  }
__scs_overlays_trampoline_lowered:
0x8: {  	[smem:$0x3FA0] =	sst s0  }
0x9: {  	[smem:$0x3FA1] =	sst s1  }
0xa: {  	[smem:$0x3FA2] =	sst s2  }
0xb: {  	[smem:$0x3FA3] =	sst s3  }
0xc: {  	[smem:$0x3FA4] =	sst s4  }
0xd: {  	[smem:$0x3FA5] =	sst s5  }
0xe: {  	[smem:$0x3FA6] =	sst s6  }
0xf: {  	[smem:$0x3FA7] =	sst s7  }
0x10: {  	[smem:$0x3FA8] =	sst s8  }
0x11: {  	[smem:$0x3FA9] =	sst s9;
	s0 =	simm.s32 @!p0 $0x0  }
0x12: {  	s1 =	sld [smem:$0x3F8F];
	s0 =	simm.s32 @p0 $0x1  }
0x13: {  	[smem:$0x3FAA] =	sst s0;
	s0 =	simm.s32 @!p1 $0x0  }
0x14: {  	s2 =	sld [smem:$0x3F8E];
	s0 =	simm.s32 @p1 $0x1  }
0x15: {  	[smem:$0x3FAB] =	sst s0;
	s0 =	simm.s32 @!p2 $0x0  }
0x16: {  	s3 =	sld [smem:$0x3FDB];
	s0 =	simm.s32 @p2 $0x1  }
0x17: {  	s4 =	simm.s32 $0x1BF5;
	[smem:$0x3FAD] =	sst s0  }
0x18: {  	s0 =	sld [smem:$0x3F90];
	_ =	swait.ge [sflag:s4], $0x0  }
0x19: {  	s7 =	sld [smem:$0x3F91]  }
0x1a: {  	s8 =	sadd.s32 $0xFFFFE003, lr  }
0x1b: {  	s9 =	sadd.s32 $0xFFFFFEF7, lr;
	s5 =	simm.s32 $0xFFFFFFFF;
	p2 =	slt.u32 s8, $0xFFFFF086  }
0x1c: {  	p1 =	slt.u32 s9, $0xF7A;
	s5 =	simm.s32 @!p2 $0x0  }
0x1d: {  	s5 =	simm.s32 @p1 $0x1;
	p0 =	seq.s32 s7, s2  }
0x1e: {  	s7 =	smul.u32 @!p0 $0xF7A, s2;
	p2 =	seq.s32 @!p0 s5, $0x0  }
0x1f: {  	s9 =	smul.u32 $0xF7A, s1;
	s8 =	simm.s32 @!p0 $0x1BF5;
	p2 =	por !p2, p0  }
0x20: {  	[sflag:s8] =	ssyncset.s32 @!p0 $0xFFFFF086;
	s6 =	sadd.s32 @!p0 s3, s7;
	s7 =	simm.s32 @!p0 $0x108  }
0x21: {  	s3 =	sadd.s32 s3, s9;
	s6 =	sadd.s32 @!p0 $0x88, s6;
	s7 =	simm.s32 @p2 $0x1082  }
0x22: {  	[simem:s7], [sflag:s8] =	dma.local @!p0 [hbm:s6], $0xF7A  }
0x23: {  	s9 =	sor.u32 $0xD0000000, s2;
	s6 =	simm.s32 $0x108;
	_ =	swait.ge @!p0 [sflag:s8], $0x0  }
0x24: {  	s3 =	sadd.s32 $0x88, s3;
	s6 =	simm.s32 @!p1 $0x1082;
	[sflag:s4] =	ssyncset.s32 $0xFFFFF086  }
0x25: {  	[simem:s6], [sflag:s4] =	dma.local [hbm:s3], $0xF7A  }
0x26: {  	[smem:$0x3F91] =	sst s1;
	(tag) =	ssettag s2;
	_ =	strace s9  }
0x27: {  	s1 =	sld [smem:$0x3FA1]  }
0x28: {  	s2 =	sld [smem:$0x3FA2]  }
0x29: {  	s4 =	sld [smem:$0x3FA4]  }
0x2a: {  	p0 =	seq.s32 s5, $0x0;
	s5 =	sld [smem:$0x3FA5]  }
0x2b: {  	s6 =	sld [smem:$0x3FA6]  }
0x2c: {  	s7 =	sld [smem:$0x3FA7]  }
0x2d: {  	s3 =	simm.s32 $0x108;
	s8 =	sld [smem:$0x3FA8]  }
0x2e: {  	s3 =	simm.s32 @!p0 $0x1082;
	s9 =	sld [smem:$0x3FA9]  }
0x2f: {  	lr =	sadd.s32 s0, s3;
	s0 =	sld [smem:$0x3FA0]  }
0x30: {  	s3 =	sld [smem:$0x3FA3]  }
0x31: {  	[smem:$0x3FAC] =	sst s10  }
0x32: {  	s10 =	sld [smem:$0x3FAA];
	_ =	sdelay $0x3  }
0x33: {  	p0 =	seq.s32 s10, $0x1;
	s10 =	sld [smem:$0x3FAC];
	_ =	sdelay $0x3  }
0x34: {  	[smem:$0x3FAC] =	sst s10  }
0x35: {  	s10 =	sld [smem:$0x3FAB];
	_ =	sdelay $0x3  }
0x36: {  	p1 =	seq.s32 s10, $0x1;
	s10 =	sld [smem:$0x3FAC];
	_ =	sdelay $0x3  }
0x37: {  	[smem:$0x3FAC] =	sst s10  }
0x38: {  	s10 =	sld [smem:$0x3FAD]  }
0x39: {  	_ = 	snop;
	(pc) =	sbr.ind lr, $3  }
0x3a: {  	_ = 	snop  }
0x3b: {  	_ = 	snop  }
0x3c: {  	p2 =	seq.s32 s10, $0x1;
	s10 =	sld [smem:$0x3FAC]  }
0x3d: {  	_ =	shalt  }
0x3e: {  	_ =	shalt  }
0x3f: {  	_ =	shalt  }
0x40: {  	_ =	shalt  }
0x41: {  	_ =	shalt  }
0x42: {  	_ =	shalt  }
0x43: {  	_ =	shalt  }
0x44: {  	_ =	shalt  }
0x45: {  	_ =	shalt  }
0x46: {  	_ =	shalt  }
0x47: {  	_ =	shalt  }
0x48: {  	_ =	shalt  }
0x49: {  	_ =	shalt  }
0x4a: {  	_ =	shalt  }
0x4b: {  	_ =	shalt  }
0x4c: {  	_ =	shalt  }
0x4d: {  	_ =	shalt  }
0x4e: {  	_ =	shalt  }
0x4f: {  	_ =	shalt  }
0x50: {  	_ =	shalt  }
0x51: {  	_ =	shalt  }
0x52: {  	_ =	shalt  }
0x53: {  	_ =	shalt  }
0x54: {  	_ =	shalt  }
0x55: {  	_ =	shalt  }
0x56: {  	_ =	shalt  }
0x57: {  	_ =	shalt  }
0x58: {  	_ =	shalt  }
0x59: {  	_ =	shalt  }
0x5a: {  	_ =	shalt  }
0x5b: {  	_ =	shalt  }
0x5c: {  	_ =	shalt  }
0x5d: {  	_ =	shalt  }
0x5e: {  	_ =	shalt  }
0x5f: {  	_ =	shalt  }
0x60: {  	_ =	shalt  }
0x61: {  	_ =	shalt  }
0x62: {  	_ =	shalt  }
0x63: {  	_ =	shalt  }
0x64: {  	_ =	shalt  }
0x65: {  	_ =	shalt  }
0x66: {  	_ =	shalt  }
0x67: {  	_ =	shalt  }
0x68: {  	_ =	shalt  }
0x69: {  	_ =	shalt  }
0x6a: {  	_ =	shalt  }
0x6b: {  	_ =	shalt  }
0x6c: {  	_ =	shalt  }
0x6d: {  	_ =	shalt  }
0x6e: {  	_ =	shalt  }
0x6f: {  	_ =	shalt  }
0x70: {  	_ =	shalt  }
0x71: {  	_ =	shalt  }
0x72: {  	_ =	shalt  }
0x73: {  	_ =	shalt  }
0x74: {  	_ =	shalt  }
0x75: {  	_ =	shalt  }
0x76: {  	_ =	shalt  }
0x77: {  	_ =	shalt  }
0x78: {  	_ =	shalt  }
0x79: {  	_ =	shalt  }
0x7a: {  	_ =	shalt  }
0x7b: {  	_ =	shalt  }
0x7c: {  	_ =	shalt  }
0x7d: {  	_ =	shalt  }
0x7e: {  	_ =	shalt  }
0x7f: {  	_ =	shalt  }
0x80: {  	_ =	shalt  }
0x81: {  	_ =	shalt  }
0x82: {  	_ =	shalt  }
0x83: {  	_ =	shalt  }
0x84: {  	_ =	shalt  }
0x85: {  	_ =	shalt  }
0x86: {  	_ =	shalt  }
0x87: {  	_ =	shalt  }
.Lfunc_end0:
.L_simem_size_0:
called_computation.2_lowered:
.L_overlay_start_0:
0x88: {  	s2 =	sld [smem:$0x3FD9]  }
0x89: {  	s3 =	sld [smem:$0x3FFE];
	_ =	sdelay $0x1  }
0x8a: {  	s1 =	srdreg.scid  }
0x8b: {  	s0 =	sand.u32 $0x1, s1  }
0x8c: {  	s16 =	sshll.u32 s0, $0xA;
	s2 =	sadd.s32 s3, s2  }
0x8d: {  	s2 =	sadd.s32 s2, s16  }
0x8e: {  	[smem:$0x3FB8] =	sst s2  }
0x8f: {  	_ = 	snop  }
0x90: {  	(tm) =	ssettm $0x1  }
0x91: {  	s17 =	sld [smem:$0x3FFB];
	_ =	sdelay $0x3  }
0x92: {  	_ =	strace s17  }
0x93: {  	s2 =	sld [smem:$0x3FFC];
	_ =	sdelay $0x3  }
0x94: {  	_ =	strace s2  }
0x95: {  	s2 =	sld [smem:$0x3FFD];
	_ =	sdelay $0x3  }
0x96: {  	_ =	strace s2  }
0x97: {  	_ =	strace $0x8FFFFFFF  }
0x98: {  	s18 =	sld [smem:$0x3FDB];
	_ =	sdelay $0x1  }
0x99: {  	s19 =	simm.s32 $_scs_section_size  }
0x9a: {  	s4 =	simm.s32 $_size__tile_overlayer_lowered;
	s5 =	simm.s32 $_tile_overlayer_lowered  }
0x9b: {  	s22 =	simm.s32 $0x1BFF;
	s21 =	sshll.u32 s5, $0x1;
	s2 =	sadd.s32 s19, s18  }
0x9c: {  	s6 =	simm.s32 $0x0;
	s20 =	sshll.u32 s4, $0x1;
	s4 =	sadd.s32 s21, s2  }
0x9d: {  	[timem:s6], [sflag:s22] =	dma.local [hbm:s4], s20  }
0x9e: {  	_ =	swait.ge [sflag:s22], s20  }
0x9f: {  	s3 =	ssub.s32 $0x0, s20;
	[sflag:s22] =	ssyncset.done $0x0  }
0xa0: {  	[sflag:s22] =	ssyncadd.s32 s3;
	_ =	sdelay $0x1  }
0xa1: {  	s23 =	simm.s32 $0x1B8B  }
0xa2: {  	_ =	swait.ge [sflag:s23], $0x1  }
0xa3: {  	[sflag:s23] =	ssyncset.done $0x0  }
0xa4: {  	s25 =	simm.s32 $0x1B8E;
	s24 =	sld [smem:$0x3FFE];
	[sflag:s23] =	ssyncadd.s32 $0xFFFFFFFF  }
0xa5: {  	s26 =	simm.s32 $execute0_lowered;
	[smem:$0x3FD2] =	sst s25  }
0xa6: {  	s4 =	sshll.u32 s26, $0x1;
	_ =	strace $0x80000049;
	[dreg:$0x1] =	wrdreg $0xFFFFFFFF  }
0xa7: {  	s28 =	simm.s32 $_size_execute0_lowered;
	s2 =	sadd.s32 s2, s4;
	[dreg:$0x0] =	wrdreg $0x0  }
0xa8: {  	s4 =	sshll.u32 s28, $0x1;
	[dreg:$0x2] =	wrdreg s2  }
0xa9: {  	[dreg:$0x3] =	wrdreg s4  }
0xaa: {  	[dreg:$0x4] =	wrdreg $0xC0  }
0xab: {  	_ =	task [dreg:s6], $0x5FFFF  }
0xac: {  	[dreg:$0x1] =	wrdreg $0xFFFFFFFF  }
0xad: {  	[dreg:$0x0] =	wrdreg $0x60  }
0xae: {  	[dreg:$0x2] =	wrdreg s24  }
0xaf: {  	[dreg:$0x3] =	wrdreg $0x16D000  }
0xb0: {  	[dreg:$0x4] =	wrdreg $0xA  }
0xb1: {  	_ =	task.clear_ibuf [dreg:s6], $0x5FFFF;
	_ =	strace $0x90000049  }
0xb2: {  	s29 =	simm.s32 $0xA;
	_ =	strace $0x8000004B  }
0xb3: {  	_ =	swait.ge [sflag:s29], $0x1  }
0xb4: {  	[sflag:s29] =	ssyncadd.s32 $0xFFFFFFFF  }
0xb5: {  	_ =	strace $0x9000004B  }
0xb6: {  	_ =	sfence  }
0xb7: {  	s30 =	sld [smem:$0x0];
	_ =	sdelay $0x2  }
0xb8: {  	s31 =	sshll.u32 s1, $0xD;
	s1 =	sshrl.u32 s1, $0x2  }
0xb9: {  	s3 =	sand.u32 $0x4000, s31;
	s1 =	sadd.s32 s1, s30  }
0xba: {  	s0 =	sor.u32 s3, s0;
	s1 =	sshll.u32 s1, $0x11  }
0xbb: {  	s0 =	sor.u32 s1, s0  }
0xbc: {  	s0 =	sadd.s32 $0x8F2B, s0  }
0xbd: {  	[sflag:s0] =	ssyncadd.remote.s32 $0x1  }
0xbe: {  	_ =	sfence.sel $0xFFFF  }
0xbf: {  	[dreg:$0x0] =	wrdreg $0xFFFFFFFF;
	(pc) =	sbr.abs _section_cstart, $3  }
0xc0: {  	[dreg:$0x1] =	wrdreg $0xFFFFFFFF  }
0xc1: {  	_ =	task.clear_ibuf [dreg:s6], $0x2FFFF;
	_ =	strace $0x9FFFFFFF  }
0xc2: {  	(tm) =	ssettm $0x7FFFFFFF  }
0xc3: {  	_ =	shalt  }
tec
execute0_lowered:
.L_overlay_start_1:
0x0: {  	(tag) =	ssettag $0x1  }
0x1: {  	s0 =	rddreg [dreg:$0x0]  }
0x2: {  	s2 =	rddreg [dreg:$0x1];
	s3 =	simm.s32 $0x0;
	s1 =	srdreg.scid  }
0x3: {  	s17 =	stileid.u32;
	s28 =	simm.s32 $0x1;
	s29 =	simm.s32 $0x1400  }
0x4: {  	s30 =	simm.s32 $0xC8000;
	s31 =	simm.s32 $0x14000;
	[smem:$0x7FF] =	sst s3  }
0x5: {  	s1 =	sand.u32 $0x1, s1;
	s6 =	smul.u32 $0xC50, s17;
	s4 =	sadd.s32 $0x6B200, s0  }
0x6: {  	s5 =	sadd.s32 $0x52200, s0;
	s12 =	smul.u32 $0x6280, s17;
	s13 =	sadd.s32 $0x3E00, s0  }
0x7: {  	s18 =	smul.u32 $0xC800, s17;
	_ =	strace $0x8000004A;
	s8 =	ssub.s32 $0x2, s1  }
0x8: {  	s7 =	smul.u32 $0xC500, s1;
	s19 =	sshrl.u32 s8, $0x1;
	s20 =	sshrl.u32 s12, $0x3  }
0x9: {  	s9 =	sadd.s32 $0x1900, s12;
	s11 =	sadd.s32 $0x3200, s12;
	s16 =	sadd.s32 $0x4B00, s12  }
0xa: {  	s6 =	sadd.s32 s6, s7;
	s14 =	ssub.s32 s8, s19;
	s7 =	sadd.s32 s12, s2  }
0xb: {  	s21 =	sshrl.u32 s9, $0x3;
	s10 =	sshrl.u32 s11, $0x3;
	s9 =	sadd.s32 s9, s2  }
0xc: {  	s11 =	sadd.s32 s11, s2;
	s12 =	smul.u32 $0xC80000, s1;
	s22 =	sshrl.u32 s16, $0x3  }
0xd: {  	s1 =	simm.s32 $0x0;
	s0 =	sadd.s32 s6, s0;
	s6 =	sadd.s32 s13, s20  }
0xe: {  	s8 =	sadd.s32 s13, s21;
	s10 =	sadd.s32 s13, s10;
	s15 =	sadd.s32 $0x38B200, s0  }
0xf: {  	s21 =	sadd.s32 s16, s2;
	s23 =	sadd.s32 $0x38B520, s0;
	[dreg:$0x3] =	wrdreg s15  }
0x10: {  	s24 =	sadd.s32 $0x38B840, s0;
	s25 =	sadd.s32 $0x38BB60, s0;
	[dreg:$0x4] =	wrdreg s23  }
0x11: {  	s19 =	sadd.s32 $0x640000, s12;
	s26 =	sadd.s32 $0x3A3C00, s0;
	[dreg:$0x5] =	wrdreg s24  }
0x12: {  	s15 =	sadd.s32 s13, s22;
	[dreg:$0x6] =	wrdreg s25;
	s22 =	sadd.s32 $0x3A3F20, s0  }
0x13: {  	v0 =	vlaneseq.u32;
	[dreg:$0x7] =	wrdreg s26;
	s23 =	sadd.s32 $0x3A4240, s0;
	s24 =	sadd.s32 $0x3A4560, s0  }
0x14: {  	v0 =	vmul.u32 $0x8, v0;
	s25 =	smax.u32 s14, $0x1;
	s26 =	simm.s32 $0x15400;
	s0 =	simm.s32 $0xA000  }
.LBB2_1:
0x15: {  	[tilespmem:s26], [sflag:$0x1] =	stream.linear.gather [hbm4b:s6+s3], $0x1900, $0x38;
	[tilespmem:$0x1CF80] =	vst v63  }
0x16: {  	_ =	swait.ge [sflag:s28], $0x1900  }
0x17: {  	[sflag:s28] =	ssyncset.done $0x0  }
0x18: {  	[sflag:s28] =	ssyncadd.s32 $0xFFFFE700  }
0x19: {  	[spmem:s7] =	stream.linear.scatter [tilespmem:s26], [sflag:$0x1], $0x1900, $0x38;
	[tilespmem:$0x1CF80] =	vst v63  }
0x1a: {  	_ =	swait.ge [sflag:s28], $0x1900  }
0x1b: {  	[sflag:s28] =	ssyncset.done $0x0  }
0x1c: {  	[sflag:s28] =	ssyncadd.s32 $0xFFFFE700  }
0x1d: {  	[tilespmem:s26], [sflag:$0x1] =	stream.linear.gather [hbm4b:s8+s3], $0x1900, $0x38;
	[tilespmem:$0x1CF80] =	vst v63  }
0x1e: {  	_ =	swait.ge [sflag:s28], $0x1900  }
0x1f: {  	[sflag:s28] =	ssyncset.done $0x0  }
0x20: {  	[sflag:s28] =	ssyncadd.s32 $0xFFFFE700  }
0x21: {  	[spmem:s9] =	stream.linear.scatter [tilespmem:s26], [sflag:$0x1], $0x1900, $0x38;
	[tilespmem:$0x1CF80] =	vst v63  }
0x22: {  	_ =	swait.ge [sflag:s28], $0x1900  }
0x23: {  	[sflag:s28] =	ssyncset.done $0x0  }
0x24: {  	[sflag:s28] =	ssyncadd.s32 $0xFFFFE700  }
0x25: {  	[tilespmem:s26], [sflag:$0x1] =	stream.linear.gather [hbm4b:s10+s3], $0x1900, $0x38;
	[tilespmem:$0x1CF80] =	vst v63  }
0x26: {  	_ =	swait.ge [sflag:s28], $0x1900  }
0x27: {  	[sflag:s28] =	ssyncset.done $0x0  }
0x28: {  	[sflag:s28] =	ssyncadd.s32 $0xFFFFE700  }
0x29: {  	[spmem:s11] =	stream.linear.scatter [tilespmem:s26], [sflag:$0x1], $0x1900, $0x38;
	[tilespmem:$0x1CF80] =	vst v63  }
0x2a: {  	_ =	swait.ge [sflag:s28], $0x1900  }
0x2b: {  	[sflag:s28] =	ssyncset.done $0x0  }
0x2c: {  	[sflag:s28] =	ssyncadd.s32 $0xFFFFE700  }
0x2d: {  	[tilespmem:s26], [sflag:$0x1] =	stream.linear.gather [hbm4b:s15+s3], $0x1780, $0x38;
	[tilespmem:$0x1CF80] =	vst v63  }
0x2e: {  	_ =	swait.ge [sflag:s28], $0x1780  }
0x2f: {  	[sflag:s28] =	ssyncset.done $0x0  }
0x30: {  	[sflag:s28] =	ssyncadd.s32 $0xFFFFE880  }
0x31: {  	[spmem:s21] =	stream.linear.scatter [tilespmem:s26], [sflag:$0x1], $0x1780, $0x38;
	[tilespmem:$0x1CF80] =	vst v63  }
0x32: {  	_ =	swait.ge [sflag:s28], $0x1780  }
0x33: {  	[sflag:s28] =	ssyncset.done $0x0  }
0x34: {  	[sflag:s28] =	ssyncadd.s32 $0xFFFFE880  }
0x35: {  	s13 =	simm.s32 $0x0;
	[bflag:$0x0] =	sbarrier.arrive $0xFFFF  }
.LBB2_2:
0x36: {  	s14 =	smul.u32 $0x1400, s13;
	_ =	sdelay $0x1  }
0x37: {  	s14 =	sadd.s32 s18, s14  }
0x38: {  	s16 =	sadd.s32 s12, s14  }
0x39: {  	s16 =	sshrl.u32 s16, $0x3  }
0x3a: {  	s17 =	simm.s32 $0x0;
	s16 =	sadd.s32 s4, s16  }
0x3b: {  	[tilespmem:s17], [sflag:$0x1] =	stream.strided.gather [hbm4b:s16+s29], $0xA000, s30, s29, $0x38;
	[tilespmem:$0x1CF80] =	vst v63  }
0x3c: {  	_ =	swait.ge [sflag:s28], $0xA000  }
0x3d: {  	s14 =	sshrl.u32 s14, $0x3;
	[sflag:s28] =	ssyncset.done $0x0  }
0x3e: {  	s14 =	sadd.s32 s5, s14;
	[sflag:s28] =	ssyncadd.s32 $0xFFFF6000  }
0x3f: {  	[tilespmem:s31], [sflag:$0x1] =	stream.linear.gather [hbm4b:s14+s17], $0x1400, $0x38;
	[tilespmem:$0x1CF80] =	vst v63  }
0x40: {  	_ =	swait.ge [sflag:s28], $0x1400  }
0x41: {  	v1 =	vmov s17;
	[sflag:s28] =	ssyncset.done $0x0  }
0x42: {  	s20 =	sand.u32 $0x1FF0, s17;
	v1 =	vshll.u32 v1, $0x3;
	[sflag:s28] =	ssyncadd.s32 $0xFFFFEC00  }
0x43: {  	v3 =	vor.u32 v0, v1;
	v2 =	vld [tilespmem:s20+$0x0];
	_ =	sdelay $0x4  }
0x44: {  	[tilespmem:v3+s0+$0x0] =	vst.idx.msk $0xffff, v2  }
0x45: {  	v2 =	vor.u32 $0x1, v3;
	v1 =	vld [tilespmem:s20+$0x1400];
	_ =	sdelay $0x4  }
0x46: {  	[tilespmem:v2+s0+$0x0] =	vst.idx.msk $0xffff, v1  }
0x47: {  	v2 =	vor.u32 $0x2, v3;
	v1 =	vld [tilespmem:s20+$0x2800];
	_ =	sdelay $0x4  }
0x48: {  	[tilespmem:v2+s0+$0x0] =	vst.idx.msk $0xffff, v1  }
0x49: {  	v2 =	vor.u32 $0x3, v3;
	v1 =	vld [tilespmem:s20+$0x3C00];
	_ =	sdelay $0x4  }
0x4a: {  	[tilespmem:v2+s0+$0x0] =	vst.idx.msk $0xffff, v1  }
0x4b: {  	v2 =	vor.u32 $0x4, v3;
	v1 =	vld [tilespmem:s20+$0x5000];
	_ =	sdelay $0x4  }
0x4c: {  	[tilespmem:v2+s0+$0x0] =	vst.idx.msk $0xffff, v1  }
0x4d: {  	v2 =	vor.u32 $0x5, v3;
	v1 =	vld [tilespmem:s20+$0x6400];
	_ =	sdelay $0x4  }
0x4e: {  	[tilespmem:v2+s0+$0x0] =	vst.idx.msk $0xffff, v1  }
0x4f: {  	v2 =	vor.u32 $0x6, v3;
	v1 =	vld [tilespmem:s20+$0x7800];
	_ =	sdelay $0x4  }
0x50: {  	[tilespmem:v2+s0+$0x0] =	vst.idx.msk $0xffff, v1  }
0x51: {  	v2 =	vor.u32 $0x7, v3;
	v1 =	vld [tilespmem:s20+$0x8C00];
	_ =	sdelay $0x2  }
0x52: {  	s14 =	simm.s32 $0x10  }
0x53: {  	s16 =	simm.s32 $0x20;
	v3 =	vmov s14  }
.LBB2_3:
0x54: {  	p0 =	sne.s32 s16, $0x13F0;
	v3 =	vshll.u32 v3, $0x3;
	s17 =	sand.u32 $0x1FF0, s14;
	[tilespmem:v2+s0+$0x0] =	vst.idx.msk $0xffff, v1;
	s14 =	smov.u32 s16  }
0x55: {  	v1 =	vld [tilespmem:s17+$0x0];
	v2 =	vor.u32 v0, v3;
	_ =	sdelay $0x4  }
0x56: {  	[tilespmem:v2+s0+$0x0] =	vst.idx.msk $0xffff, v1  }
0x57: {  	v3 =	vor.u32 $0x1, v2;
	v1 =	vld [tilespmem:s17+$0x1400];
	_ =	sdelay $0x4  }
0x58: {  	[tilespmem:v3+s0+$0x0] =	vst.idx.msk $0xffff, v1  }
0x59: {  	v3 =	vor.u32 $0x2, v2;
	v1 =	vld [tilespmem:s17+$0x2800];
	_ =	sdelay $0x4  }
0x5a: {  	[tilespmem:v3+s0+$0x0] =	vst.idx.msk $0xffff, v1  }
0x5b: {  	v3 =	vor.u32 $0x3, v2;
	v1 =	vld [tilespmem:s17+$0x3C00];
	_ =	sdelay $0x4  }
0x5c: {  	[tilespmem:v3+s0+$0x0] =	vst.idx.msk $0xffff, v1  }
0x5d: {  	v3 =	vor.u32 $0x4, v2;
	v1 =	vld [tilespmem:s17+$0x5000];
	_ =	sdelay $0x4  }
0x5e: {  	[tilespmem:v3+s0+$0x0] =	vst.idx.msk $0xffff, v1  }
0x5f: {  	v3 =	vor.u32 $0x5, v2;
	v1 =	vld [tilespmem:s17+$0x6400];
	_ =	sdelay $0x4  }
0x60: {  	[tilespmem:v3+s0+$0x0] =	vst.idx.msk $0xffff, v1  }
0x61: {  	v3 =	vor.u32 $0x6, v2;
	v1 =	vld [tilespmem:s17+$0x7800];
	_ =	sdelay $0x4  }
0x62: {  	[tilespmem:v3+s0+$0x0] =	vst.idx.msk $0xffff, v1  }
.Ltmp0:
0x63: {  	v2 =	vor.u32 $0x7, v2;
	v1 =	vld [tilespmem:s17+$0x8C00];
	(pc) =	sbr.rel @p0 .LBB2_3-.Ltmp0, $2  }
0x64: {  	_ =	sdelay $0x2  }
0x65: {  	s16 =	sadd.s32 $0x10, s16;
	v3 =	vmov s14  }
0x66: {  	_ =	sdelay $0x3  }
0x67: {  	v3 =	vshll.u32 v3, $0x3;
	s14 =	sand.u32 $0x1FF0, s14;
	[tilespmem:v2+s0+$0x0] =	vst.idx.msk $0xffff, v1  }
0x68: {  	v1 =	vld [tilespmem:s14+$0x0];
	v2 =	vor.u32 v0, v3;
	_ =	sdelay $0x4  }
0x69: {  	[tilespmem:v2+s0+$0x0] =	vst.idx.msk $0xffff, v1  }
0x6a: {  	v3 =	vor.u32 $0x1, v2;
	v1 =	vld [tilespmem:s14+$0x1400];
	_ =	sdelay $0x4  }
0x6b: {  	[tilespmem:v3+s0+$0x0] =	vst.idx.msk $0xffff, v1  }
0x6c: {  	v3 =	vor.u32 $0x2, v2;
	v1 =	vld [tilespmem:s14+$0x2800];
	_ =	sdelay $0x4  }
0x6d: {  	[tilespmem:v3+s0+$0x0] =	vst.idx.msk $0xffff, v1  }
0x6e: {  	v3 =	vor.u32 $0x3, v2;
	v1 =	vld [tilespmem:s14+$0x3C00];
	_ =	sdelay $0x4  }
0x6f: {  	[tilespmem:v3+s0+$0x0] =	vst.idx.msk $0xffff, v1  }
0x70: {  	v3 =	vor.u32 $0x4, v2;
	v1 =	vld [tilespmem:s14+$0x5000];
	_ =	sdelay $0x4  }
0x71: {  	[tilespmem:v3+s0+$0x0] =	vst.idx.msk $0xffff, v1  }
0x72: {  	v3 =	vor.u32 $0x5, v2;
	v1 =	vld [tilespmem:s14+$0x6400];
	_ =	sdelay $0x4  }
0x73: {  	[tilespmem:v3+s0+$0x0] =	vst.idx.msk $0xffff, v1  }
0x74: {  	v3 =	vor.u32 $0x6, v2;
	v1 =	vld [tilespmem:s14+$0x7800];
	_ =	sdelay $0x4  }
0x75: {  	[tilespmem:v3+s0+$0x0] =	vst.idx.msk $0xffff, v1  }
0x76: {  	v2 =	vor.u32 $0x7, v2;
	v1 =	vld [tilespmem:s14+$0x8C00];
	_ =	sdelay $0x2  }
0x77: {  	s13 =	sadd.s32 $0x1, s13  }
0x78: {  	p0 =	sne.s32 s13, $0xA  }
.Ltmp1:
0x79: {  	[tilespmem:v2+s0+$0x0] =	vst.idx.msk $0xffff, v1;
	(pc) =	sbr.rel @p0 .LBB2_2-.Ltmp1, $4  }
0x7a: {  	[spmem:s2] =	stream.indirect.scatter.add.f32 [tilespmem:s0], [sflag:$0x1], $0x8, s31, s29, $0xb8;
	[tilespmem:$0x1CF80] =	vst v63  }
0x7b: {  	_ =	swait.ge [sflag:s28], $0xA000  }
0x7c: {  	[sflag:s28] =	ssyncset.done $0x0  }
0x7d: {  	[sflag:s28] =	ssyncadd.s32 $0xFFFF6000  }
0x7e: {  	[bflag:$0x0] =	sbarrier.arrive $0xFFFF  }
0x7f: {  	[tilespmem:s26], [sflag:$0x1] =	stream.linear.gather [spmem:s7], $0x1900, $0x38;
	[tilespmem:$0x1CF80] =	vst v63  }
0x80: {  	_ =	swait.ge [sflag:s28], $0x1900  }
0x81: {  	[sflag:s28] =	ssyncset.done $0x0  }
0x82: {  	s13 =	simm.s32 $0x0;
	s14 =	rddreg [dreg:$0x3];
	[sflag:s28] =	ssyncadd.s32 $0xFFFFE700  }
0x83: {  	[hbm4b:s14+s13] =	stream.linear.scatter [tilespmem:s26], [sflag:$0x1], $0x1900, $0x38;
	[tilespmem:$0x1CF80] =	vst v63  }
0x84: {  	_ =	swait.ge [sflag:s28], $0x1900  }
0x85: {  	[sflag:s28] =	ssyncset.done $0x0  }
0x86: {  	[sflag:s28] =	ssyncadd.s32 $0xFFFFE700  }
0x87: {  	[tilespmem:s26], [sflag:$0x1] =	stream.linear.gather [spmem:s9], $0x1900, $0x38;
	[tilespmem:$0x1CF80] =	vst v63  }
0x88: {  	_ =	swait.ge [sflag:s28], $0x1900  }
0x89: {  	[sflag:s28] =	ssyncset.done $0x0  }
0x8a: {  	s16 =	rddreg [dreg:$0x4];
	[sflag:s28] =	ssyncadd.s32 $0xFFFFE700  }
0x8b: {  	[hbm4b:s16+s13] =	stream.linear.scatter [tilespmem:s26], [sflag:$0x1], $0x1900, $0x38;
	[tilespmem:$0x1CF80] =	vst v63  }
0x8c: {  	_ =	swait.ge [sflag:s28], $0x1900  }
0x8d: {  	[sflag:s28] =	ssyncset.done $0x0  }
0x8e: {  	[sflag:s28] =	ssyncadd.s32 $0xFFFFE700  }
0x8f: {  	[tilespmem:s26], [sflag:$0x1] =	stream.linear.gather [spmem:s11], $0x1900, $0x38;
	[tilespmem:$0x1CF80] =	vst v63  }
0x90: {  	_ =	swait.ge [sflag:s28], $0x1900  }
0x91: {  	[sflag:s28] =	ssyncset.done $0x0  }
0x92: {  	s17 =	rddreg [dreg:$0x5];
	[sflag:s28] =	ssyncadd.s32 $0xFFFFE700  }
0x93: {  	[hbm4b:s17+s13] =	stream.linear.scatter [tilespmem:s26], [sflag:$0x1], $0x1900, $0x38;
	[tilespmem:$0x1CF80] =	vst v63  }
0x94: {  	_ =	swait.ge [sflag:s28], $0x1900  }
0x95: {  	[sflag:s28] =	ssyncset.done $0x0  }
0x96: {  	[sflag:s28] =	ssyncadd.s32 $0xFFFFE700  }
0x97: {  	[tilespmem:s26], [sflag:$0x1] =	stream.linear.gather [spmem:s21], $0x1780, $0x38;
	[tilespmem:$0x1CF80] =	vst v63  }
0x98: {  	_ =	swait.ge [sflag:s28], $0x1780  }
0x99: {  	[sflag:s28] =	ssyncset.done $0x0  }
0x9a: {  	s20 =	rddreg [dreg:$0x6];
	[sflag:s28] =	ssyncadd.s32 $0xFFFFE880  }
0x9b: {  	[hbm4b:s20+s13] =	stream.linear.scatter [tilespmem:s26], [sflag:$0x1], $0x1780, $0x38;
	[tilespmem:$0x1CF80] =	vst v63  }
0x9c: {  	_ =	swait.ge [sflag:s28], $0x1780  }
0x9d: {  	[sflag:s28] =	ssyncset.done $0x0  }
0x9e: {  	[sflag:s28] =	ssyncadd.s32 $0xFFFFE880  }
0x9f: {  	[bflag:$0x0] =	sbarrier.arrive $0xFFFF  }
0xa0: {  	[tilespmem:s26], [sflag:$0x1] =	stream.linear.gather [hbm4b:s6+s13], $0x1900, $0x38;
	[tilespmem:$0x1CF80] =	vst v63  }
0xa1: {  	_ =	swait.ge [sflag:s28], $0x1900  }
0xa2: {  	[sflag:s28] =	ssyncset.done $0x0  }
0xa3: {  	[sflag:s28] =	ssyncadd.s32 $0xFFFFE700  }
0xa4: {  	[spmem:s7] =	stream.linear.scatter [tilespmem:s26], [sflag:$0x1], $0x1900, $0x38;
	[tilespmem:$0x1CF80] =	vst v63  }
0xa5: {  	_ =	swait.ge [sflag:s28], $0x1900  }
0xa6: {  	[sflag:s28] =	ssyncset.done $0x0  }
0xa7: {  	[sflag:s28] =	ssyncadd.s32 $0xFFFFE700  }
0xa8: {  	[tilespmem:s26], [sflag:$0x1] =	stream.linear.gather [hbm4b:s8+s13], $0x1900, $0x38;
	[tilespmem:$0x1CF80] =	vst v63  }
0xa9: {  	_ =	swait.ge [sflag:s28], $0x1900  }
0xaa: {  	[sflag:s28] =	ssyncset.done $0x0  }
0xab: {  	[sflag:s28] =	ssyncadd.s32 $0xFFFFE700  }
0xac: {  	[spmem:s9] =	stream.linear.scatter [tilespmem:s26], [sflag:$0x1], $0x1900, $0x38;
	[tilespmem:$0x1CF80] =	vst v63  }
0xad: {  	_ =	swait.ge [sflag:s28], $0x1900  }
0xae: {  	[sflag:s28] =	ssyncset.done $0x0  }
0xaf: {  	[sflag:s28] =	ssyncadd.s32 $0xFFFFE700  }
0xb0: {  	[tilespmem:s26], [sflag:$0x1] =	stream.linear.gather [hbm4b:s10+s13], $0x1900, $0x38;
	[tilespmem:$0x1CF80] =	vst v63  }
0xb1: {  	_ =	swait.ge [sflag:s28], $0x1900  }
0xb2: {  	[sflag:s28] =	ssyncset.done $0x0  }
0xb3: {  	[sflag:s28] =	ssyncadd.s32 $0xFFFFE700  }
0xb4: {  	[spmem:s11] =	stream.linear.scatter [tilespmem:s26], [sflag:$0x1], $0x1900, $0x38;
	[tilespmem:$0x1CF80] =	vst v63  }
0xb5: {  	_ =	swait.ge [sflag:s28], $0x1900  }
0xb6: {  	[sflag:s28] =	ssyncset.done $0x0  }
0xb7: {  	[sflag:s28] =	ssyncadd.s32 $0xFFFFE700  }
0xb8: {  	[tilespmem:s26], [sflag:$0x1] =	stream.linear.gather [hbm4b:s15+s13], $0x1780, $0x38;
	[tilespmem:$0x1CF80] =	vst v63  }
0xb9: {  	_ =	swait.ge [sflag:s28], $0x1780  }
0xba: {  	[sflag:s28] =	ssyncset.done $0x0  }
0xbb: {  	[sflag:s28] =	ssyncadd.s32 $0xFFFFE880  }
0xbc: {  	[spmem:s21] =	stream.linear.scatter [tilespmem:s26], [sflag:$0x1], $0x1780, $0x38;
	[tilespmem:$0x1CF80] =	vst v63  }
0xbd: {  	_ =	swait.ge [sflag:s28], $0x1780  }
0xbe: {  	[sflag:s28] =	ssyncset.done $0x0  }
0xbf: {  	[sflag:s28] =	ssyncadd.s32 $0xFFFFE880  }
0xc0: {  	s14 =	simm.s32 $0x0;
	[bflag:$0x0] =	sbarrier.arrive $0xFFFF  }
.LBB2_6:
0xc1: {  	s16 =	smul.u32 $0x1400, s14;
	_ =	sdelay $0x1  }
0xc2: {  	s16 =	sadd.s32 s18, s16  }
0xc3: {  	s17 =	sadd.s32 s16, s19  }
0xc4: {  	s17 =	sshrl.u32 s17, $0x3  }
0xc5: {  	s17 =	sadd.s32 s4, s17  }
0xc6: {  	[tilespmem:s13], [sflag:$0x1] =	stream.strided.gather [hbm4b:s17+s29], $0xA000, s30, s29, $0x38;
	[tilespmem:$0x1CF80] =	vst v63  }
0xc7: {  	_ =	swait.ge [sflag:s28], $0xA000  }
0xc8: {  	s16 =	sshrl.u32 s16, $0x3;
	[sflag:s28] =	ssyncset.done $0x0  }
0xc9: {  	s16 =	sadd.s32 s5, s16;
	[sflag:s28] =	ssyncadd.s32 $0xFFFF6000  }
0xca: {  	[tilespmem:s31], [sflag:$0x1] =	stream.linear.gather [hbm4b:s16+s13], $0x1400, $0x38;
	[tilespmem:$0x1CF80] =	vst v63  }
0xcb: {  	_ =	swait.ge [sflag:s28], $0x1400  }
0xcc: {  	v1 =	vmov s13;
	[sflag:s28] =	ssyncset.done $0x0  }
0xcd: {  	s20 =	sand.u32 $0x1FF0, s13;
	v1 =	vshll.u32 v1, $0x3;
	[sflag:s28] =	ssyncadd.s32 $0xFFFFEC00  }
0xce: {  	v3 =	vor.u32 v0, v1;
	v2 =	vld [tilespmem:s20+$0x0];
	_ =	sdelay $0x4  }
0xcf: {  	[tilespmem:v3+s0+$0x0] =	vst.idx.msk $0xffff, v2  }
0xd0: {  	v2 =	vor.u32 $0x1, v3;
	v1 =	vld [tilespmem:s20+$0x1400];
	_ =	sdelay $0x4  }
0xd1: {  	[tilespmem:v2+s0+$0x0] =	vst.idx.msk $0xffff, v1  }
0xd2: {  	v2 =	vor.u32 $0x2, v3;
	v1 =	vld [tilespmem:s20+$0x2800];
	_ =	sdelay $0x4  }
0xd3: {  	[tilespmem:v2+s0+$0x0] =	vst.idx.msk $0xffff, v1  }
0xd4: {  	v2 =	vor.u32 $0x3, v3;
	v1 =	vld [tilespmem:s20+$0x3C00];
	_ =	sdelay $0x4  }
0xd5: {  	[tilespmem:v2+s0+$0x0] =	vst.idx.msk $0xffff, v1  }
0xd6: {  	v2 =	vor.u32 $0x4, v3;
	v1 =	vld [tilespmem:s20+$0x5000];
	_ =	sdelay $0x4  }
0xd7: {  	[tilespmem:v2+s0+$0x0] =	vst.idx.msk $0xffff, v1  }
0xd8: {  	v2 =	vor.u32 $0x5, v3;
	v1 =	vld [tilespmem:s20+$0x6400];
	_ =	sdelay $0x4  }
0xd9: {  	[tilespmem:v2+s0+$0x0] =	vst.idx.msk $0xffff, v1  }
0xda: {  	v2 =	vor.u32 $0x6, v3;
	v1 =	vld [tilespmem:s20+$0x7800];
	_ =	sdelay $0x4  }
0xdb: {  	[tilespmem:v2+s0+$0x0] =	vst.idx.msk $0xffff, v1  }
0xdc: {  	v2 =	vor.u32 $0x7, v3;
	v1 =	vld [tilespmem:s20+$0x8C00];
	_ =	sdelay $0x2  }
0xdd: {  	s16 =	simm.s32 $0x10  }
0xde: {  	s17 =	simm.s32 $0x20;
	v3 =	vmov s16  }
.LBB2_7:
0xdf: {  	p0 =	sne.s32 s17, $0x13F0;
	v3 =	vshll.u32 v3, $0x3;
	s20 =	sand.u32 $0x1FF0, s16;
	[tilespmem:v2+s0+$0x0] =	vst.idx.msk $0xffff, v1;
	s16 =	smov.u32 s17  }
0xe0: {  	v1 =	vld [tilespmem:s20+$0x0];
	v2 =	vor.u32 v0, v3;
	_ =	sdelay $0x4  }
0xe1: {  	[tilespmem:v2+s0+$0x0] =	vst.idx.msk $0xffff, v1  }
0xe2: {  	v3 =	vor.u32 $0x1, v2;
	v1 =	vld [tilespmem:s20+$0x1400];
	_ =	sdelay $0x4  }
0xe3: {  	[tilespmem:v3+s0+$0x0] =	vst.idx.msk $0xffff, v1  }
0xe4: {  	v3 =	vor.u32 $0x2, v2;
	v1 =	vld [tilespmem:s20+$0x2800];
	_ =	sdelay $0x4  }
0xe5: {  	[tilespmem:v3+s0+$0x0] =	vst.idx.msk $0xffff, v1  }
0xe6: {  	v3 =	vor.u32 $0x3, v2;
	v1 =	vld [tilespmem:s20+$0x3C00];
	_ =	sdelay $0x4  }
0xe7: {  	[tilespmem:v3+s0+$0x0] =	vst.idx.msk $0xffff, v1  }
0xe8: {  	v3 =	vor.u32 $0x4, v2;
	v1 =	vld [tilespmem:s20+$0x5000];
	_ =	sdelay $0x4  }
0xe9: {  	[tilespmem:v3+s0+$0x0] =	vst.idx.msk $0xffff, v1  }
0xea: {  	v3 =	vor.u32 $0x5, v2;
	v1 =	vld [tilespmem:s20+$0x6400];
	_ =	sdelay $0x4  }
0xeb: {  	[tilespmem:v3+s0+$0x0] =	vst.idx.msk $0xffff, v1  }
0xec: {  	v3 =	vor.u32 $0x6, v2;
	v1 =	vld [tilespmem:s20+$0x7800];
	_ =	sdelay $0x4  }
0xed: {  	[tilespmem:v3+s0+$0x0] =	vst.idx.msk $0xffff, v1  }
.Ltmp2:
0xee: {  	v2 =	vor.u32 $0x7, v2;
	v1 =	vld [tilespmem:s20+$0x8C00];
	(pc) =	sbr.rel @p0 .LBB2_7-.Ltmp2, $2  }
0xef: {  	_ =	sdelay $0x2  }
0xf0: {  	s17 =	sadd.s32 $0x10, s17;
	v3 =	vmov s16  }
0xf1: {  	_ =	sdelay $0x3  }
0xf2: {  	v3 =	vshll.u32 v3, $0x3;
	s16 =	sand.u32 $0x1FF0, s16;
	[tilespmem:v2+s0+$0x0] =	vst.idx.msk $0xffff, v1  }
0xf3: {  	v1 =	vld [tilespmem:s16+$0x0];
	v2 =	vor.u32 v0, v3;
	_ =	sdelay $0x4  }
0xf4: {  	[tilespmem:v2+s0+$0x0] =	vst.idx.msk $0xffff, v1  }
0xf5: {  	v3 =	vor.u32 $0x1, v2;
	v1 =	vld [tilespmem:s16+$0x1400];
	_ =	sdelay $0x4  }
0xf6: {  	[tilespmem:v3+s0+$0x0] =	vst.idx.msk $0xffff, v1  }
0xf7: {  	v3 =	vor.u32 $0x2, v2;
	v1 =	vld [tilespmem:s16+$0x2800];
	_ =	sdelay $0x4  }
0xf8: {  	[tilespmem:v3+s0+$0x0] =	vst.idx.msk $0xffff, v1  }
0xf9: {  	v3 =	vor.u32 $0x3, v2;
	v1 =	vld [tilespmem:s16+$0x3C00];
	_ =	sdelay $0x4  }
0xfa: {  	[tilespmem:v3+s0+$0x0] =	vst.idx.msk $0xffff, v1  }
0xfb: {  	v3 =	vor.u32 $0x4, v2;
	v1 =	vld [tilespmem:s16+$0x5000];
	_ =	sdelay $0x4  }
0xfc: {  	[tilespmem:v3+s0+$0x0] =	vst.idx.msk $0xffff, v1  }
0xfd: {  	v3 =	vor.u32 $0x5, v2;
	v1 =	vld [tilespmem:s16+$0x6400];
	_ =	sdelay $0x4  }
0xfe: {  	[tilespmem:v3+s0+$0x0] =	vst.idx.msk $0xffff, v1  }
0xff: {  	v3 =	vor.u32 $0x6, v2;
	v1 =	vld [tilespmem:s16+$0x7800];
	_ =	sdelay $0x4  }
0x100: {  	[tilespmem:v3+s0+$0x0] =	vst.idx.msk $0xffff, v1  }
0x101: {  	v2 =	vor.u32 $0x7, v2;
	v1 =	vld [tilespmem:s16+$0x8C00];
	_ =	sdelay $0x2  }
0x102: {  	s14 =	sadd.s32 $0x1, s14  }
0x103: {  	p0 =	sne.s32 s14, $0xA  }
.Ltmp3:
0x104: {  	[tilespmem:v2+s0+$0x0] =	vst.idx.msk $0xffff, v1;
	(pc) =	sbr.rel @p0 .LBB2_6-.Ltmp3, $4  }
0x105: {  	[spmem:s2] =	stream.indirect.scatter.add.f32 [tilespmem:s0], [sflag:$0x1], $0x8, s31, s29, $0xb8;
	[tilespmem:$0x1CF80] =	vst v63  }
0x106: {  	_ =	swait.ge [sflag:s28], $0xA000  }
0x107: {  	[sflag:s28] =	ssyncset.done $0x0  }
0x108: {  	[sflag:s28] =	ssyncadd.s32 $0xFFFF6000  }
0x109: {  	[bflag:$0x0] =	sbarrier.arrive $0xFFFF  }
0x10a: {  	[tilespmem:s26], [sflag:$0x1] =	stream.linear.gather [spmem:s7], $0x1900, $0x38;
	[tilespmem:$0x1CF80] =	vst v63  }
0x10b: {  	_ =	swait.ge [sflag:s28], $0x1900  }
0x10c: {  	[sflag:s28] =	ssyncset.done $0x0  }
0x10d: {  	s13 =	rddreg [dreg:$0x7];
	[sflag:s28] =	ssyncadd.s32 $0xFFFFE700  }
0x10e: {  	[hbm4b:s13+s3] =	stream.linear.scatter [tilespmem:s26], [sflag:$0x1], $0x1900, $0x38;
	[tilespmem:$0x1CF80] =	vst v63  }
0x10f: {  	_ =	swait.ge [sflag:s28], $0x1900  }
0x110: {  	[sflag:s28] =	ssyncset.done $0x0  }
0x111: {  	[sflag:s28] =	ssyncadd.s32 $0xFFFFE700  }
0x112: {  	[tilespmem:s26], [sflag:$0x1] =	stream.linear.gather [spmem:s9], $0x1900, $0x38;
	[tilespmem:$0x1CF80] =	vst v63  }
0x113: {  	_ =	swait.ge [sflag:s28], $0x1900  }
0x114: {  	[sflag:s28] =	ssyncset.done $0x0  }
0x115: {  	[sflag:s28] =	ssyncadd.s32 $0xFFFFE700  }
0x116: {  	[hbm4b:s22+s3] =	stream.linear.scatter [tilespmem:s26], [sflag:$0x1], $0x1900, $0x38;
	[tilespmem:$0x1CF80] =	vst v63  }
0x117: {  	_ =	swait.ge [sflag:s28], $0x1900  }
0x118: {  	[sflag:s28] =	ssyncset.done $0x0  }
0x119: {  	[sflag:s28] =	ssyncadd.s32 $0xFFFFE700  }
0x11a: {  	[tilespmem:s26], [sflag:$0x1] =	stream.linear.gather [spmem:s11], $0x1900, $0x38;
	[tilespmem:$0x1CF80] =	vst v63  }
0x11b: {  	_ =	swait.ge [sflag:s28], $0x1900  }
0x11c: {  	[sflag:s28] =	ssyncset.done $0x0  }
0x11d: {  	[sflag:s28] =	ssyncadd.s32 $0xFFFFE700  }
0x11e: {  	[hbm4b:s23+s3] =	stream.linear.scatter [tilespmem:s26], [sflag:$0x1], $0x1900, $0x38;
	[tilespmem:$0x1CF80] =	vst v63  }
0x11f: {  	_ =	swait.ge [sflag:s28], $0x1900  }
0x120: {  	[sflag:s28] =	ssyncset.done $0x0  }
0x121: {  	[sflag:s28] =	ssyncadd.s32 $0xFFFFE700  }
0x122: {  	[tilespmem:s26], [sflag:$0x1] =	stream.linear.gather [spmem:s21], $0x1780, $0x38;
	[tilespmem:$0x1CF80] =	vst v63  }
0x123: {  	_ =	swait.ge [sflag:s28], $0x1780  }
0x124: {  	s1 =	sadd.s32 $0x1, s1;
	[sflag:s28] =	ssyncset.done $0x0  }
0x125: {  	p0 =	sne.s32 s1, s25;
	[sflag:s28] =	ssyncadd.s32 $0xFFFFE880  }
0x126: {  	[hbm4b:s24+s3] =	stream.linear.scatter [tilespmem:s26], [sflag:$0x1], $0x1780, $0x38;
	[tilespmem:$0x1CF80] =	vst v63  }
.Ltmp4:
0x127: {  	_ =	swait.ge [sflag:s28], $0x1780;
	(pc) =	sbr.rel @p0 .LBB2_1-.Ltmp4, $3  }
0x128: {  	[sflag:s28] =	ssyncset.done $0x0  }
0x129: {  	[sflag:s28] =	ssyncadd.s32 $0xFFFFE880  }
0x12a: {  	[bflag:$0x0] =	sbarrier.arrive $0xFFFF;
	_ =	sdelay $0x1  }
0x12b: {  	_ =	sfence.sel $0x180000  }
0x12c: {  	[bflag:$0x0] =	sbarrier.arrive $0xFFFF  }
0x12d: {  	_ =	strace $0x9000004A  }
0x12e: {  	s0 =	stileid.u32;
	[bflag:$0x2] =	sbarrier.arrive $0xFFFF  }
0x12f: {  	p0 =	sne.s32 s0, $0x0;
	s0 =	rddreg [dreg:$0x2]  }
0x130: {  	s0 =	sadd.s32 @!p0 $0x100000, s0  }
0x131: {  	[sflag:s0] =	ssyncadd.tile.s32 @!p0 $0x1;
	_ =	shalt  }
.Lfunc_end2:
_tile_overlayer_lowered:
.L_overlay_start_2:
0x132: {  	(tag) =	ssettag $0x2  }
0x133: {  	s0 =	rddreg [dreg:$0x0];
	s2 =	stileid.u32  }
0x134: {  	s1 =	rddreg [dreg:$0x1];
	p0 =	sne.s32 s2, $0x0  }
0x135: {  	s3 =	rddreg [dreg:$0x2];
	[bflag:$0x3] =	sbarrier.arrive $0xFFFF;
	s2 =	simm.s32 @!p0 $0x1C01  }
0x136: {  	[timem:s3], [sflag:s2] =	dma.local @!p0 [hbm:s0], s1  }
0x137: {  	s0 =	simm.s32 @!p0 $0x1  }
0x138: {  	_ =	swait.ge @!p0 [sflag:s0], s1  }
0x139: {  	s1 =	ssub.s32 @!p0 $0x0, s1;
	[sflag:s0] =	ssyncset.done @!p0 $0x0  }
0x13a: {  	[sflag:s0] =	ssyncadd.s32 @!p0 s1  }
0x13b: {  	[bflag:$0x3] =	sbarrier.arrive $0xFFFF  }
0x13c: {  	_ =	shalt  }

// kernel: kernel.19.cloned.1.call-start
scs
__scs_entry_jumppad:
0x0: {  	(pc) =	sbr.rel $0x88, $3  }
0x1: {  	(tag) =	ssettag $0x0;
	lr =	simm.s32 $0x1  }
0x2: {  	[smem:$0x3F91] =	sst lr;
	_ =	strace $0xD0000000  }
0x3: {  	_ = 	snop  }
0x4: {  	_ = 	snop  }
0x5: {  	_ = 	snop  }
0x6: {  	_ = 	snop  }
0x7: {  	_ = 	snop  }
__scs_overlays_trampoline_lowered:
0x8: {  	[smem:$0x3FA0] =	sst s0  }
0x9: {  	[smem:$0x3FA1] =	sst s1  }
0xa: {  	[smem:$0x3FA2] =	sst s2  }
0xb: {  	[smem:$0x3FA3] =	sst s3  }
0xc: {  	[smem:$0x3FA4] =	sst s4  }
0xd: {  	[smem:$0x3FA5] =	sst s5  }
0xe: {  	[smem:$0x3FA6] =	sst s6  }
0xf: {  	[smem:$0x3FA7] =	sst s7  }
0x10: {  	[smem:$0x3FA8] =	sst s8  }
0x11: {  	[smem:$0x3FA9] =	sst s9;
	s0 =	simm.s32 @!p0 $0x0  }
0x12: {  	s1 =	sld [smem:$0x3F8F];
	s0 =	simm.s32 @p0 $0x1  }
0x13: {  	[smem:$0x3FAA] =	sst s0;
	s0 =	simm.s32 @!p1 $0x0  }
0x14: {  	s2 =	sld [smem:$0x3F8E];
	s0 =	simm.s32 @p1 $0x1  }
0x15: {  	[smem:$0x3FAB] =	sst s0;
	s0 =	simm.s32 @!p2 $0x0  }
0x16: {  	s3 =	sld [smem:$0x3FDB];
	s0 =	simm.s32 @p2 $0x1  }
0x17: {  	s4 =	simm.s32 $0x1BF5;
	[smem:$0x3FAD] =	sst s0  }
0x18: {  	s0 =	sld [smem:$0x3F90];
	_ =	swait.ge [sflag:s4], $0x0  }
0x19: {  	s7 =	sld [smem:$0x3F91]  }
0x1a: {  	s8 =	sadd.s32 $0xFFFFE003, lr  }
0x1b: {  	s9 =	sadd.s32 $0xFFFFFEF7, lr;
	s5 =	simm.s32 $0xFFFFFFFF;
	p2 =	slt.u32 s8, $0xFFFFF086  }
0x1c: {  	p1 =	slt.u32 s9, $0xF7A;
	s5 =	simm.s32 @!p2 $0x0  }
0x1d: {  	s5 =	simm.s32 @p1 $0x1;
	p0 =	seq.s32 s7, s2  }
0x1e: {  	s7 =	smul.u32 @!p0 $0xF7A, s2;
	p2 =	seq.s32 @!p0 s5, $0x0  }
0x1f: {  	s9 =	smul.u32 $0xF7A, s1;
	s8 =	simm.s32 @!p0 $0x1BF5;
	p2 =	por !p2, p0  }
0x20: {  	[sflag:s8] =	ssyncset.s32 @!p0 $0xFFFFF086;
	s6 =	sadd.s32 @!p0 s3, s7;
	s7 =	simm.s32 @!p0 $0x108  }
0x21: {  	s3 =	sadd.s32 s3, s9;
	s6 =	sadd.s32 @!p0 $0x88, s6;
	s7 =	simm.s32 @p2 $0x1082  }
0x22: {  	[simem:s7], [sflag:s8] =	dma.local @!p0 [hbm:s6], $0xF7A  }
0x23: {  	s9 =	sor.u32 $0xD0000000, s2;
	s6 =	simm.s32 $0x108;
	_ =	swait.ge @!p0 [sflag:s8], $0x0  }
0x24: {  	s3 =	sadd.s32 $0x88, s3;
	s6 =	simm.s32 @!p1 $0x1082;
	[sflag:s4] =	ssyncset.s32 $0xFFFFF086  }
0x25: {  	[simem:s6], [sflag:s4] =	dma.local [hbm:s3], $0xF7A  }
0x26: {  	[smem:$0x3F91] =	sst s1;
	(tag) =	ssettag s2;
	_ =	strace s9  }
0x27: {  	s1 =	sld [smem:$0x3FA1]  }
0x28: {  	s2 =	sld [smem:$0x3FA2]  }
0x29: {  	s4 =	sld [smem:$0x3FA4]  }
0x2a: {  	p0 =	seq.s32 s5, $0x0;
	s5 =	sld [smem:$0x3FA5]  }
0x2b: {  	s6 =	sld [smem:$0x3FA6]  }
0x2c: {  	s7 =	sld [smem:$0x3FA7]  }
0x2d: {  	s3 =	simm.s32 $0x108;
	s8 =	sld [smem:$0x3FA8]  }
0x2e: {  	s3 =	simm.s32 @!p0 $0x1082;
	s9 =	sld [smem:$0x3FA9]  }
0x2f: {  	lr =	sadd.s32 s0, s3;
	s0 =	sld [smem:$0x3FA0]  }
0x30: {  	s3 =	sld [smem:$0x3FA3]  }
0x31: {  	[smem:$0x3FAC] =	sst s10  }
0x32: {  	s10 =	sld [smem:$0x3FAA];
	_ =	sdelay $0x3  }
0x33: {  	p0 =	seq.s32 s10, $0x1;
	s10 =	sld [smem:$0x3FAC];
	_ =	sdelay $0x3  }
0x34: {  	[smem:$0x3FAC] =	sst s10  }
0x35: {  	s10 =	sld [smem:$0x3FAB];
	_ =	sdelay $0x3  }
0x36: {  	p1 =	seq.s32 s10, $0x1;
	s10 =	sld [smem:$0x3FAC];
	_ =	sdelay $0x3  }
0x37: {  	[smem:$0x3FAC] =	sst s10  }
0x38: {  	s10 =	sld [smem:$0x3FAD]  }
0x39: {  	_ = 	snop;
	(pc) =	sbr.ind lr, $3  }
0x3a: {  	_ = 	snop  }
0x3b: {  	_ = 	snop  }
0x3c: {  	p2 =	seq.s32 s10, $0x1;
	s10 =	sld [smem:$0x3FAC]  }
0x3d: {  	_ =	shalt  }
0x3e: {  	_ =	shalt  }
0x3f: {  	_ =	shalt  }
0x40: {  	_ =	shalt  }
0x41: {  	_ =	shalt  }
0x42: {  	_ =	shalt  }
0x43: {  	_ =	shalt  }
0x44: {  	_ =	shalt  }
0x45: {  	_ =	shalt  }
0x46: {  	_ =	shalt  }
0x47: {  	_ =	shalt  }
0x48: {  	_ =	shalt  }
0x49: {  	_ =	shalt  }
0x4a: {  	_ =	shalt  }
0x4b: {  	_ =	shalt  }
0x4c: {  	_ =	shalt  }
0x4d: {  	_ =	shalt  }
0x4e: {  	_ =	shalt  }
0x4f: {  	_ =	shalt  }
0x50: {  	_ =	shalt  }
0x51: {  	_ =	shalt  }
0x52: {  	_ =	shalt  }
0x53: {  	_ =	shalt  }
0x54: {  	_ =	shalt  }
0x55: {  	_ =	shalt  }
0x56: {  	_ =	shalt  }
0x57: {  	_ =	shalt  }
0x58: {  	_ =	shalt  }
0x59: {  	_ =	shalt  }
0x5a: {  	_ =	shalt  }
0x5b: {  	_ =	shalt  }
0x5c: {  	_ =	shalt  }
0x5d: {  	_ =	shalt  }
0x5e: {  	_ =	shalt  }
0x5f: {  	_ =	shalt  }
0x60: {  	_ =	shalt  }
0x61: {  	_ =	shalt  }
0x62: {  	_ =	shalt  }
0x63: {  	_ =	shalt  }
0x64: {  	_ =	shalt  }
0x65: {  	_ =	shalt  }
0x66: {  	_ =	shalt  }
0x67: {  	_ =	shalt  }
0x68: {  	_ =	shalt  }
0x69: {  	_ =	shalt  }
0x6a: {  	_ =	shalt  }
0x6b: {  	_ =	shalt  }
0x6c: {  	_ =	shalt  }
0x6d: {  	_ =	shalt  }
0x6e: {  	_ =	shalt  }
0x6f: {  	_ =	shalt  }
0x70: {  	_ =	shalt  }
0x71: {  	_ =	shalt  }
0x72: {  	_ =	shalt  }
0x73: {  	_ =	shalt  }
0x74: {  	_ =	shalt  }
0x75: {  	_ =	shalt  }
0x76: {  	_ =	shalt  }
0x77: {  	_ =	shalt  }
0x78: {  	_ =	shalt  }
0x79: {  	_ =	shalt  }
0x7a: {  	_ =	shalt  }
0x7b: {  	_ =	shalt  }
0x7c: {  	_ =	shalt  }
0x7d: {  	_ =	shalt  }
0x7e: {  	_ =	shalt  }
0x7f: {  	_ =	shalt  }
0x80: {  	_ =	shalt  }
0x81: {  	_ =	shalt  }
0x82: {  	_ =	shalt  }
0x83: {  	_ =	shalt  }
0x84: {  	_ =	shalt  }
0x85: {  	_ =	shalt  }
0x86: {  	_ =	shalt  }
0x87: {  	_ =	shalt  }
.Lfunc_end0:
.L_simem_size_0:
called_computation.3_lowered:
.L_overlay_start_0:
0x88: {  	s2 =	sld [smem:$0x3FD9]  }
0x89: {  	s3 =	sld [smem:$0x3FFE];
	_ =	sdelay $0x1  }
0x8a: {  	s1 =	srdreg.scid  }
0x8b: {  	s0 =	sand.u32 $0x1, s1  }
0x8c: {  	s16 =	sshll.u32 s0, $0xA;
	s2 =	sadd.s32 s3, s2  }
0x8d: {  	s2 =	sadd.s32 s2, s16  }
0x8e: {  	[smem:$0x3FB8] =	sst s2  }
0x8f: {  	_ = 	snop  }
0x90: {  	(tm) =	ssettm $0x1  }
0x91: {  	s17 =	sld [smem:$0x3FFB];
	_ =	sdelay $0x3  }
0x92: {  	_ =	strace s17  }
0x93: {  	s2 =	sld [smem:$0x3FFC];
	_ =	sdelay $0x3  }
0x94: {  	_ =	strace s2  }
0x95: {  	s2 =	sld [smem:$0x3FFD];
	_ =	sdelay $0x3  }
0x96: {  	_ =	strace s2  }
0x97: {  	_ =	strace $0x8FFFFFFF  }
0x98: {  	s18 =	sld [smem:$0x3FDB];
	_ =	sdelay $0x1  }
0x99: {  	s19 =	simm.s32 $_scs_section_size  }
0x9a: {  	s4 =	simm.s32 $_size__tile_overlayer_lowered;
	s5 =	simm.s32 $_tile_overlayer_lowered  }
0x9b: {  	s22 =	simm.s32 $0x1BFF;
	s21 =	sshll.u32 s5, $0x1;
	s2 =	sadd.s32 s19, s18  }
0x9c: {  	s6 =	simm.s32 $0x0;
	s20 =	sshll.u32 s4, $0x1;
	s4 =	sadd.s32 s21, s2  }
0x9d: {  	[timem:s6], [sflag:s22] =	dma.local [hbm:s4], s20  }
0x9e: {  	_ =	swait.ge [sflag:s22], s20  }
0x9f: {  	s3 =	ssub.s32 $0x0, s20;
	[sflag:s22] =	ssyncset.done $0x0  }
0xa0: {  	[sflag:s22] =	ssyncadd.s32 s3;
	_ =	sdelay $0x1  }
0xa1: {  	s23 =	simm.s32 $0x1B8B  }
0xa2: {  	_ =	swait.ge [sflag:s23], $0x1  }
0xa3: {  	[sflag:s23] =	ssyncset.done $0x0  }
0xa4: {  	s25 =	simm.s32 $0x1B8E;
	s24 =	sld [smem:$0x3FFE];
	[sflag:s23] =	ssyncadd.s32 $0xFFFFFFFF  }
0xa5: {  	s26 =	simm.s32 $execute0_lowered;
	[smem:$0x3FD2] =	sst s25  }
0xa6: {  	s4 =	sshll.u32 s26, $0x1;
	_ =	strace $0x8000004F;
	[dreg:$0x1] =	wrdreg $0xFFFFFFFF  }
0xa7: {  	s28 =	simm.s32 $_size_execute0_lowered;
	s2 =	sadd.s32 s2, s4;
	[dreg:$0x0] =	wrdreg $0x0  }
0xa8: {  	s4 =	sshll.u32 s28, $0x1;
	[dreg:$0x2] =	wrdreg s2  }
0xa9: {  	[dreg:$0x3] =	wrdreg s4  }
0xaa: {  	[dreg:$0x4] =	wrdreg $0xC0  }
0xab: {  	_ =	task [dreg:s6], $0x5FFFF  }
0xac: {  	[dreg:$0x1] =	wrdreg $0xFFFFFFFF  }
0xad: {  	[dreg:$0x0] =	wrdreg $0x60  }
0xae: {  	[dreg:$0x2] =	wrdreg s24  }
0xaf: {  	[dreg:$0x3] =	wrdreg $0x9  }
0xb0: {  	_ =	task.clear_ibuf [dreg:s6], $0x4FFFF;
	_ =	strace $0x9000004F  }
0xb1: {  	s29 =	simm.s32 $0x9;
	_ =	strace $0x80000051  }
0xb2: {  	_ =	swait.ge [sflag:s29], $0x1  }
0xb3: {  	[sflag:s29] =	ssyncadd.s32 $0xFFFFFFFF  }
0xb4: {  	_ =	strace $0x90000051  }
0xb5: {  	_ =	sfence  }
0xb6: {  	s30 =	sld [smem:$0x0];
	_ =	sdelay $0x2  }
0xb7: {  	s31 =	sshll.u32 s1, $0xD;
	s1 =	sshrl.u32 s1, $0x2  }
0xb8: {  	s3 =	sand.u32 $0x4000, s31;
	s1 =	sadd.s32 s1, s30  }
0xb9: {  	s0 =	sor.u32 s3, s0;
	s1 =	sshll.u32 s1, $0x11  }
0xba: {  	s0 =	sor.u32 s1, s0  }
0xbb: {  	s0 =	sadd.s32 $0x8F2B, s0  }
0xbc: {  	[sflag:s0] =	ssyncadd.remote.s32 $0x1  }
0xbd: {  	_ =	sfence.sel $0xFFFF  }
0xbe: {  	[dreg:$0x0] =	wrdreg $0xFFFFFFFF;
	(pc) =	sbr.abs _section_cstart, $3  }
0xbf: {  	[dreg:$0x1] =	wrdreg $0xFFFFFFFF  }
0xc0: {  	_ =	task.clear_ibuf [dreg:s6], $0x2FFFF;
	_ =	strace $0x9FFFFFFF  }
0xc1: {  	(tm) =	ssettm $0x7FFFFFFF  }
tec
execute0_lowered:
.L_overlay_start_1:
0x0: {  	(tag) =	ssettag $0x1  }
0x1: {  	s8 =	rddreg [dreg:$0x0]  }
0x2: {  	s0 =	rddreg [dreg:$0x1];
	s2 =	simm.s32 $0x0  }
0x3: {  	s3 =	srdreg.scid;
	s1 =	stileid.u32;
	s13 =	simm.s32 $0xC400  }
0x4: {  	s14 =	simm.s32 $0xD800;
	s15 =	simm.s32 $0xEC00;
	s16 =	simm.s32 $0x0  }
0x5: {  	s20 =	simm.s32 $0x0;
	[smem:$0x7FF] =	sst s2;
	s5 =	sand.u32 $0x1, s3  }
0x6: {  	s4 =	sshll.u32 s1, $0x1;
	s3 =	sadd.s32 $0x3E00, s8;
	s6 =	sadd.s32 $0x482E00, s8  }
0x7: {  	s7 =	sadd.s32 $0x10400, s8;
	s9 =	sor.u32 s5, s4;
	s11 =	ssub.s32 $0x2, s5  }
0x8: {  	_ =	strace $0x80000050;
	s10 =	smul.u32 $0x18A0, s9;
	s12 =	sshrl.u32 s11, $0x1  }
0x9: {  	s4 =	sadd.s32 $0x450E00, s8;
	s5 =	sadd.s32 $0x41EE00, s8;
	s11 =	ssub.s32 s11, s12  }
0xa: {  	s12 =	simm.s32 $0x10000;
	s10 =	sadd.s32 s10, s8;
	s8 =	smul.u32 $0xC800, s9  }
0xb: {  	s9 =	sadd.s32 $0x11E00, s10;
	s10 =	smax.u32 s11, $0x1;
	s11 =	simm.s32 $0x1  }
.LBB2_1:
0xc: {  	[tilespmem:s2], [sflag:$0x1] =	stream.linear.gather [hbm4b:s3+s2], $0xC400, $0x38;
	[tilespmem:$0x1C500] =	vst v63  }
0xd: {  	_ =	swait.ge [sflag:s11], $0xC400  }
0xe: {  	[sflag:s11] =	ssyncset.done $0x0  }
0xf: {  	[sflag:s11] =	ssyncadd.s32 $0xFFFF3C00  }
0x10: {  	[tilespmem:s12], [sflag:$0x1] =	stream.linear.gather [hbm4b:s7+s2], $0xC500, $0x38;
	[tilespmem:$0x1C500] =	vst v63  }
0x11: {  	_ =	swait.ge [sflag:s11], $0xC500  }
0x12: {  	[sflag:s11] =	ssyncset.done $0x0  }
0x13: {  	s17 =	simm.s32 $0x0;
	[sflag:s11] =	ssyncadd.s32 $0xFFFF3B00  }
.LBB2_2:
0x14: {  	s18 =	smul.u32 $0x1400, s17;
	_ =	sdelay $0x1  }
0x15: {  	s18 =	sadd.s32 s8, s18  }
0x16: {  	s18 =	sshrl.u32 s18, $0x3  }
0x17: {  	s19 =	sadd.s32 s4, s18  }
0x18: {  	[tilespmem:s13], [sflag:$0x1] =	stream.linear.gather [hbm4b:s19+s20], $0x1400, $0x38;
	[tilespmem:$0x1C500] =	vst v63  }
0x19: {  	_ =	swait.ge [sflag:s11], $0x1400  }
0x1a: {  	[sflag:s11] =	ssyncset.done $0x0  }
0x1b: {  	s31 =	sadd.s32 s6, s18;
	[sflag:s11] =	ssyncadd.s32 $0xFFFFEC00  }
0x1c: {  	[tilespmem:s14], [sflag:$0x1] =	stream.linear.gather [hbm4b:s31+s20], $0x1400, $0x38;
	[tilespmem:$0x1C500] =	vst v63  }
0x1d: {  	_ =	swait.ge [sflag:s11], $0x1400  }
0x1e: {  	[sflag:s11] =	ssyncset.done $0x0  }
0x1f: {  	s18 =	sadd.s32 s5, s18;
	[sflag:s11] =	ssyncadd.s32 $0xFFFFEC00  }
0x20: {  	[tilespmem:s15], [sflag:$0x1] =	stream.linear.gather [hbm4b:s18+s20], $0x1400, $0x38;
	[tilespmem:$0x1C500] =	vst v63  }
0x21: {  	_ =	swait.ge [sflag:s11], $0x1400  }
0x22: {  	[sflag:s11] =	ssyncset.done $0x0  }
0x23: {  	s19 =	simm.s32 $0x0;
	s18 =	simm.s32 $0x40;
	[sflag:s11] =	ssyncadd.s32 $0xFFFFEC00  }
.LBB2_3:
0x24: {  	p0 =	sne.s32 s18, $0x4FC0;
	v0 =	vld [tilespmem:s19+$0xC400];
	_ =	sdelay $0x6  }
0x25: {  	v1 =	vld [tilespmem:s19+$0xD800]  }
0x26: {  	v0 =	vld.idx.msk [tilespmem:v0+s2+$0x0], $0xffff  }
0x27: {  	v2 =	vld [tilespmem:s19+$0xEC00];
	_ =	sdelay $0x2  }
.Ltmp0:
0x28: {  	(pc) =	sbr.rel @p0 .LBB2_3-.Ltmp0, $3  }
0x29: {  	_ = 	snop  }
0x2a: {  	v0 =	vmul.f32 v2, v0;
	_ =	sdelay $0x1  }
0x2b: {  	s19 =	sshra.s32 s18, $0x2;
	s18 =	sadd.s32 $0x40, s18;
	[tilespmem:v1+s12+$0x0] =	vst.idx.add.f32.msk $0xffff, v0  }
0x2c: {  	v0 =	vld [tilespmem:s19+$0xC400];
	_ =	sdelay $0x5  }
0x2d: {  	v1 =	vld [tilespmem:s19+$0xD800]  }
0x2e: {  	v2 =	vld [tilespmem:s19+$0xEC00]  }
0x2f: {  	v0 =	vld.idx.msk [tilespmem:v0+s2+$0x0], $0xffff  }
0x30: {  	s17 =	sadd.s32 $0x1, s17  }
0x31: {  	p0 =	sne.s32 s17, $0xA  }
.Ltmp1:
0x32: {  	_ = 	snop;
	(pc) =	sbr.rel @p0 .LBB2_2-.Ltmp1, $3  }
0x33: {  	_ = 	snop  }
0x34: {  	v0 =	vmul.f32 v2, v0;
	_ =	sdelay $0x1  }
0x35: {  	[tilespmem:v1+s12+$0x0] =	vst.idx.add.f32.msk $0xffff, v0  }
0x36: {  	s16 =	sadd.s32 $0x1, s16  }
0x37: {  	p0 =	sne.s32 s16, s10  }
.Ltmp2:
0x38: {  	_ = 	snop;
	(pc) =	sbr.rel @p0 .LBB2_1-.Ltmp2, $4  }
0x39: {  	[hbm4b:s9+s2] =	stream.linear.scatter [tilespmem:s12], [sflag:$0x1], $0xC500, $0x38;
	[tilespmem:$0x1C500] =	vst v63  }
0x3a: {  	_ =	swait.ge [sflag:s11], $0xC500  }
0x3b: {  	[sflag:s11] =	ssyncset.done $0x0  }
0x3c: {  	[sflag:s11] =	ssyncadd.s32 $0xFFFF3B00  }
0x3d: {  	_ =	sfence.sel $0x180000  }
0x3e: {  	[bflag:$0x0] =	sbarrier.arrive $0xFFFF  }
0x3f: {  	p0 =	sne.s32 s1, $0x0;
	_ =	strace $0x90000050  }
0x40: {  	s0 =	sadd.s32 @!p0 $0x100000, s0;
	[bflag:$0x2] =	sbarrier.arrive $0xFFFF  }
0x41: {  	[sflag:s0] =	ssyncadd.tile.s32 @!p0 $0x1;
	_ =	shalt  }
.Lfunc_end2:
_tile_overlayer_lowered:
.L_overlay_start_2:
0x42: {  	(tag) =	ssettag $0x2  }
0x43: {  	s0 =	rddreg [dreg:$0x0];
	s2 =	stileid.u32  }
0x44: {  	s1 =	rddreg [dreg:$0x1];
	p0 =	sne.s32 s2, $0x0  }
0x45: {  	s3 =	rddreg [dreg:$0x2];
	[bflag:$0x3] =	sbarrier.arrive $0xFFFF;
	s2 =	simm.s32 @!p0 $0x1C01  }
0x46: {  	[timem:s3], [sflag:s2] =	dma.local @!p0 [hbm:s0], s1  }
0x47: {  	s0 =	simm.s32 @!p0 $0x1  }
0x48: {  	_ =	swait.ge @!p0 [sflag:s0], s1  }
0x49: {  	s1 =	ssub.s32 @!p0 $0x0, s1;
	[sflag:s0] =	ssyncset.done @!p0 $0x0  }
0x4a: {  	[sflag:s0] =	ssyncadd.s32 @!p0 s1  }
0x4b: {  	[bflag:$0x3] =	sbarrier.arrive $0xFFFF  }
0x4c: {  	_ =	shalt  }

</sc_bundles>
